<compile_context>
chip_gen: v7x
topology: tpu7x:2x2x1
jax: 0.10.2.dev20260603
libtpu: 0.0.44.dev20260713+nightly
codegen_flags: <defaults>
</compile_context>

<pallas_src>
import functools

import jax
import jax.numpy as jnp
from jax import lax
from jax.experimental import pallas as pl
from jax.experimental.pallas import tpu as pltpu
from jax.experimental.pallas import tpu_sc as plsc

_V = 1000000
_D = 20
_DP = 32
_B = 16384
_P = 30
_N = _B * _P

_NC, _NS = 2, 16
_NW = _NC * _NS

_INV15 = -286331153

_mesh = plsc.VectorSubcoreMesh(core_axis_name="c", subcore_axis_name="s")
_CP = pltpu.CompilerParams(use_tc_tiling_on_sc=False, needs_layout_passes=False)

_B_ROWS = _B // _NW
_B_RW = 32
_B_CI = _B_RW * _P
_B_NCH = _B_ROWS // _B_RW


@functools.partial(
    pl.kernel,
    mesh=_mesh,
    out_type=jax.ShapeDtypeStruct((_B, _P, _D), jnp.float32),
    scratch_types=[
        pltpu.VMEM((_B_ROWS, _P), jnp.int32),
        pltpu.VMEM((_B_CI,), jnp.int32),
        pltpu.VMEM((_B_CI,), jnp.int32),
        pltpu.VMEM((_B_CI, _DP), jnp.float32),
        pltpu.VMEM((_B_CI, _DP), jnp.float32),
        pltpu.VMEM((_B_RW, _P, _D), jnp.float32),
        pltpu.VMEM((_B_RW, _P, _D), jnp.float32),
        pltpu.SemaphoreType.DMA,
        pltpu.SemaphoreType.DMA,
        pltpu.SemaphoreType.DMA,
        pltpu.SemaphoreType.DMA,
    ],
    compiler_params=_CP,
)
def _gather(
    table_hbm, x_hbm, out_hbm,
    xv, ci0, ci1, r320, r321, b30, b31,
    g0, g1, w0, w1,
):
    wid = lax.axis_index("s") * _NC + lax.axis_index("c")
    pltpu.sync_copy(x_hbm.at[pl.ds(wid * _B_ROWS, _B_ROWS)], xv)

    i16 = lax.iota(jnp.int32, 16)
    tail_cols = i16 + 16
    tail_mask = i16 < (_D - 16)

    def flatten(c, ci):
        rb = c * _B_RW

        def fstep(k, carry):
            o = i16 + 16 * k
            m = o % 30
            rl = ((o - m) >> 1) * _INV15
            ci[pl.ds(16 * k, 16)] = plsc.load_gather(xv, [rl + rb, m])
            return carry

        lax.fori_loop(0, _B_CI // 16, fstep, 0)

    def compact(b32, b3):
        def brstep(br, carry):
            def pstep(p, carry2):
                r = br * _P + p
                b3[br, p, pl.ds(0, 16)] = b32[r, pl.ds(0, 16)]
                v1 = b32[r, pl.ds(16, 16)]
                plsc.store_scatter(
                    b3, [br + 0 * i16, p + 0 * i16, tail_cols], v1, mask=tail_mask
                )
                return carry2

            lax.fori_loop(0, _P, pstep, carry)
            return carry

        lax.fori_loop(0, _B_RW, brstep, 0)

    cis = (ci0, ci1)
    b32s = (r320, r321)
    b3s = (b30, b31)
    gsems = (g0, g1)
    wsems = (w0, w1)
    g = [None, None]
    wb = [None, None]
    for c in range(_B_NCH + 1):
        b = c % 2
        if c < _B_NCH:
            flatten(c, cis[b])
            g[b] = pltpu.async_copy(table_hbm.at[cis[b]], b32s[b], gsems[b])
        if c >= 1:
            pb = 1 - b
            g[pb].wait()
            if c >= 3:
                wb[pb].wait()
            compact(b32s[pb], b3s[pb])
            wb[pb] = pltpu.async_copy(
                b3s[pb],
                out_hbm.at[pl.ds(wid * _B_ROWS + (c - 1) * _B_RW, _B_RW)],
                wsems[pb],
            )
    wb[(_B_NCH - 1) % 2].wait()
    wb[_B_NCH % 2].wait()


def kernel(x, table):
    table32 = jnp.pad(table, ((0, 0), (0, _DP - _D)))
    return _gather(table32, x.astype(jnp.int32))

# --- scband reference (transcript-rebuilt; emitter-appended) ---
"""Pipeline reference for scband-embedding-8383776162464 (READ-ONLY COPY).

The authoritative reference and input builder live on the scoring server;
editing this copy changes nothing except your own understanding.
"""

import jax, jax.numpy as jnp
import numpy as np

VOCAB = 1000000
D_MODEL = 20
PAD = 4
PADDING_SIZE = 30
BATCH = 16384


def setup_inputs(seed: int = 0) -> dict:
    key = jax.random.key(seed)
    k1, k2 = jax.random.split(key)
    # indices already fixed-length PADDING_SIZE, so the module's python-list
    # pad/truncate loop is a no-op for this input
    x = jax.random.randint(k1, (BATCH, PADDING_SIZE), 0, VOCAB)
    # embedding table; padding_idx row initialized to zero (matches nn.Embedding)
    table = jax.random.normal(k2, (VOCAB, D_MODEL), dtype=jnp.float32)
    table = table.at[PAD].set(0.0)
    return {"x": x, "table": table}


def reference(x, table):
    # faithful translation: pad/truncate loop is identity for fixed [B, 30] input,
    # then embedding lookup with padding_idx=PAD (row is zero; mask keeps grads
    # semantics identical to torch padding_idx behavior)
    emb = jnp.take(table, x, axis=0)
    mask = (x != PAD)[..., None].astype(emb.dtype)
    return emb * mask

if __name__ == "__main__":
    import jax
    _d = setup_inputs()
    print(jax.jit(kernel)(*tuple(_d.values())))

</pallas_src>

<mosaic_0001>
#map = affine_map<(d0, d1) -> (0, 0)>
#map1 = affine_map<(d0, d1) -> (0, 0, 0)>
module attributes {stable_mosaic.version = 14 : i64} {
  func.func @_gather(%arg0: i32, %arg1: i32, %arg2: memref<1000000x32xf32, #tpu.memory_space<hbm>>, %arg3: memref<16384x30xi32, #tpu.memory_space<hbm>>, %arg4: memref<16384x30x20xf32, #tpu.memory_space<hbm>>, %arg5: memref<512x30xi32, #tpu.memory_space<vmem>>, %arg6: memref<960xi32, #tpu.memory_space<vmem>>, %arg7: memref<960xi32, #tpu.memory_space<vmem>>, %arg8: memref<960x32xf32, #tpu.memory_space<vmem>>, %arg9: memref<960x32xf32, #tpu.memory_space<vmem>>, %arg10: memref<32x30x20xf32, #tpu.memory_space<vmem>>, %arg11: memref<32x30x20xf32, #tpu.memory_space<vmem>>, %arg12: memref<!tpu.dma_semaphore, #tpu.memory_space<semaphore_mem>>, %arg13: memref<!tpu.dma_semaphore, #tpu.memory_space<semaphore_mem>>, %arg14: memref<!tpu.dma_semaphore, #tpu.memory_space<semaphore_mem>>, %arg15: memref<!tpu.dma_semaphore, #tpu.memory_space<semaphore_mem>>) attributes {dimension_semantics = [#tpu.dimension_semantics<core_parallel>, #tpu.dimension_semantics<subcore_parallel>], iteration_bounds = array<i64: 2, 16>, scalar_prefetch = 0 : i64, scratch_operands = 11 : i64, tpu.core_type = #tpu.core_type<sc_vector_subcore>, window_params = [{transform_indices = #map}, {transform_indices = #map}, {transform_indices = #map1}]} {
    %mul3A = arith.constant 2 : i32
    %mul3A_0 = arith.muli %arg1, %mul3A : i32
    %add3A = arith.addi %mul3A_0, %arg0 : i32
    %mul3A_1 = arith.constant 512 : i32
    %mul3A_2 = arith.muli %add3A, %mul3A_1 : i32
    "tpu.region"() ({
      %run_scoped3A = tpu.sem_alloc : memref<!tpu.dma_semaphore, #tpu.memory_space<semaphore_mem>>
      %dma_start3A_549 = arith.constant 0 : i32
      %dma_start3A_550 = tpu.memref_slice %arg3[%mul3A_2, %dma_start3A_549] : memref<16384x30xi32, #tpu.memory_space<hbm>> -> memref<512x30xi32, #tpu.memory_space<hbm>>
      %dma_start3A_551 = arith.constant 0 : i32
      %dma_start3A_552 = tpu.memref_slice %arg3[%mul3A_2, %dma_start3A_551] : memref<16384x30xi32, #tpu.memory_space<hbm>> -> memref<512x30xi32, #tpu.memory_space<hbm>>
      tpu.enqueue_dma source(%dma_start3A_552 : memref<512x30xi32, #tpu.memory_space<hbm>>) target(%arg5 : memref<512x30xi32, #tpu.memory_space<vmem>>) target_semaphore(%run_scoped3A : memref<!tpu.dma_semaphore, #tpu.memory_space<semaphore_mem>>)
      %dma_wait3A_553 = arith.constant 0 : i32
      %dma_wait3A_554 = tpu.memref_slice %arg3[%mul3A_2, %dma_wait3A_553] : memref<16384x30xi32, #tpu.memory_space<hbm>> -> memref<512x30xi32, #tpu.memory_space<hbm>>
      %dma_wait3A_555 = arith.constant 0 : i32
      %dma_wait3A_556 = tpu.memref_slice %arg3[%mul3A_2, %dma_wait3A_555] : memref<16384x30xi32, #tpu.memory_space<hbm>> -> memref<512x30xi32, #tpu.memory_space<hbm>>
      tpu.wait_dma2 semaphore(%run_scoped3A : memref<!tpu.dma_semaphore, #tpu.memory_space<semaphore_mem>>) src(%dma_wait3A_556 : memref<512x30xi32, #tpu.memory_space<hbm>>) dst(%arg5 : memref<512x30xi32, #tpu.memory_space<vmem>>)
      tpu.yield
    }) : () -> ()
    %iota3A = tpu.iota {dimensions = array<i32: 0>} : vector<16xi32>
    %add3A_3 = arith.constant 16 : i32
    %add3A_4 = vector.broadcast %add3A_3 : i32 to vector<16xi32>
    %add3A_5 = arith.addi %iota3A, %add3A_4 : vector<16xi32>
    %lt3A = arith.constant 4 : i32
    %lt3A_6 = vector.broadcast %lt3A : i32 to vector<16xi32>
    %lt3A_7 = arith.cmpi slt, %iota3A, %lt3A_6 : vector<16xi32>
    %scan3A = arith.constant 0 : i32
    %scan3A_8 = arith.constant 0 : i32
    %scan3A_9 = arith.constant 60 : i32
    %scan3A_10 = arith.addi %scan3A_8, %scan3A_9 : i32
    %scan3A_11 = arith.constant 1 : i32
    scf.for %scan3A_549 = %scan3A_8 to %scan3A_10 step %scan3A_11  : i32 {
      %mul3A_550 = arith.constant 16 : i32
      %mul3A_551 = arith.muli %mul3A_550, %scan3A_549 : i32
      %add3A_552 = vector.broadcast %mul3A_551 : i32 to vector<16xi32>
      %add3A_553 = arith.addi %iota3A, %add3A_552 : vector<16xi32>
      %jit3A = arith.constant 30 : i32
      %eq3A = arith.constant 0 : i32
      %eq3A_554 = arith.cmpi eq, %jit3A, %eq3A : i32
      %jit3A_555 = arith.constant 1 : i32
      %select_n3A = arith.select %eq3A_554, %jit3A_555, %jit3A : i32
      %rem3A = vector.broadcast %select_n3A : i32 to vector<16xi32>
      %rem3A_556 = arith.remsi %add3A_553, %rem3A : vector<16xi32>
      %ne3A = arith.constant 0 : i32
      %ne3A_557 = vector.broadcast %ne3A : i32 to vector<16xi32>
      %ne3A_558 = arith.cmpi ne, %rem3A_556, %ne3A_557 : vector<16xi32>
      %lt3A_559 = arith.constant 0 : i32
      %lt3A_560 = vector.broadcast %lt3A_559 : i32 to vector<16xi32>
      %lt3A_561 = arith.cmpi slt, %rem3A_556, %lt3A_560 : vector<16xi32>
      %lt3A_562 = arith.constant 0 : i32
      %lt3A_563 = arith.cmpi slt, %select_n3A, %lt3A_562 : i32
      %ne3A_564 = vector.broadcast %lt3A_563 : i1 to vector<16xi1>
      %ne3A_565 = vector.broadcast %ne3A_564 : vector<16xi1> to vector<16xi1>
      %ne3A_566 = arith.xori %lt3A_561, %ne3A_565 : vector<16xi1>
      %and3A = arith.andi %ne3A_566, %ne3A_558 : vector<16xi1>
      %add3A_567 = vector.broadcast %select_n3A : i32 to vector<16xi32>
      %add3A_568 = arith.addi %rem3A_556, %add3A_567 : vector<16xi32>
      %select_n3A_569 = arith.select %and3A, %add3A_568, %rem3A_556 : vector<16xi1>, vector<16xi32>
      %sub3A = arith.subi %add3A_553, %select_n3A_569 : vector<16xi32>
      %shift_right_arithmetic3A = arith.constant 1 : i32
      %shift_right_arithmetic3A_570 = vector.broadcast %shift_right_arithmetic3A : i32 to vector<16xi32>
      %shift_right_arithmetic3A_571 = arith.shrsi %sub3A, %shift_right_arithmetic3A_570 : vector<16xi32>
      %mul3A_572 = arith.constant -286331153 : i32
      %mul3A_573 = vector.broadcast %mul3A_572 : i32 to vector<16xi32>
      %mul3A_574 = arith.muli %shift_right_arithmetic3A_571, %mul3A_573 : vector<16xi32>
      %add3A_575 = arith.constant 0 : i32
      %add3A_576 = vector.broadcast %add3A_575 : i32 to vector<16xi32>
      %add3A_577 = arith.addi %mul3A_574, %add3A_576 : vector<16xi32>
      %gather3A = tpu.vector_load_idx %arg5[%add3A_577, %select_n3A_569] : memref<512x30xi32, #tpu.memory_space<vmem>>[vector<16xi32>, vector<16xi32>], vector<16xi32>,
      %mul3A_578 = arith.constant 16 : i32
      %mul3A_579 = arith.muli %mul3A_578, %scan3A_549 : i32
      %swap3A = arith.index_cast %mul3A_579 : i32 to index
      %swap3A_580 = tpu.vector_load %arg6[%swap3A] {strides = array<i32>} : memref<960xi32, #tpu.memory_space<vmem>>, vector<16xi32>,
      tpu.vector_store %arg6[%swap3A], %gather3A {strides = array<i32>} : memref<960xi32, #tpu.memory_space<vmem>>, vector<16xi32>,
    }
    %scan3A_12 = arith.constant 60 : i32
    %dma_start3A = arith.constant 0 : i32
    %dma_start3A_13 = arith.constant 0 : i32
    %dma_start3A_14 = tpu.memref_slice %arg2[%dma_start3A, %dma_start3A_13] : memref<1000000x32xf32, #tpu.memory_space<hbm>> -> memref<1000000x32xf32, #tpu.memory_space<hbm>>
    tpu.enqueue_indirect_dma source(%dma_start3A_14 : memref<1000000x32xf32, #tpu.memory_space<hbm>>) target(%arg8 : memref<960x32xf32, #tpu.memory_space<vmem>>) offsets(%arg6 : memref<960xi32, #tpu.memory_space<vmem>>) semaphore(%arg12 : memref<!tpu.dma_semaphore, #tpu.memory_space<semaphore_mem>>)
    %scan3A_15 = arith.constant 0 : i32
    %scan3A_16 = arith.constant 0 : i32
    %scan3A_17 = arith.constant 60 : i32
    %scan3A_18 = arith.addi %scan3A_16, %scan3A_17 : i32
    %scan3A_19 = arith.constant 1 : i32
    scf.for %scan3A_549 = %scan3A_16 to %scan3A_18 step %scan3A_19  : i32 {
      %mul3A_550 = arith.constant 16 : i32
      %mul3A_551 = arith.muli %mul3A_550, %scan3A_549 : i32
      %add3A_552 = vector.broadcast %mul3A_551 : i32 to vector<16xi32>
      %add3A_553 = arith.addi %iota3A, %add3A_552 : vector<16xi32>
      %jit3A = arith.constant 30 : i32
      %eq3A = arith.constant 0 : i32
      %eq3A_554 = arith.cmpi eq, %jit3A, %eq3A : i32
      %jit3A_555 = arith.constant 1 : i32
      %select_n3A = arith.select %eq3A_554, %jit3A_555, %jit3A : i32
      %rem3A = vector.broadcast %select_n3A : i32 to vector<16xi32>
      %rem3A_556 = arith.remsi %add3A_553, %rem3A : vector<16xi32>
      %ne3A = arith.constant 0 : i32
      %ne3A_557 = vector.broadcast %ne3A : i32 to vector<16xi32>
      %ne3A_558 = arith.cmpi ne, %rem3A_556, %ne3A_557 : vector<16xi32>
      %lt3A_559 = arith.constant 0 : i32
      %lt3A_560 = vector.broadcast %lt3A_559 : i32 to vector<16xi32>
      %lt3A_561 = arith.cmpi slt, %rem3A_556, %lt3A_560 : vector<16xi32>
      %lt3A_562 = arith.constant 0 : i32
      %lt3A_563 = arith.cmpi slt, %select_n3A, %lt3A_562 : i32
      %ne3A_564 = vector.broadcast %lt3A_563 : i1 to vector<16xi1>
      %ne3A_565 = vector.broadcast %ne3A_564 : vector<16xi1> to vector<16xi1>
      %ne3A_566 = arith.xori %lt3A_561, %ne3A_565 : vector<16xi1>
      %and3A = arith.andi %ne3A_566, %ne3A_558 : vector<16xi1>
      %add3A_567 = vector.broadcast %select_n3A : i32 to vector<16xi32>
      %add3A_568 = arith.addi %rem3A_556, %add3A_567 : vector<16xi32>
      %select_n3A_569 = arith.select %and3A, %add3A_568, %rem3A_556 : vector<16xi1>, vector<16xi32>
      %sub3A = arith.subi %add3A_553, %select_n3A_569 : vector<16xi32>
      %shift_right_arithmetic3A = arith.constant 1 : i32
      %shift_right_arithmetic3A_570 = vector.broadcast %shift_right_arithmetic3A : i32 to vector<16xi32>
      %shift_right_arithmetic3A_571 = arith.shrsi %sub3A, %shift_right_arithmetic3A_570 : vector<16xi32>
      %mul3A_572 = arith.constant -286331153 : i32
      %mul3A_573 = vector.broadcast %mul3A_572 : i32 to vector<16xi32>
      %mul3A_574 = arith.muli %shift_right_arithmetic3A_571, %mul3A_573 : vector<16xi32>
      %add3A_575 = arith.constant 32 : i32
      %add3A_576 = vector.broadcast %add3A_575 : i32 to vector<16xi32>
      %add3A_577 = arith.addi %mul3A_574, %add3A_576 : vector<16xi32>
      %gather3A = tpu.vector_load_idx %arg5[%add3A_577, %select_n3A_569] : memref<512x30xi32, #tpu.memory_space<vmem>>[vector<16xi32>, vector<16xi32>], vector<16xi32>,
      %mul3A_578 = arith.constant 16 : i32
      %mul3A_579 = arith.muli %mul3A_578, %scan3A_549 : i32
      %swap3A = arith.index_cast %mul3A_579 : i32 to index
      %swap3A_580 = tpu.vector_load %arg7[%swap3A] {strides = array<i32>} : memref<960xi32, #tpu.memory_space<vmem>>, vector<16xi32>,
      tpu.vector_store %arg7[%swap3A], %gather3A {strides = array<i32>} : memref<960xi32, #tpu.memory_space<vmem>>, vector<16xi32>,
    }
    %scan3A_20 = arith.constant 60 : i32
    %dma_start3A_21 = arith.constant 0 : i32
    %dma_start3A_22 = arith.constant 0 : i32
    %dma_start3A_23 = tpu.memref_slice %arg2[%dma_start3A_21, %dma_start3A_22] : memref<1000000x32xf32, #tpu.memory_space<hbm>> -> memref<1000000x32xf32, #tpu.memory_space<hbm>>
    tpu.enqueue_indirect_dma source(%dma_start3A_23 : memref<1000000x32xf32, #tpu.memory_space<hbm>>) target(%arg9 : memref<960x32xf32, #tpu.memory_space<vmem>>) offsets(%arg7 : memref<960xi32, #tpu.memory_space<vmem>>) semaphore(%arg13 : memref<!tpu.dma_semaphore, #tpu.memory_space<semaphore_mem>>)
    %dma_wait3A = arith.constant 0 : i32
    %dma_wait3A_24 = arith.constant 0 : i32
    %dma_wait3A_25 = tpu.memref_slice %arg2[%dma_wait3A, %dma_wait3A_24] : memref<1000000x32xf32, #tpu.memory_space<hbm>> -> memref<1000000x32xf32, #tpu.memory_space<hbm>>
    tpu.wait_indirect_dma semaphore(%arg12 : memref<!tpu.dma_semaphore, #tpu.memory_space<semaphore_mem>>) src(%dma_wait3A_25 : memref<1000000x32xf32, #tpu.memory_space<hbm>>) dst(%arg8 : memref<960x32xf32, #tpu.memory_space<vmem>>)
    %scan3A_26 = arith.constant 0 : i32
    %scan3A_27 = arith.constant 0 : i32
    %scan3A_28 = arith.constant 32 : i32
    %scan3A_29 = arith.addi %scan3A_27, %scan3A_28 : i32
    %scan3A_30 = arith.constant 1 : i32
    scf.for %scan3A_549 = %scan3A_27 to %scan3A_29 step %scan3A_30  : i32 {
      %scan3A_550 = arith.constant 0 : i32
      %scan3A_551 = arith.constant 30 : i32
      %scan3A_552 = arith.addi %scan3A_550, %scan3A_551 : i32
      %scan3A_553 = arith.constant 1 : i32
      scf.for %scan3A_555 = %scan3A_550 to %scan3A_552 step %scan3A_553  : i32 {
        %mul3A_556 = arith.constant 30 : i32
        %mul3A_557 = arith.muli %scan3A_549, %mul3A_556 : i32
        %add3A_558 = arith.addi %mul3A_557, %scan3A_555 : i32
        %get3A = arith.index_cast %add3A_558 : i32 to index
        %get3A_559 = arith.constant 0 : index
        %get3A_560 = tpu.vector_load %arg8[%get3A, %get3A_559] {strides = array<i32>} : memref<960x32xf32, #tpu.memory_space<vmem>>, vector<16xf32>,
        %swap3A = arith.index_cast %scan3A_549 : i32 to index
        %swap3A_561 = arith.index_cast %scan3A_555 : i32 to index
        %swap3A_562 = arith.constant 0 : index
        %swap3A_563 = tpu.vector_load %arg10[%swap3A, %swap3A_561, %swap3A_562] {strides = array<i32>} : memref<32x30x20xf32, #tpu.memory_space<vmem>>, vector<16xf32>,
        tpu.vector_store %arg10[%swap3A, %swap3A_561, %swap3A_562], %get3A_560 {strides = array<i32>} : memref<32x30x20xf32, #tpu.memory_space<vmem>>, vector<16xf32>,
        %get3A_564 = arith.index_cast %add3A_558 : i32 to index
        %get3A_565 = arith.constant 16 : index
        %get3A_566 = tpu.vector_load %arg8[%get3A_564, %get3A_565] {strides = array<i32>} : memref<960x32xf32, #tpu.memory_space<vmem>>, vector<16xf32>,
        %mul3A_567 = arith.constant 0 : i32
        %mul3A_568 = vector.broadcast %mul3A_567 : i32 to vector<16xi32>
        %mul3A_569 = arith.muli %mul3A_568, %iota3A : vector<16xi32>
        %add3A_570 = vector.broadcast %scan3A_549 : i32 to vector<16xi32>
        %add3A_571 = arith.addi %add3A_570, %mul3A_569 : vector<16xi32>
        %mul3A_572 = arith.constant 0 : i32
        %mul3A_573 = vector.broadcast %mul3A_572 : i32 to vector<16xi32>
        %mul3A_574 = arith.muli %mul3A_573, %iota3A : vector<16xi32>
        %add3A_575 = vector.broadcast %scan3A_555 : i32 to vector<16xi32>
        %add3A_576 = arith.addi %add3A_575, %mul3A_574 : vector<16xi32>
        tpu.vector_store_idx %arg10[%add3A_571, %add3A_576, %add3A_5], %get3A_566 masked %lt3A_7 : memref<32x30x20xf32, #tpu.memory_space<vmem>>[vector<16xi32>, vector<16xi32>, vector<16xi32>], vector<16xf32>, vector<16xi1>
      }
      %scan3A_554 = arith.constant 30 : i32
    }
    %scan3A_31 = arith.constant 32 : i32
    %mul3A_32 = arith.constant 512 : i32
    %mul3A_33 = arith.muli %add3A, %mul3A_32 : i32
    %add3A_34 = arith.constant 0 : i32
    %add3A_35 = arith.addi %mul3A_33, %add3A_34 : i32
    %dma_start3A_36 = arith.constant 0 : i32
    %dma_start3A_37 = arith.constant 0 : i32
    %dma_start3A_38 = tpu.memref_slice %arg4[%add3A_35, %dma_start3A_36, %dma_start3A_37] : memref<16384x30x20xf32, #tpu.memory_space<hbm>> -> memref<32x30x20xf32, #tpu.memory_space<hbm>>
    %dma_start3A_39 = arith.constant 0 : i32
    %dma_start3A_40 = arith.constant 0 : i32
    %dma_start3A_41 = tpu.memref_slice %arg4[%add3A_35, %dma_start3A_39, %dma_start3A_40] : memref<16384x30x20xf32, #tpu.memory_space<hbm>> -> memref<32x30x20xf32, #tpu.memory_space<hbm>>
    tpu.enqueue_dma source(%arg10 : memref<32x30x20xf32, #tpu.memory_space<vmem>>) target(%dma_start3A_41 : memref<32x30x20xf32, #tpu.memory_space<hbm>>) target_semaphore(%arg14 : memref<!tpu.dma_semaphore, #tpu.memory_space<semaphore_mem>>)
    %scan3A_42 = arith.constant 0 : i32
    %scan3A_43 = arith.constant 0 : i32
    %scan3A_44 = arith.constant 60 : i32
    %scan3A_45 = arith.addi %scan3A_43, %scan3A_44 : i32
    %scan3A_46 = arith.constant 1 : i32
    scf.for %scan3A_549 = %scan3A_43 to %scan3A_45 step %scan3A_46  : i32 {
      %mul3A_550 = arith.constant 16 : i32
      %mul3A_551 = arith.muli %mul3A_550, %scan3A_549 : i32
      %add3A_552 = vector.broadcast %mul3A_551 : i32 to vector<16xi32>
      %add3A_553 = arith.addi %iota3A, %add3A_552 : vector<16xi32>
      %jit3A = arith.constant 30 : i32
      %eq3A = arith.constant 0 : i32
      %eq3A_554 = arith.cmpi eq, %jit3A, %eq3A : i32
      %jit3A_555 = arith.constant 1 : i32
      %select_n3A = arith.select %eq3A_554, %jit3A_555, %jit3A : i32
      %rem3A = vector.broadcast %select_n3A : i32 to vector<16xi32>
      %rem3A_556 = arith.remsi %add3A_553, %rem3A : vector<16xi32>
      %ne3A = arith.constant 0 : i32
      %ne3A_557 = vector.broadcast %ne3A : i32 to vector<16xi32>
      %ne3A_558 = arith.cmpi ne, %rem3A_556, %ne3A_557 : vector<16xi32>
      %lt3A_559 = arith.constant 0 : i32
      %lt3A_560 = vector.broadcast %lt3A_559 : i32 to vector<16xi32>
      %lt3A_561 = arith.cmpi slt, %rem3A_556, %lt3A_560 : vector<16xi32>
      %lt3A_562 = arith.constant 0 : i32
      %lt3A_563 = arith.cmpi slt, %select_n3A, %lt3A_562 : i32
      %ne3A_564 = vector.broadcast %lt3A_563 : i1 to vector<16xi1>
      %ne3A_565 = vector.broadcast %ne3A_564 : vector<16xi1> to vector<16xi1>
      %ne3A_566 = arith.xori %lt3A_561, %ne3A_565 : vector<16xi1>
      %and3A = arith.andi %ne3A_566, %ne3A_558 : vector<16xi1>
      %add3A_567 = vector.broadcast %select_n3A : i32 to vector<16xi32>
      %add3A_568 = arith.addi %rem3A_556, %add3A_567 : vector<16xi32>
      %select_n3A_569 = arith.select %and3A, %add3A_568, %rem3A_556 : vector<16xi1>, vector<16xi32>
      %sub3A = arith.subi %add3A_553, %select_n3A_569 : vector<16xi32>
      %shift_right_arithmetic3A = arith.constant 1 : i32
      %shift_right_arithmetic3A_570 = vector.broadcast %shift_right_arithmetic3A : i32 to vector<16xi32>
      %shift_right_arithmetic3A_571 = arith.shrsi %sub3A, %shift_right_arithmetic3A_570 : vector<16xi32>
      %mul3A_572 = arith.constant -286331153 : i32
      %mul3A_573 = vector.broadcast %mul3A_572 : i32 to vector<16xi32>
      %mul3A_574 = arith.muli %shift_right_arithmetic3A_571, %mul3A_573 : vector<16xi32>
      %add3A_575 = arith.constant 64 : i32
      %add3A_576 = vector.broadcast %add3A_575 : i32 to vector<16xi32>
      %add3A_577 = arith.addi %mul3A_574, %add3A_576 : vector<16xi32>
      %gather3A = tpu.vector_load_idx %arg5[%add3A_577, %select_n3A_569] : memref<512x30xi32, #tpu.memory_space<vmem>>[vector<16xi32>, vector<16xi32>], vector<16xi32>,
      %mul3A_578 = arith.constant 16 : i32
      %mul3A_579 = arith.muli %mul3A_578, %scan3A_549 : i32
      %swap3A = arith.index_cast %mul3A_579 : i32 to index
      %swap3A_580 = tpu.vector_load %arg6[%swap3A] {strides = array<i32>} : memref<960xi32, #tpu.memory_space<vmem>>, vector<16xi32>,
      tpu.vector_store %arg6[%swap3A], %gather3A {strides = array<i32>} : memref<960xi32, #tpu.memory_space<vmem>>, vector<16xi32>,
    }
    %scan3A_47 = arith.constant 60 : i32
    %dma_start3A_48 = arith.constant 0 : i32
    %dma_start3A_49 = arith.constant 0 : i32
    %dma_start3A_50 = tpu.memref_slice %arg2[%dma_start3A_48, %dma_start3A_49] : memref<1000000x32xf32, #tpu.memory_space<hbm>> -> memref<1000000x32xf32, #tpu.memory_space<hbm>>
    tpu.enqueue_indirect_dma source(%dma_start3A_50 : memref<1000000x32xf32, #tpu.memory_space<hbm>>) target(%arg8 : memref<960x32xf32, #tpu.memory_space<vmem>>) offsets(%arg6 : memref<960xi32, #tpu.memory_space<vmem>>) semaphore(%arg12 : memref<!tpu.dma_semaphore, #tpu.memory_space<semaphore_mem>>)
    %dma_wait3A_51 = arith.constant 0 : i32
    %dma_wait3A_52 = arith.constant 0 : i32
    %dma_wait3A_53 = tpu.memref_slice %arg2[%dma_wait3A_51, %dma_wait3A_52] : memref<1000000x32xf32, #tpu.memory_space<hbm>> -> memref<1000000x32xf32, #tpu.memory_space<hbm>>
    tpu.wait_indirect_dma semaphore(%arg13 : memref<!tpu.dma_semaphore, #tpu.memory_space<semaphore_mem>>) src(%dma_wait3A_53 : memref<1000000x32xf32, #tpu.memory_space<hbm>>) dst(%arg9 : memref<960x32xf32, #tpu.memory_space<vmem>>)
    %scan3A_54 = arith.constant 0 : i32
    %scan3A_55 = arith.constant 0 : i32
    %scan3A_56 = arith.constant 32 : i32
    %scan3A_57 = arith.addi %scan3A_55, %scan3A_56 : i32
    %scan3A_58 = arith.constant 1 : i32
    scf.for %scan3A_549 = %scan3A_55 to %scan3A_57 step %scan3A_58  : i32 {
      %scan3A_550 = arith.constant 0 : i32
      %scan3A_551 = arith.constant 30 : i32
      %scan3A_552 = arith.addi %scan3A_550, %scan3A_551 : i32
      %scan3A_553 = arith.constant 1 : i32
      scf.for %scan3A_555 = %scan3A_550 to %scan3A_552 step %scan3A_553  : i32 {
        %mul3A_556 = arith.constant 30 : i32
        %mul3A_557 = arith.muli %scan3A_549, %mul3A_556 : i32
        %add3A_558 = arith.addi %mul3A_557, %scan3A_555 : i32
        %get3A = arith.index_cast %add3A_558 : i32 to index
        %get3A_559 = arith.constant 0 : index
        %get3A_560 = tpu.vector_load %arg9[%get3A, %get3A_559] {strides = array<i32>} : memref<960x32xf32, #tpu.memory_space<vmem>>, vector<16xf32>,
        %swap3A = arith.index_cast %scan3A_549 : i32 to index
        %swap3A_561 = arith.index_cast %scan3A_555 : i32 to index
        %swap3A_562 = arith.constant 0 : index
        %swap3A_563 = tpu.vector_load %arg11[%swap3A, %swap3A_561, %swap3A_562] {strides = array<i32>} : memref<32x30x20xf32, #tpu.memory_space<vmem>>, vector<16xf32>,
        tpu.vector_store %arg11[%swap3A, %swap3A_561, %swap3A_562], %get3A_560 {strides = array<i32>} : memref<32x30x20xf32, #tpu.memory_space<vmem>>, vector<16xf32>,
        %get3A_564 = arith.index_cast %add3A_558 : i32 to index
        %get3A_565 = arith.constant 16 : index
        %get3A_566 = tpu.vector_load %arg9[%get3A_564, %get3A_565] {strides = array<i32>} : memref<960x32xf32, #tpu.memory_space<vmem>>, vector<16xf32>,
        %mul3A_567 = arith.constant 0 : i32
        %mul3A_568 = vector.broadcast %mul3A_567 : i32 to vector<16xi32>
        %mul3A_569 = arith.muli %mul3A_568, %iota3A : vector<16xi32>
        %add3A_570 = vector.broadcast %scan3A_549 : i32 to vector<16xi32>
        %add3A_571 = arith.addi %add3A_570, %mul3A_569 : vector<16xi32>
        %mul3A_572 = arith.constant 0 : i32
        %mul3A_573 = vector.broadcast %mul3A_572 : i32 to vector<16xi32>
        %mul3A_574 = arith.muli %mul3A_573, %iota3A : vector<16xi32>
        %add3A_575 = vector.broadcast %scan3A_555 : i32 to vector<16xi32>
        %add3A_576 = arith.addi %add3A_575, %mul3A_574 : vector<16xi32>
        tpu.vector_store_idx %arg11[%add3A_571, %add3A_576, %add3A_5], %get3A_566 masked %lt3A_7 : memref<32x30x20xf32, #tpu.memory_space<vmem>>[vector<16xi32>, vector<16xi32>, vector<16xi32>], vector<16xf32>, vector<16xi1>
      }
      %scan3A_554 = arith.constant 30 : i32
    }
    %scan3A_59 = arith.constant 32 : i32
    %mul3A_60 = arith.constant 512 : i32
    %mul3A_61 = arith.muli %add3A, %mul3A_60 : i32
    %add3A_62 = arith.constant 32 : i32
    %add3A_63 = arith.addi %mul3A_61, %add3A_62 : i32
    %dma_start3A_64 = arith.constant 0 : i32
    %dma_start3A_65 = arith.constant 0 : i32
    %dma_start3A_66 = tpu.memref_slice %arg4[%add3A_63, %dma_start3A_64, %dma_start3A_65] : memref<16384x30x20xf32, #tpu.memory_space<hbm>> -> memref<32x30x20xf32, #tpu.memory_space<hbm>>
    %dma_start3A_67 = arith.constant 0 : i32
    %dma_start3A_68 = arith.constant 0 : i32
    %dma_start3A_69 = tpu.memref_slice %arg4[%add3A_63, %dma_start3A_67, %dma_start3A_68] : memref<16384x30x20xf32, #tpu.memory_space<hbm>> -> memref<32x30x20xf32, #tpu.memory_space<hbm>>
    tpu.enqueue_dma source(%arg11 : memref<32x30x20xf32, #tpu.memory_space<vmem>>) target(%dma_start3A_69 : memref<32x30x20xf32, #tpu.memory_space<hbm>>) target_semaphore(%arg15 : memref<!tpu.dma_semaphore, #tpu.memory_space<semaphore_mem>>)
    %scan3A_70 = arith.constant 0 : i32
    %scan3A_71 = arith.constant 0 : i32
    %scan3A_72 = arith.constant 60 : i32
    %scan3A_73 = arith.addi %scan3A_71, %scan3A_72 : i32
    %scan3A_74 = arith.constant 1 : i32
    scf.for %scan3A_549 = %scan3A_71 to %scan3A_73 step %scan3A_74  : i32 {
      %mul3A_550 = arith.constant 16 : i32
      %mul3A_551 = arith.muli %mul3A_550, %scan3A_549 : i32
      %add3A_552 = vector.broadcast %mul3A_551 : i32 to vector<16xi32>
      %add3A_553 = arith.addi %iota3A, %add3A_552 : vector<16xi32>
      %jit3A = arith.constant 30 : i32
      %eq3A = arith.constant 0 : i32
      %eq3A_554 = arith.cmpi eq, %jit3A, %eq3A : i32
      %jit3A_555 = arith.constant 1 : i32
      %select_n3A = arith.select %eq3A_554, %jit3A_555, %jit3A : i32
      %rem3A = vector.broadcast %select_n3A : i32 to vector<16xi32>
      %rem3A_556 = arith.remsi %add3A_553, %rem3A : vector<16xi32>
      %ne3A = arith.constant 0 : i32
      %ne3A_557 = vector.broadcast %ne3A : i32 to vector<16xi32>
      %ne3A_558 = arith.cmpi ne, %rem3A_556, %ne3A_557 : vector<16xi32>
      %lt3A_559 = arith.constant 0 : i32
      %lt3A_560 = vector.broadcast %lt3A_559 : i32 to vector<16xi32>
      %lt3A_561 = arith.cmpi slt, %rem3A_556, %lt3A_560 : vector<16xi32>
      %lt3A_562 = arith.constant 0 : i32
      %lt3A_563 = arith.cmpi slt, %select_n3A, %lt3A_562 : i32
      %ne3A_564 = vector.broadcast %lt3A_563 : i1 to vector<16xi1>
      %ne3A_565 = vector.broadcast %ne3A_564 : vector<16xi1> to vector<16xi1>
      %ne3A_566 = arith.xori %lt3A_561, %ne3A_565 : vector<16xi1>
      %and3A = arith.andi %ne3A_566, %ne3A_558 : vector<16xi1>
      %add3A_567 = vector.broadcast %select_n3A : i32 to vector<16xi32>
      %add3A_568 = arith.addi %rem3A_556, %add3A_567 : vector<16xi32>
      %select_n3A_569 = arith.select %and3A, %add3A_568, %rem3A_556 : vector<16xi1>, vector<16xi32>
      %sub3A = arith.subi %add3A_553, %select_n3A_569 : vector<16xi32>
      %shift_right_arithmetic3A = arith.constant 1 : i32
      %shift_right_arithmetic3A_570 = vector.broadcast %shift_right_arithmetic3A : i32 to vector<16xi32>
      %shift_right_arithmetic3A_571 = arith.shrsi %sub3A, %shift_right_arithmetic3A_570 : vector<16xi32>
      %mul3A_572 = arith.constant -286331153 : i32
      %mul3A_573 = vector.broadcast %mul3A_572 : i32 to vector<16xi32>
      %mul3A_574 = arith.muli %shift_right_arithmetic3A_571, %mul3A_573 : vector<16xi32>
      %add3A_575 = arith.constant 96 : i32
      %add3A_576 = vector.broadcast %add3A_575 : i32 to vector<16xi32>
      %add3A_577 = arith.addi %mul3A_574, %add3A_576 : vector<16xi32>
      %gather3A = tpu.vector_load_idx %arg5[%add3A_577, %select_n3A_569] : memref<512x30xi32, #tpu.memory_space<vmem>>[vector<16xi32>, vector<16xi32>], vector<16xi32>,
      %mul3A_578 = arith.constant 16 : i32
      %mul3A_579 = arith.muli %mul3A_578, %scan3A_549 : i32
      %swap3A = arith.index_cast %mul3A_579 : i32 to index
      %swap3A_580 = tpu.vector_load %arg7[%swap3A] {strides = array<i32>} : memref<960xi32, #tpu.memory_space<vmem>>, vector<16xi32>,
      tpu.vector_store %arg7[%swap3A], %gather3A {strides = array<i32>} : memref<960xi32, #tpu.memory_space<vmem>>, vector<16xi32>,
    }
    %scan3A_75 = arith.constant 60 : i32
    %dma_start3A_76 = arith.constant 0 : i32
    %dma_start3A_77 = arith.constant 0 : i32
    %dma_start3A_78 = tpu.memref_slice %arg2[%dma_start3A_76, %dma_start3A_77] : memref<1000000x32xf32, #tpu.memory_space<hbm>> -> memref<1000000x32xf32, #tpu.memory_space<hbm>>
    tpu.enqueue_indirect_dma source(%dma_start3A_78 : memref<1000000x32xf32, #tpu.memory_space<hbm>>) target(%arg9 : memref<960x32xf32, #tpu.memory_space<vmem>>) offsets(%arg7 : memref<960xi32, #tpu.memory_space<vmem>>) semaphore(%arg13 : memref<!tpu.dma_semaphore, #tpu.memory_space<semaphore_mem>>)
    %dma_wait3A_79 = arith.constant 0 : i32
    %dma_wait3A_80 = arith.constant 0 : i32
    %dma_wait3A_81 = tpu.memref_slice %arg2[%dma_wait3A_79, %dma_wait3A_80] : memref<1000000x32xf32, #tpu.memory_space<hbm>> -> memref<1000000x32xf32, #tpu.memory_space<hbm>>
    tpu.wait_indirect_dma semaphore(%arg12 : memref<!tpu.dma_semaphore, #tpu.memory_space<semaphore_mem>>) src(%dma_wait3A_81 : memref<1000000x32xf32, #tpu.memory_space<hbm>>) dst(%arg8 : memref<960x32xf32, #tpu.memory_space<vmem>>)
    %dma_wait3A_82 = arith.constant 0 : i32
    %dma_wait3A_83 = arith.constant 0 : i32
    %dma_wait3A_84 = tpu.memref_slice %arg4[%add3A_35, %dma_wait3A_82, %dma_wait3A_83] : memref<16384x30x20xf32, #tpu.memory_space<hbm>> -> memref<32x30x20xf32, #tpu.memory_space<hbm>>
    %dma_wait3A_85 = arith.constant 0 : i32
    %dma_wait3A_86 = arith.constant 0 : i32
    %dma_wait3A_87 = tpu.memref_slice %arg4[%add3A_35, %dma_wait3A_85, %dma_wait3A_86] : memref<16384x30x20xf32, #tpu.memory_space<hbm>> -> memref<32x30x20xf32, #tpu.memory_space<hbm>>
    tpu.wait_dma2 semaphore(%arg14 : memref<!tpu.dma_semaphore, #tpu.memory_space<semaphore_mem>>) src(%arg10 : memref<32x30x20xf32, #tpu.memory_space<vmem>>) dst(%dma_wait3A_87 : memref<32x30x20xf32, #tpu.memory_space<hbm>>)
    %scan3A_88 = arith.constant 0 : i32
    %scan3A_89 = arith.constant 0 : i32
    %scan3A_90 = arith.constant 32 : i32
    %scan3A_91 = arith.addi %scan3A_89, %scan3A_90 : i32
    %scan3A_92 = arith.constant 1 : i32
    scf.for %scan3A_549 = %scan3A_89 to %scan3A_91 step %scan3A_92  : i32 {
      %scan3A_550 = arith.constant 0 : i32
      %scan3A_551 = arith.constant 30 : i32
      %scan3A_552 = arith.addi %scan3A_550, %scan3A_551 : i32
      %scan3A_553 = arith.constant 1 : i32
      scf.for %scan3A_555 = %scan3A_550 to %scan3A_552 step %scan3A_553  : i32 {
        %mul3A_556 = arith.constant 30 : i32
        %mul3A_557 = arith.muli %scan3A_549, %mul3A_556 : i32
        %add3A_558 = arith.addi %mul3A_557, %scan3A_555 : i32
        %get3A = arith.index_cast %add3A_558 : i32 to index
        %get3A_559 = arith.constant 0 : index
        %get3A_560 = tpu.vector_load %arg8[%get3A, %get3A_559] {strides = array<i32>} : memref<960x32xf32, #tpu.memory_space<vmem>>, vector<16xf32>,
        %swap3A = arith.index_cast %scan3A_549 : i32 to index
        %swap3A_561 = arith.index_cast %scan3A_555 : i32 to index
        %swap3A_562 = arith.constant 0 : index
        %swap3A_563 = tpu.vector_load %arg10[%swap3A, %swap3A_561, %swap3A_562] {strides = array<i32>} : memref<32x30x20xf32, #tpu.memory_space<vmem>>, vector<16xf32>,
        tpu.vector_store %arg10[%swap3A, %swap3A_561, %swap3A_562], %get3A_560 {strides = array<i32>} : memref<32x30x20xf32, #tpu.memory_space<vmem>>, vector<16xf32>,
        %get3A_564 = arith.index_cast %add3A_558 : i32 to index
        %get3A_565 = arith.constant 16 : index
        %get3A_566 = tpu.vector_load %arg8[%get3A_564, %get3A_565] {strides = array<i32>} : memref<960x32xf32, #tpu.memory_space<vmem>>, vector<16xf32>,
        %mul3A_567 = arith.constant 0 : i32
        %mul3A_568 = vector.broadcast %mul3A_567 : i32 to vector<16xi32>
        %mul3A_569 = arith.muli %mul3A_568, %iota3A : vector<16xi32>
        %add3A_570 = vector.broadcast %scan3A_549 : i32 to vector<16xi32>
        %add3A_571 = arith.addi %add3A_570, %mul3A_569 : vector<16xi32>
        %mul3A_572 = arith.constant 0 : i32
        %mul3A_573 = vector.broadcast %mul3A_572 : i32 to vector<16xi32>
        %mul3A_574 = arith.muli %mul3A_573, %iota3A : vector<16xi32>
        %add3A_575 = vector.broadcast %scan3A_555 : i32 to vector<16xi32>
        %add3A_576 = arith.addi %add3A_575, %mul3A_574 : vector<16xi32>
        tpu.vector_store_idx %arg10[%add3A_571, %add3A_576, %add3A_5], %get3A_566 masked %lt3A_7 : memref<32x30x20xf32, #tpu.memory_space<vmem>>[vector<16xi32>, vector<16xi32>, vector<16xi32>], vector<16xf32>, vector<16xi1>
      }
      %scan3A_554 = arith.constant 30 : i32
    }
    %scan3A_93 = arith.constant 32 : i32
    %mul3A_94 = arith.constant 512 : i32
    %mul3A_95 = arith.muli %add3A, %mul3A_94 : i32
    %add3A_96 = arith.constant 64 : i32
    %add3A_97 = arith.addi %mul3A_95, %add3A_96 : i32
    %dma_start3A_98 = arith.constant 0 : i32
    %dma_start3A_99 = arith.constant 0 : i32
    %dma_start3A_100 = tpu.memref_slice %arg4[%add3A_97, %dma_start3A_98, %dma_start3A_99] : memref<16384x30x20xf32, #tpu.memory_space<hbm>> -> memref<32x30x20xf32, #tpu.memory_space<hbm>>
    %dma_start3A_101 = arith.constant 0 : i32
    %dma_start3A_102 = arith.constant 0 : i32
    %dma_start3A_103 = tpu.memref_slice %arg4[%add3A_97, %dma_start3A_101, %dma_start3A_102] : memref<16384x30x20xf32, #tpu.memory_space<hbm>> -> memref<32x30x20xf32, #tpu.memory_space<hbm>>
    tpu.enqueue_dma source(%arg10 : memref<32x30x20xf32, #tpu.memory_space<vmem>>) target(%dma_start3A_103 : memref<32x30x20xf32, #tpu.memory_space<hbm>>) target_semaphore(%arg14 : memref<!tpu.dma_semaphore, #tpu.memory_space<semaphore_mem>>)
    %scan3A_104 = arith.constant 0 : i32
    %scan3A_105 = arith.constant 0 : i32
    %scan3A_106 = arith.constant 60 : i32
    %scan3A_107 = arith.addi %scan3A_105, %scan3A_106 : i32
    %scan3A_108 = arith.constant 1 : i32
    scf.for %scan3A_549 = %scan3A_105 to %scan3A_107 step %scan3A_108  : i32 {
      %mul3A_550 = arith.constant 16 : i32
      %mul3A_551 = arith.muli %mul3A_550, %scan3A_549 : i32
      %add3A_552 = vector.broadcast %mul3A_551 : i32 to vector<16xi32>
      %add3A_553 = arith.addi %iota3A, %add3A_552 : vector<16xi32>
      %jit3A = arith.constant 30 : i32
      %eq3A = arith.constant 0 : i32
      %eq3A_554 = arith.cmpi eq, %jit3A, %eq3A : i32
      %jit3A_555 = arith.constant 1 : i32
      %select_n3A = arith.select %eq3A_554, %jit3A_555, %jit3A : i32
      %rem3A = vector.broadcast %select_n3A : i32 to vector<16xi32>
      %rem3A_556 = arith.remsi %add3A_553, %rem3A : vector<16xi32>
      %ne3A = arith.constant 0 : i32
      %ne3A_557 = vector.broadcast %ne3A : i32 to vector<16xi32>
      %ne3A_558 = arith.cmpi ne, %rem3A_556, %ne3A_557 : vector<16xi32>
      %lt3A_559 = arith.constant 0 : i32
      %lt3A_560 = vector.broadcast %lt3A_559 : i32 to vector<16xi32>
      %lt3A_561 = arith.cmpi slt, %rem3A_556, %lt3A_560 : vector<16xi32>
      %lt3A_562 = arith.constant 0 : i32
      %lt3A_563 = arith.cmpi slt, %select_n3A, %lt3A_562 : i32
      %ne3A_564 = vector.broadcast %lt3A_563 : i1 to vector<16xi1>
      %ne3A_565 = vector.broadcast %ne3A_564 : vector<16xi1> to vector<16xi1>
      %ne3A_566 = arith.xori %lt3A_561, %ne3A_565 : vector<16xi1>
      %and3A = arith.andi %ne3A_566, %ne3A_558 : vector<16xi1>
      %add3A_567 = vector.broadcast %select_n3A : i32 to vector<16xi32>
      %add3A_568 = arith.addi %rem3A_556, %add3A_567 : vector<16xi32>
      %select_n3A_569 = arith.select %and3A, %add3A_568, %rem3A_556 : vector<16xi1>, vector<16xi32>
      %sub3A = arith.subi %add3A_553, %select_n3A_569 : vector<16xi32>
      %shift_right_arithmetic3A = arith.constant 1 : i32
      %shift_right_arithmetic3A_570 = vector.broadcast %shift_right_arithmetic3A : i32 to vector<16xi32>
      %shift_right_arithmetic3A_571 = arith.shrsi %sub3A, %shift_right_arithmetic3A_570 : vector<16xi32>
      %mul3A_572 = arith.constant -286331153 : i32
      %mul3A_573 = vector.broadcast %mul3A_572 : i32 to vector<16xi32>
      %mul3A_574 = arith.muli %shift_right_arithmetic3A_571, %mul3A_573 : vector<16xi32>
      %add3A_575 = arith.constant 128 : i32
      %add3A_576 = vector.broadcast %add3A_575 : i32 to vector<16xi32>
      %add3A_577 = arith.addi %mul3A_574, %add3A_576 : vector<16xi32>
      %gather3A = tpu.vector_load_idx %arg5[%add3A_577, %select_n3A_569] : memref<512x30xi32, #tpu.memory_space<vmem>>[vector<16xi32>, vector<16xi32>], vector<16xi32>,
      %mul3A_578 = arith.constant 16 : i32
      %mul3A_579 = arith.muli %mul3A_578, %scan3A_549 : i32
      %swap3A = arith.index_cast %mul3A_579 : i32 to index
      %swap3A_580 = tpu.vector_load %arg6[%swap3A] {strides = array<i32>} : memref<960xi32, #tpu.memory_space<vmem>>, vector<16xi32>,
      tpu.vector_store %arg6[%swap3A], %gather3A {strides = array<i32>} : memref<960xi32, #tpu.memory_space<vmem>>, vector<16xi32>,
    }
    %scan3A_109 = arith.constant 60 : i32
    %dma_start3A_110 = arith.constant 0 : i32
    %dma_start3A_111 = arith.constant 0 : i32
    %dma_start3A_112 = tpu.memref_slice %arg2[%dma_start3A_110, %dma_start3A_111] : memref<1000000x32xf32, #tpu.memory_space<hbm>> -> memref<1000000x32xf32, #tpu.memory_space<hbm>>
    tpu.enqueue_indirect_dma source(%dma_start3A_112 : memref<1000000x32xf32, #tpu.memory_space<hbm>>) target(%arg8 : memref<960x32xf32, #tpu.memory_space<vmem>>) offsets(%arg6 : memref<960xi32, #tpu.memory_space<vmem>>) semaphore(%arg12 : memref<!tpu.dma_semaphore, #tpu.memory_space<semaphore_mem>>)
    %dma_wait3A_113 = arith.constant 0 : i32
    %dma_wait3A_114 = arith.constant 0 : i32
    %dma_wait3A_115 = tpu.memref_slice %arg2[%dma_wait3A_113, %dma_wait3A_114] : memref<1000000x32xf32, #tpu.memory_space<hbm>> -> memref<1000000x32xf32, #tpu.memory_space<hbm>>
    tpu.wait_indirect_dma semaphore(%arg13 : memref<!tpu.dma_semaphore, #tpu.memory_space<semaphore_mem>>) src(%dma_wait3A_115 : memref<1000000x32xf32, #tpu.memory_space<hbm>>) dst(%arg9 : memref<960x32xf32, #tpu.memory_space<vmem>>)
    %dma_wait3A_116 = arith.constant 0 : i32
    %dma_wait3A_117 = arith.constant 0 : i32
    %dma_wait3A_118 = tpu.memref_slice %arg4[%add3A_63, %dma_wait3A_116, %dma_wait3A_117] : memref<16384x30x20xf32, #tpu.memory_space<hbm>> -> memref<32x30x20xf32, #tpu.memory_space<hbm>>
    %dma_wait3A_119 = arith.constant 0 : i32
    %dma_wait3A_120 = arith.constant 0 : i32
    %dma_wait3A_121 = tpu.memref_slice %arg4[%add3A_63, %dma_wait3A_119, %dma_wait3A_120] : memref<16384x30x20xf32, #tpu.memory_space<hbm>> -> memref<32x30x20xf32, #tpu.memory_space<hbm>>
    tpu.wait_dma2 semaphore(%arg15 : memref<!tpu.dma_semaphore, #tpu.memory_space<semaphore_mem>>) src(%arg11 : memref<32x30x20xf32, #tpu.memory_space<vmem>>) dst(%dma_wait3A_121 : memref<32x30x20xf32, #tpu.memory_space<hbm>>)
    %scan3A_122 = arith.constant 0 : i32
    %scan3A_123 = arith.constant 0 : i32
    %scan3A_124 = arith.constant 32 : i32
    %scan3A_125 = arith.addi %scan3A_123, %scan3A_124 : i32
    %scan3A_126 = arith.constant 1 : i32
    scf.for %scan3A_549 = %scan3A_123 to %scan3A_125 step %scan3A_126  : i32 {
      %scan3A_550 = arith.constant 0 : i32
      %scan3A_551 = arith.constant 30 : i32
      %scan3A_552 = arith.addi %scan3A_550, %scan3A_551 : i32
      %scan3A_553 = arith.constant 1 : i32
      scf.for %scan3A_555 = %scan3A_550 to %scan3A_552 step %scan3A_553  : i32 {
        %mul3A_556 = arith.constant 30 : i32
        %mul3A_557 = arith.muli %scan3A_549, %mul3A_556 : i32
        %add3A_558 = arith.addi %mul3A_557, %scan3A_555 : i32
        %get3A = arith.index_cast %add3A_558 : i32 to index
        %get3A_559 = arith.constant 0 : index
        %get3A_560 = tpu.vector_load %arg9[%get3A, %get3A_559] {strides = array<i32>} : memref<960x32xf32, #tpu.memory_space<vmem>>, vector<16xf32>,
        %swap3A = arith.index_cast %scan3A_549 : i32 to index
        %swap3A_561 = arith.index_cast %scan3A_555 : i32 to index
        %swap3A_562 = arith.constant 0 : index
        %swap3A_563 = tpu.vector_load %arg11[%swap3A, %swap3A_561, %swap3A_562] {strides = array<i32>} : memref<32x30x20xf32, #tpu.memory_space<vmem>>, vector<16xf32>,
        tpu.vector_store %arg11[%swap3A, %swap3A_561, %swap3A_562], %get3A_560 {strides = array<i32>} : memref<32x30x20xf32, #tpu.memory_space<vmem>>, vector<16xf32>,
        %get3A_564 = arith.index_cast %add3A_558 : i32 to index
        %get3A_565 = arith.constant 16 : index
        %get3A_566 = tpu.vector_load %arg9[%get3A_564, %get3A_565] {strides = array<i32>} : memref<960x32xf32, #tpu.memory_space<vmem>>, vector<16xf32>,
        %mul3A_567 = arith.constant 0 : i32
        %mul3A_568 = vector.broadcast %mul3A_567 : i32 to vector<16xi32>
        %mul3A_569 = arith.muli %mul3A_568, %iota3A : vector<16xi32>
        %add3A_570 = vector.broadcast %scan3A_549 : i32 to vector<16xi32>
        %add3A_571 = arith.addi %add3A_570, %mul3A_569 : vector<16xi32>
        %mul3A_572 = arith.constant 0 : i32
        %mul3A_573 = vector.broadcast %mul3A_572 : i32 to vector<16xi32>
        %mul3A_574 = arith.muli %mul3A_573, %iota3A : vector<16xi32>
        %add3A_575 = vector.broadcast %scan3A_555 : i32 to vector<16xi32>
        %add3A_576 = arith.addi %add3A_575, %mul3A_574 : vector<16xi32>
        tpu.vector_store_idx %arg11[%add3A_571, %add3A_576, %add3A_5], %get3A_566 masked %lt3A_7 : memref<32x30x20xf32, #tpu.memory_space<vmem>>[vector<16xi32>, vector<16xi32>, vector<16xi32>], vector<16xf32>, vector<16xi1>
      }
      %scan3A_554 = arith.constant 30 : i32
    }
    %scan3A_127 = arith.constant 32 : i32
    %mul3A_128 = arith.constant 512 : i32
    %mul3A_129 = arith.muli %add3A, %mul3A_128 : i32
    %add3A_130 = arith.constant 96 : i32
    %add3A_131 = arith.addi %mul3A_129, %add3A_130 : i32
    %dma_start3A_132 = arith.constant 0 : i32
    %dma_start3A_133 = arith.constant 0 : i32
    %dma_start3A_134 = tpu.memref_slice %arg4[%add3A_131, %dma_start3A_132, %dma_start3A_133] : memref<16384x30x20xf32, #tpu.memory_space<hbm>> -> memref<32x30x20xf32, #tpu.memory_space<hbm>>
    %dma_start3A_135 = arith.constant 0 : i32
    %dma_start3A_136 = arith.constant 0 : i32
    %dma_start3A_137 = tpu.memref_slice %arg4[%add3A_131, %dma_start3A_135, %dma_start3A_136] : memref<16384x30x20xf32, #tpu.memory_space<hbm>> -> memref<32x30x20xf32, #tpu.memory_space<hbm>>
    tpu.enqueue_dma source(%arg11 : memref<32x30x20xf32, #tpu.memory_space<vmem>>) target(%dma_start3A_137 : memref<32x30x20xf32, #tpu.memory_space<hbm>>) target_semaphore(%arg15 : memref<!tpu.dma_semaphore, #tpu.memory_space<semaphore_mem>>)
    %scan3A_138 = arith.constant 0 : i32
    %scan3A_139 = arith.constant 0 : i32
    %scan3A_140 = arith.constant 60 : i32
    %scan3A_141 = arith.addi %scan3A_139, %scan3A_140 : i32
    %scan3A_142 = arith.constant 1 : i32
    scf.for %scan3A_549 = %scan3A_139 to %scan3A_141 step %scan3A_142  : i32 {
      %mul3A_550 = arith.constant 16 : i32
      %mul3A_551 = arith.muli %mul3A_550, %scan3A_549 : i32
      %add3A_552 = vector.broadcast %mul3A_551 : i32 to vector<16xi32>
      %add3A_553 = arith.addi %iota3A, %add3A_552 : vector<16xi32>
      %jit3A = arith.constant 30 : i32
      %eq3A = arith.constant 0 : i32
      %eq3A_554 = arith.cmpi eq, %jit3A, %eq3A : i32
      %jit3A_555 = arith.constant 1 : i32
      %select_n3A = arith.select %eq3A_554, %jit3A_555, %jit3A : i32
      %rem3A = vector.broadcast %select_n3A : i32 to vector<16xi32>
      %rem3A_556 = arith.remsi %add3A_553, %rem3A : vector<16xi32>
      %ne3A = arith.constant 0 : i32
      %ne3A_557 = vector.broadcast %ne3A : i32 to vector<16xi32>
      %ne3A_558 = arith.cmpi ne, %rem3A_556, %ne3A_557 : vector<16xi32>
      %lt3A_559 = arith.constant 0 : i32
      %lt3A_560 = vector.broadcast %lt3A_559 : i32 to vector<16xi32>
      %lt3A_561 = arith.cmpi slt, %rem3A_556, %lt3A_560 : vector<16xi32>
      %lt3A_562 = arith.constant 0 : i32
      %lt3A_563 = arith.cmpi slt, %select_n3A, %lt3A_562 : i32
      %ne3A_564 = vector.broadcast %lt3A_563 : i1 to vector<16xi1>
      %ne3A_565 = vector.broadcast %ne3A_564 : vector<16xi1> to vector<16xi1>
      %ne3A_566 = arith.xori %lt3A_561, %ne3A_565 : vector<16xi1>
      %and3A = arith.andi %ne3A_566, %ne3A_558 : vector<16xi1>
      %add3A_567 = vector.broadcast %select_n3A : i32 to vector<16xi32>
      %add3A_568 = arith.addi %rem3A_556, %add3A_567 : vector<16xi32>
      %select_n3A_569 = arith.select %and3A, %add3A_568, %rem3A_556 : vector<16xi1>, vector<16xi32>
      %sub3A = arith.subi %add3A_553, %select_n3A_569 : vector<16xi32>
      %shift_right_arithmetic3A = arith.constant 1 : i32
      %shift_right_arithmetic3A_570 = vector.broadcast %shift_right_arithmetic3A : i32 to vector<16xi32>
      %shift_right_arithmetic3A_571 = arith.shrsi %sub3A, %shift_right_arithmetic3A_570 : vector<16xi32>
      %mul3A_572 = arith.constant -286331153 : i32
      %mul3A_573 = vector.broadcast %mul3A_572 : i32 to vector<16xi32>
      %mul3A_574 = arith.muli %shift_right_arithmetic3A_571, %mul3A_573 : vector<16xi32>
      %add3A_575 = arith.constant 160 : i32
      %add3A_576 = vector.broadcast %add3A_575 : i32 to vector<16xi32>
      %add3A_577 = arith.addi %mul3A_574, %add3A_576 : vector<16xi32>
      %gather3A = tpu.vector_load_idx %arg5[%add3A_577, %select_n3A_569] : memref<512x30xi32, #tpu.memory_space<vmem>>[vector<16xi32>, vector<16xi32>], vector<16xi32>,
      %mul3A_578 = arith.constant 16 : i32
      %mul3A_579 = arith.muli %mul3A_578, %scan3A_549 : i32
      %swap3A = arith.index_cast %mul3A_579 : i32 to index
      %swap3A_580 = tpu.vector_load %arg7[%swap3A] {strides = array<i32>} : memref<960xi32, #tpu.memory_space<vmem>>, vector<16xi32>,
      tpu.vector_store %arg7[%swap3A], %gather3A {strides = array<i32>} : memref<960xi32, #tpu.memory_space<vmem>>, vector<16xi32>,
    }
    %scan3A_143 = arith.constant 60 : i32
    %dma_start3A_144 = arith.constant 0 : i32
    %dma_start3A_145 = arith.constant 0 : i32
    %dma_start3A_146 = tpu.memref_slice %arg2[%dma_start3A_144, %dma_start3A_145] : memref<1000000x32xf32, #tpu.memory_space<hbm>> -> memref<1000000x32xf32, #tpu.memory_space<hbm>>
    tpu.enqueue_indirect_dma source(%dma_start3A_146 : memref<1000000x32xf32, #tpu.memory_space<hbm>>) target(%arg9 : memref<960x32xf32, #tpu.memory_space<vmem>>) offsets(%arg7 : memref<960xi32, #tpu.memory_space<vmem>>) semaphore(%arg13 : memref<!tpu.dma_semaphore, #tpu.memory_space<semaphore_mem>>)
    %dma_wait3A_147 = arith.constant 0 : i32
    %dma_wait3A_148 = arith.constant 0 : i32
    %dma_wait3A_149 = tpu.memref_slice %arg2[%dma_wait3A_147, %dma_wait3A_148] : memref<1000000x32xf32, #tpu.memory_space<hbm>> -> memref<1000000x32xf32, #tpu.memory_space<hbm>>
    tpu.wait_indirect_dma semaphore(%arg12 : memref<!tpu.dma_semaphore, #tpu.memory_space<semaphore_mem>>) src(%dma_wait3A_149 : memref<1000000x32xf32, #tpu.memory_space<hbm>>) dst(%arg8 : memref<960x32xf32, #tpu.memory_space<vmem>>)
    %dma_wait3A_150 = arith.constant 0 : i32
    %dma_wait3A_151 = arith.constant 0 : i32
    %dma_wait3A_152 = tpu.memref_slice %arg4[%add3A_97, %dma_wait3A_150, %dma_wait3A_151] : memref<16384x30x20xf32, #tpu.memory_space<hbm>> -> memref<32x30x20xf32, #tpu.memory_space<hbm>>
    %dma_wait3A_153 = arith.constant 0 : i32
    %dma_wait3A_154 = arith.constant 0 : i32
    %dma_wait3A_155 = tpu.memref_slice %arg4[%add3A_97, %dma_wait3A_153, %dma_wait3A_154] : memref<16384x30x20xf32, #tpu.memory_space<hbm>> -> memref<32x30x20xf32, #tpu.memory_space<hbm>>
    tpu.wait_dma2 semaphore(%arg14 : memref<!tpu.dma_semaphore, #tpu.memory_space<semaphore_mem>>) src(%arg10 : memref<32x30x20xf32, #tpu.memory_space<vmem>>) dst(%dma_wait3A_155 : memref<32x30x20xf32, #tpu.memory_space<hbm>>)
    %scan3A_156 = arith.constant 0 : i32
    %scan3A_157 = arith.constant 0 : i32
    %scan3A_158 = arith.constant 32 : i32
    %scan3A_159 = arith.addi %scan3A_157, %scan3A_158 : i32
    %scan3A_160 = arith.constant 1 : i32
    scf.for %scan3A_549 = %scan3A_157 to %scan3A_159 step %scan3A_160  : i32 {
      %scan3A_550 = arith.constant 0 : i32
      %scan3A_551 = arith.constant 30 : i32
      %scan3A_552 = arith.addi %scan3A_550, %scan3A_551 : i32
      %scan3A_553 = arith.constant 1 : i32
      scf.for %scan3A_555 = %scan3A_550 to %scan3A_552 step %scan3A_553  : i32 {
        %mul3A_556 = arith.constant 30 : i32
        %mul3A_557 = arith.muli %scan3A_549, %mul3A_556 : i32
        %add3A_558 = arith.addi %mul3A_557, %scan3A_555 : i32
        %get3A = arith.index_cast %add3A_558 : i32 to index
        %get3A_559 = arith.constant 0 : index
        %get3A_560 = tpu.vector_load %arg8[%get3A, %get3A_559] {strides = array<i32>} : memref<960x32xf32, #tpu.memory_space<vmem>>, vector<16xf32>,
        %swap3A = arith.index_cast %scan3A_549 : i32 to index
        %swap3A_561 = arith.index_cast %scan3A_555 : i32 to index
        %swap3A_562 = arith.constant 0 : index
        %swap3A_563 = tpu.vector_load %arg10[%swap3A, %swap3A_561, %swap3A_562] {strides = array<i32>} : memref<32x30x20xf32, #tpu.memory_space<vmem>>, vector<16xf32>,
        tpu.vector_store %arg10[%swap3A, %swap3A_561, %swap3A_562], %get3A_560 {strides = array<i32>} : memref<32x30x20xf32, #tpu.memory_space<vmem>>, vector<16xf32>,
        %get3A_564 = arith.index_cast %add3A_558 : i32 to index
        %get3A_565 = arith.constant 16 : index
        %get3A_566 = tpu.vector_load %arg8[%get3A_564, %get3A_565] {strides = array<i32>} : memref<960x32xf32, #tpu.memory_space<vmem>>, vector<16xf32>,
        %mul3A_567 = arith.constant 0 : i32
        %mul3A_568 = vector.broadcast %mul3A_567 : i32 to vector<16xi32>
        %mul3A_569 = arith.muli %mul3A_568, %iota3A : vector<16xi32>
        %add3A_570 = vector.broadcast %scan3A_549 : i32 to vector<16xi32>
        %add3A_571 = arith.addi %add3A_570, %mul3A_569 : vector<16xi32>
        %mul3A_572 = arith.constant 0 : i32
        %mul3A_573 = vector.broadcast %mul3A_572 : i32 to vector<16xi32>
        %mul3A_574 = arith.muli %mul3A_573, %iota3A : vector<16xi32>
        %add3A_575 = vector.broadcast %scan3A_555 : i32 to vector<16xi32>
        %add3A_576 = arith.addi %add3A_575, %mul3A_574 : vector<16xi32>
        tpu.vector_store_idx %arg10[%add3A_571, %add3A_576, %add3A_5], %get3A_566 masked %lt3A_7 : memref<32x30x20xf32, #tpu.memory_space<vmem>>[vector<16xi32>, vector<16xi32>, vector<16xi32>], vector<16xf32>, vector<16xi1>
      }
      %scan3A_554 = arith.constant 30 : i32
    }
    %scan3A_161 = arith.constant 32 : i32
    %mul3A_162 = arith.constant 512 : i32
    %mul3A_163 = arith.muli %add3A, %mul3A_162 : i32
    %add3A_164 = arith.constant 128 : i32
    %add3A_165 = arith.addi %mul3A_163, %add3A_164 : i32
    %dma_start3A_166 = arith.constant 0 : i32
    %dma_start3A_167 = arith.constant 0 : i32
    %dma_start3A_168 = tpu.memref_slice %arg4[%add3A_165, %dma_start3A_166, %dma_start3A_167] : memref<16384x30x20xf32, #tpu.memory_space<hbm>> -> memref<32x30x20xf32, #tpu.memory_space<hbm>>
    %dma_start3A_169 = arith.constant 0 : i32
    %dma_start3A_170 = arith.constant 0 : i32
    %dma_start3A_171 = tpu.memref_slice %arg4[%add3A_165, %dma_start3A_169, %dma_start3A_170] : memref<16384x30x20xf32, #tpu.memory_space<hbm>> -> memref<32x30x20xf32, #tpu.memory_space<hbm>>
    tpu.enqueue_dma source(%arg10 : memref<32x30x20xf32, #tpu.memory_space<vmem>>) target(%dma_start3A_171 : memref<32x30x20xf32, #tpu.memory_space<hbm>>) target_semaphore(%arg14 : memref<!tpu.dma_semaphore, #tpu.memory_space<semaphore_mem>>)
    %scan3A_172 = arith.constant 0 : i32
    %scan3A_173 = arith.constant 0 : i32
    %scan3A_174 = arith.constant 60 : i32
    %scan3A_175 = arith.addi %scan3A_173, %scan3A_174 : i32
    %scan3A_176 = arith.constant 1 : i32
    scf.for %scan3A_549 = %scan3A_173 to %scan3A_175 step %scan3A_176  : i32 {
      %mul3A_550 = arith.constant 16 : i32
      %mul3A_551 = arith.muli %mul3A_550, %scan3A_549 : i32
      %add3A_552 = vector.broadcast %mul3A_551 : i32 to vector<16xi32>
      %add3A_553 = arith.addi %iota3A, %add3A_552 : vector<16xi32>
      %jit3A = arith.constant 30 : i32
      %eq3A = arith.constant 0 : i32
      %eq3A_554 = arith.cmpi eq, %jit3A, %eq3A : i32
      %jit3A_555 = arith.constant 1 : i32
      %select_n3A = arith.select %eq3A_554, %jit3A_555, %jit3A : i32
      %rem3A = vector.broadcast %select_n3A : i32 to vector<16xi32>
      %rem3A_556 = arith.remsi %add3A_553, %rem3A : vector<16xi32>
      %ne3A = arith.constant 0 : i32
      %ne3A_557 = vector.broadcast %ne3A : i32 to vector<16xi32>
      %ne3A_558 = arith.cmpi ne, %rem3A_556, %ne3A_557 : vector<16xi32>
      %lt3A_559 = arith.constant 0 : i32
      %lt3A_560 = vector.broadcast %lt3A_559 : i32 to vector<16xi32>
      %lt3A_561 = arith.cmpi slt, %rem3A_556, %lt3A_560 : vector<16xi32>
      %lt3A_562 = arith.constant 0 : i32
      %lt3A_563 = arith.cmpi slt, %select_n3A, %lt3A_562 : i32
      %ne3A_564 = vector.broadcast %lt3A_563 : i1 to vector<16xi1>
      %ne3A_565 = vector.broadcast %ne3A_564 : vector<16xi1> to vector<16xi1>
      %ne3A_566 = arith.xori %lt3A_561, %ne3A_565 : vector<16xi1>
      %and3A = arith.andi %ne3A_566, %ne3A_558 : vector<16xi1>
      %add3A_567 = vector.broadcast %select_n3A : i32 to vector<16xi32>
      %add3A_568 = arith.addi %rem3A_556, %add3A_567 : vector<16xi32>
      %select_n3A_569 = arith.select %and3A, %add3A_568, %rem3A_556 : vector<16xi1>, vector<16xi32>
      %sub3A = arith.subi %add3A_553, %select_n3A_569 : vector<16xi32>
      %shift_right_arithmetic3A = arith.constant 1 : i32
      %shift_right_arithmetic3A_570 = vector.broadcast %shift_right_arithmetic3A : i32 to vector<16xi32>
      %shift_right_arithmetic3A_571 = arith.shrsi %sub3A, %shift_right_arithmetic3A_570 : vector<16xi32>
      %mul3A_572 = arith.constant -286331153 : i32
      %mul3A_573 = vector.broadcast %mul3A_572 : i32 to vector<16xi32>
      %mul3A_574 = arith.muli %shift_right_arithmetic3A_571, %mul3A_573 : vector<16xi32>
      %add3A_575 = arith.constant 192 : i32
      %add3A_576 = vector.broadcast %add3A_575 : i32 to vector<16xi32>
      %add3A_577 = arith.addi %mul3A_574, %add3A_576 : vector<16xi32>
      %gather3A = tpu.vector_load_idx %arg5[%add3A_577, %select_n3A_569] : memref<512x30xi32, #tpu.memory_space<vmem>>[vector<16xi32>, vector<16xi32>], vector<16xi32>,
      %mul3A_578 = arith.constant 16 : i32
      %mul3A_579 = arith.muli %mul3A_578, %scan3A_549 : i32
      %swap3A = arith.index_cast %mul3A_579 : i32 to index
      %swap3A_580 = tpu.vector_load %arg6[%swap3A] {strides = array<i32>} : memref<960xi32, #tpu.memory_space<vmem>>, vector<16xi32>,
      tpu.vector_store %arg6[%swap3A], %gather3A {strides = array<i32>} : memref<960xi32, #tpu.memory_space<vmem>>, vector<16xi32>,
    }
    %scan3A_177 = arith.constant 60 : i32
    %dma_start3A_178 = arith.constant 0 : i32
    %dma_start3A_179 = arith.constant 0 : i32
    %dma_start3A_180 = tpu.memref_slice %arg2[%dma_start3A_178, %dma_start3A_179] : memref<1000000x32xf32, #tpu.memory_space<hbm>> -> memref<1000000x32xf32, #tpu.memory_space<hbm>>
    tpu.enqueue_indirect_dma source(%dma_start3A_180 : memref<1000000x32xf32, #tpu.memory_space<hbm>>) target(%arg8 : memref<960x32xf32, #tpu.memory_space<vmem>>) offsets(%arg6 : memref<960xi32, #tpu.memory_space<vmem>>) semaphore(%arg12 : memref<!tpu.dma_semaphore, #tpu.memory_space<semaphore_mem>>)
    %dma_wait3A_181 = arith.constant 0 : i32
    %dma_wait3A_182 = arith.constant 0 : i32
    %dma_wait3A_183 = tpu.memref_slice %arg2[%dma_wait3A_181, %dma_wait3A_182] : memref<1000000x32xf32, #tpu.memory_space<hbm>> -> memref<1000000x32xf32, #tpu.memory_space<hbm>>
    tpu.wait_indirect_dma semaphore(%arg13 : memref<!tpu.dma_semaphore, #tpu.memory_space<semaphore_mem>>) src(%dma_wait3A_183 : memref<1000000x32xf32, #tpu.memory_space<hbm>>) dst(%arg9 : memref<960x32xf32, #tpu.memory_space<vmem>>)
    %dma_wait3A_184 = arith.constant 0 : i32
    %dma_wait3A_185 = arith.constant 0 : i32
    %dma_wait3A_186 = tpu.memref_slice %arg4[%add3A_131, %dma_wait3A_184, %dma_wait3A_185] : memref<16384x30x20xf32, #tpu.memory_space<hbm>> -> memref<32x30x20xf32, #tpu.memory_space<hbm>>
    %dma_wait3A_187 = arith.constant 0 : i32
    %dma_wait3A_188 = arith.constant 0 : i32
    %dma_wait3A_189 = tpu.memref_slice %arg4[%add3A_131, %dma_wait3A_187, %dma_wait3A_188] : memref<16384x30x20xf32, #tpu.memory_space<hbm>> -> memref<32x30x20xf32, #tpu.memory_space<hbm>>
    tpu.wait_dma2 semaphore(%arg15 : memref<!tpu.dma_semaphore, #tpu.memory_space<semaphore_mem>>) src(%arg11 : memref<32x30x20xf32, #tpu.memory_space<vmem>>) dst(%dma_wait3A_189 : memref<32x30x20xf32, #tpu.memory_space<hbm>>)
    %scan3A_190 = arith.constant 0 : i32
    %scan3A_191 = arith.constant 0 : i32
    %scan3A_192 = arith.constant 32 : i32
    %scan3A_193 = arith.addi %scan3A_191, %scan3A_192 : i32
    %scan3A_194 = arith.constant 1 : i32
    scf.for %scan3A_549 = %scan3A_191 to %scan3A_193 step %scan3A_194  : i32 {
      %scan3A_550 = arith.constant 0 : i32
      %scan3A_551 = arith.constant 30 : i32
      %scan3A_552 = arith.addi %scan3A_550, %scan3A_551 : i32
      %scan3A_553 = arith.constant 1 : i32
      scf.for %scan3A_555 = %scan3A_550 to %scan3A_552 step %scan3A_553  : i32 {
        %mul3A_556 = arith.constant 30 : i32
        %mul3A_557 = arith.muli %scan3A_549, %mul3A_556 : i32
        %add3A_558 = arith.addi %mul3A_557, %scan3A_555 : i32
        %get3A = arith.index_cast %add3A_558 : i32 to index
        %get3A_559 = arith.constant 0 : index
        %get3A_560 = tpu.vector_load %arg9[%get3A, %get3A_559] {strides = array<i32>} : memref<960x32xf32, #tpu.memory_space<vmem>>, vector<16xf32>,
        %swap3A = arith.index_cast %scan3A_549 : i32 to index
        %swap3A_561 = arith.index_cast %scan3A_555 : i32 to index
        %swap3A_562 = arith.constant 0 : index
        %swap3A_563 = tpu.vector_load %arg11[%swap3A, %swap3A_561, %swap3A_562] {strides = array<i32>} : memref<32x30x20xf32, #tpu.memory_space<vmem>>, vector<16xf32>,
        tpu.vector_store %arg11[%swap3A, %swap3A_561, %swap3A_562], %get3A_560 {strides = array<i32>} : memref<32x30x20xf32, #tpu.memory_space<vmem>>, vector<16xf32>,
        %get3A_564 = arith.index_cast %add3A_558 : i32 to index
        %get3A_565 = arith.constant 16 : index
        %get3A_566 = tpu.vector_load %arg9[%get3A_564, %get3A_565] {strides = array<i32>} : memref<960x32xf32, #tpu.memory_space<vmem>>, vector<16xf32>,
        %mul3A_567 = arith.constant 0 : i32
        %mul3A_568 = vector.broadcast %mul3A_567 : i32 to vector<16xi32>
        %mul3A_569 = arith.muli %mul3A_568, %iota3A : vector<16xi32>
        %add3A_570 = vector.broadcast %scan3A_549 : i32 to vector<16xi32>
        %add3A_571 = arith.addi %add3A_570, %mul3A_569 : vector<16xi32>
        %mul3A_572 = arith.constant 0 : i32
        %mul3A_573 = vector.broadcast %mul3A_572 : i32 to vector<16xi32>
        %mul3A_574 = arith.muli %mul3A_573, %iota3A : vector<16xi32>
        %add3A_575 = vector.broadcast %scan3A_555 : i32 to vector<16xi32>
        %add3A_576 = arith.addi %add3A_575, %mul3A_574 : vector<16xi32>
        tpu.vector_store_idx %arg11[%add3A_571, %add3A_576, %add3A_5], %get3A_566 masked %lt3A_7 : memref<32x30x20xf32, #tpu.memory_space<vmem>>[vector<16xi32>, vector<16xi32>, vector<16xi32>], vector<16xf32>, vector<16xi1>
      }
      %scan3A_554 = arith.constant 30 : i32
    }
    %scan3A_195 = arith.constant 32 : i32
    %mul3A_196 = arith.constant 512 : i32
    %mul3A_197 = arith.muli %add3A, %mul3A_196 : i32
    %add3A_198 = arith.constant 160 : i32
    %add3A_199 = arith.addi %mul3A_197, %add3A_198 : i32
    %dma_start3A_200 = arith.constant 0 : i32
    %dma_start3A_201 = arith.constant 0 : i32
    %dma_start3A_202 = tpu.memref_slice %arg4[%add3A_199, %dma_start3A_200, %dma_start3A_201] : memref<16384x30x20xf32, #tpu.memory_space<hbm>> -> memref<32x30x20xf32, #tpu.memory_space<hbm>>
    %dma_start3A_203 = arith.constant 0 : i32
    %dma_start3A_204 = arith.constant 0 : i32
    %dma_start3A_205 = tpu.memref_slice %arg4[%add3A_199, %dma_start3A_203, %dma_start3A_204] : memref<16384x30x20xf32, #tpu.memory_space<hbm>> -> memref<32x30x20xf32, #tpu.memory_space<hbm>>
    tpu.enqueue_dma source(%arg11 : memref<32x30x20xf32, #tpu.memory_space<vmem>>) target(%dma_start3A_205 : memref<32x30x20xf32, #tpu.memory_space<hbm>>) target_semaphore(%arg15 : memref<!tpu.dma_semaphore, #tpu.memory_space<semaphore_mem>>)
    %scan3A_206 = arith.constant 0 : i32
    %scan3A_207 = arith.constant 0 : i32
    %scan3A_208 = arith.constant 60 : i32
    %scan3A_209 = arith.addi %scan3A_207, %scan3A_208 : i32
    %scan3A_210 = arith.constant 1 : i32
    scf.for %scan3A_549 = %scan3A_207 to %scan3A_209 step %scan3A_210  : i32 {
      %mul3A_550 = arith.constant 16 : i32
      %mul3A_551 = arith.muli %mul3A_550, %scan3A_549 : i32
      %add3A_552 = vector.broadcast %mul3A_551 : i32 to vector<16xi32>
      %add3A_553 = arith.addi %iota3A, %add3A_552 : vector<16xi32>
      %jit3A = arith.constant 30 : i32
      %eq3A = arith.constant 0 : i32
      %eq3A_554 = arith.cmpi eq, %jit3A, %eq3A : i32
      %jit3A_555 = arith.constant 1 : i32
      %select_n3A = arith.select %eq3A_554, %jit3A_555, %jit3A : i32
      %rem3A = vector.broadcast %select_n3A : i32 to vector<16xi32>
      %rem3A_556 = arith.remsi %add3A_553, %rem3A : vector<16xi32>
      %ne3A = arith.constant 0 : i32
      %ne3A_557 = vector.broadcast %ne3A : i32 to vector<16xi32>
      %ne3A_558 = arith.cmpi ne, %rem3A_556, %ne3A_557 : vector<16xi32>
      %lt3A_559 = arith.constant 0 : i32
      %lt3A_560 = vector.broadcast %lt3A_559 : i32 to vector<16xi32>
      %lt3A_561 = arith.cmpi slt, %rem3A_556, %lt3A_560 : vector<16xi32>
      %lt3A_562 = arith.constant 0 : i32
      %lt3A_563 = arith.cmpi slt, %select_n3A, %lt3A_562 : i32
      %ne3A_564 = vector.broadcast %lt3A_563 : i1 to vector<16xi1>
      %ne3A_565 = vector.broadcast %ne3A_564 : vector<16xi1> to vector<16xi1>
      %ne3A_566 = arith.xori %lt3A_561, %ne3A_565 : vector<16xi1>
      %and3A = arith.andi %ne3A_566, %ne3A_558 : vector<16xi1>
      %add3A_567 = vector.broadcast %select_n3A : i32 to vector<16xi32>
      %add3A_568 = arith.addi %rem3A_556, %add3A_567 : vector<16xi32>
      %select_n3A_569 = arith.select %and3A, %add3A_568, %rem3A_556 : vector<16xi1>, vector<16xi32>
      %sub3A = arith.subi %add3A_553, %select_n3A_569 : vector<16xi32>
      %shift_right_arithmetic3A = arith.constant 1 : i32
      %shift_right_arithmetic3A_570 = vector.broadcast %shift_right_arithmetic3A : i32 to vector<16xi32>
      %shift_right_arithmetic3A_571 = arith.shrsi %sub3A, %shift_right_arithmetic3A_570 : vector<16xi32>
      %mul3A_572 = arith.constant -286331153 : i32
      %mul3A_573 = vector.broadcast %mul3A_572 : i32 to vector<16xi32>
      %mul3A_574 = arith.muli %shift_right_arithmetic3A_571, %mul3A_573 : vector<16xi32>
      %add3A_575 = arith.constant 224 : i32
      %add3A_576 = vector.broadcast %add3A_575 : i32 to vector<16xi32>
      %add3A_577 = arith.addi %mul3A_574, %add3A_576 : vector<16xi32>
      %gather3A = tpu.vector_load_idx %arg5[%add3A_577, %select_n3A_569] : memref<512x30xi32, #tpu.memory_space<vmem>>[vector<16xi32>, vector<16xi32>], vector<16xi32>,
      %mul3A_578 = arith.constant 16 : i32
      %mul3A_579 = arith.muli %mul3A_578, %scan3A_549 : i32
      %swap3A = arith.index_cast %mul3A_579 : i32 to index
      %swap3A_580 = tpu.vector_load %arg7[%swap3A] {strides = array<i32>} : memref<960xi32, #tpu.memory_space<vmem>>, vector<16xi32>,
      tpu.vector_store %arg7[%swap3A], %gather3A {strides = array<i32>} : memref<960xi32, #tpu.memory_space<vmem>>, vector<16xi32>,
    }
    %scan3A_211 = arith.constant 60 : i32
    %dma_start3A_212 = arith.constant 0 : i32
    %dma_start3A_213 = arith.constant 0 : i32
    %dma_start3A_214 = tpu.memref_slice %arg2[%dma_start3A_212, %dma_start3A_213] : memref<1000000x32xf32, #tpu.memory_space<hbm>> -> memref<1000000x32xf32, #tpu.memory_space<hbm>>
    tpu.enqueue_indirect_dma source(%dma_start3A_214 : memref<1000000x32xf32, #tpu.memory_space<hbm>>) target(%arg9 : memref<960x32xf32, #tpu.memory_space<vmem>>) offsets(%arg7 : memref<960xi32, #tpu.memory_space<vmem>>) semaphore(%arg13 : memref<!tpu.dma_semaphore, #tpu.memory_space<semaphore_mem>>)
    %dma_wait3A_215 = arith.constant 0 : i32
    %dma_wait3A_216 = arith.constant 0 : i32
    %dma_wait3A_217 = tpu.memref_slice %arg2[%dma_wait3A_215, %dma_wait3A_216] : memref<1000000x32xf32, #tpu.memory_space<hbm>> -> memref<1000000x32xf32, #tpu.memory_space<hbm>>
    tpu.wait_indirect_dma semaphore(%arg12 : memref<!tpu.dma_semaphore, #tpu.memory_space<semaphore_mem>>) src(%dma_wait3A_217 : memref<1000000x32xf32, #tpu.memory_space<hbm>>) dst(%arg8 : memref<960x32xf32, #tpu.memory_space<vmem>>)
    %dma_wait3A_218 = arith.constant 0 : i32
    %dma_wait3A_219 = arith.constant 0 : i32
    %dma_wait3A_220 = tpu.memref_slice %arg4[%add3A_165, %dma_wait3A_218, %dma_wait3A_219] : memref<16384x30x20xf32, #tpu.memory_space<hbm>> -> memref<32x30x20xf32, #tpu.memory_space<hbm>>
    %dma_wait3A_221 = arith.constant 0 : i32
    %dma_wait3A_222 = arith.constant 0 : i32
    %dma_wait3A_223 = tpu.memref_slice %arg4[%add3A_165, %dma_wait3A_221, %dma_wait3A_222] : memref<16384x30x20xf32, #tpu.memory_space<hbm>> -> memref<32x30x20xf32, #tpu.memory_space<hbm>>
    tpu.wait_dma2 semaphore(%arg14 : memref<!tpu.dma_semaphore, #tpu.memory_space<semaphore_mem>>) src(%arg10 : memref<32x30x20xf32, #tpu.memory_space<vmem>>) dst(%dma_wait3A_223 : memref<32x30x20xf32, #tpu.memory_space<hbm>>)
    %scan3A_224 = arith.constant 0 : i32
    %scan3A_225 = arith.constant 0 : i32
    %scan3A_226 = arith.constant 32 : i32
    %scan3A_227 = arith.addi %scan3A_225, %scan3A_226 : i32
    %scan3A_228 = arith.constant 1 : i32
    scf.for %scan3A_549 = %scan3A_225 to %scan3A_227 step %scan3A_228  : i32 {
      %scan3A_550 = arith.constant 0 : i32
      %scan3A_551 = arith.constant 30 : i32
      %scan3A_552 = arith.addi %scan3A_550, %scan3A_551 : i32
      %scan3A_553 = arith.constant 1 : i32
      scf.for %scan3A_555 = %scan3A_550 to %scan3A_552 step %scan3A_553  : i32 {
        %mul3A_556 = arith.constant 30 : i32
        %mul3A_557 = arith.muli %scan3A_549, %mul3A_556 : i32
        %add3A_558 = arith.addi %mul3A_557, %scan3A_555 : i32
        %get3A = arith.index_cast %add3A_558 : i32 to index
        %get3A_559 = arith.constant 0 : index
        %get3A_560 = tpu.vector_load %arg8[%get3A, %get3A_559] {strides = array<i32>} : memref<960x32xf32, #tpu.memory_space<vmem>>, vector<16xf32>,
        %swap3A = arith.index_cast %scan3A_549 : i32 to index
        %swap3A_561 = arith.index_cast %scan3A_555 : i32 to index
        %swap3A_562 = arith.constant 0 : index
        %swap3A_563 = tpu.vector_load %arg10[%swap3A, %swap3A_561, %swap3A_562] {strides = array<i32>} : memref<32x30x20xf32, #tpu.memory_space<vmem>>, vector<16xf32>,
        tpu.vector_store %arg10[%swap3A, %swap3A_561, %swap3A_562], %get3A_560 {strides = array<i32>} : memref<32x30x20xf32, #tpu.memory_space<vmem>>, vector<16xf32>,
        %get3A_564 = arith.index_cast %add3A_558 : i32 to index
        %get3A_565 = arith.constant 16 : index
        %get3A_566 = tpu.vector_load %arg8[%get3A_564, %get3A_565] {strides = array<i32>} : memref<960x32xf32, #tpu.memory_space<vmem>>, vector<16xf32>,
        %mul3A_567 = arith.constant 0 : i32
        %mul3A_568 = vector.broadcast %mul3A_567 : i32 to vector<16xi32>
        %mul3A_569 = arith.muli %mul3A_568, %iota3A : vector<16xi32>
        %add3A_570 = vector.broadcast %scan3A_549 : i32 to vector<16xi32>
        %add3A_571 = arith.addi %add3A_570, %mul3A_569 : vector<16xi32>
        %mul3A_572 = arith.constant 0 : i32
        %mul3A_573 = vector.broadcast %mul3A_572 : i32 to vector<16xi32>
        %mul3A_574 = arith.muli %mul3A_573, %iota3A : vector<16xi32>
        %add3A_575 = vector.broadcast %scan3A_555 : i32 to vector<16xi32>
        %add3A_576 = arith.addi %add3A_575, %mul3A_574 : vector<16xi32>
        tpu.vector_store_idx %arg10[%add3A_571, %add3A_576, %add3A_5], %get3A_566 masked %lt3A_7 : memref<32x30x20xf32, #tpu.memory_space<vmem>>[vector<16xi32>, vector<16xi32>, vector<16xi32>], vector<16xf32>, vector<16xi1>
      }
      %scan3A_554 = arith.constant 30 : i32
    }
    %scan3A_229 = arith.constant 32 : i32
    %mul3A_230 = arith.constant 512 : i32
    %mul3A_231 = arith.muli %add3A, %mul3A_230 : i32
    %add3A_232 = arith.constant 192 : i32
    %add3A_233 = arith.addi %mul3A_231, %add3A_232 : i32
    %dma_start3A_234 = arith.constant 0 : i32
    %dma_start3A_235 = arith.constant 0 : i32
    %dma_start3A_236 = tpu.memref_slice %arg4[%add3A_233, %dma_start3A_234, %dma_start3A_235] : memref<16384x30x20xf32, #tpu.memory_space<hbm>> -> memref<32x30x20xf32, #tpu.memory_space<hbm>>
    %dma_start3A_237 = arith.constant 0 : i32
    %dma_start3A_238 = arith.constant 0 : i32
    %dma_start3A_239 = tpu.memref_slice %arg4[%add3A_233, %dma_start3A_237, %dma_start3A_238] : memref<16384x30x20xf32, #tpu.memory_space<hbm>> -> memref<32x30x20xf32, #tpu.memory_space<hbm>>
    tpu.enqueue_dma source(%arg10 : memref<32x30x20xf32, #tpu.memory_space<vmem>>) target(%dma_start3A_239 : memref<32x30x20xf32, #tpu.memory_space<hbm>>) target_semaphore(%arg14 : memref<!tpu.dma_semaphore, #tpu.memory_space<semaphore_mem>>)
    %scan3A_240 = arith.constant 0 : i32
    %scan3A_241 = arith.constant 0 : i32
    %scan3A_242 = arith.constant 60 : i32
    %scan3A_243 = arith.addi %scan3A_241, %scan3A_242 : i32
    %scan3A_244 = arith.constant 1 : i32
    scf.for %scan3A_549 = %scan3A_241 to %scan3A_243 step %scan3A_244  : i32 {
      %mul3A_550 = arith.constant 16 : i32
      %mul3A_551 = arith.muli %mul3A_550, %scan3A_549 : i32
      %add3A_552 = vector.broadcast %mul3A_551 : i32 to vector<16xi32>
      %add3A_553 = arith.addi %iota3A, %add3A_552 : vector<16xi32>
      %jit3A = arith.constant 30 : i32
      %eq3A = arith.constant 0 : i32
      %eq3A_554 = arith.cmpi eq, %jit3A, %eq3A : i32
      %jit3A_555 = arith.constant 1 : i32
      %select_n3A = arith.select %eq3A_554, %jit3A_555, %jit3A : i32
      %rem3A = vector.broadcast %select_n3A : i32 to vector<16xi32>
      %rem3A_556 = arith.remsi %add3A_553, %rem3A : vector<16xi32>
      %ne3A = arith.constant 0 : i32
      %ne3A_557 = vector.broadcast %ne3A : i32 to vector<16xi32>
      %ne3A_558 = arith.cmpi ne, %rem3A_556, %ne3A_557 : vector<16xi32>
      %lt3A_559 = arith.constant 0 : i32
      %lt3A_560 = vector.broadcast %lt3A_559 : i32 to vector<16xi32>
      %lt3A_561 = arith.cmpi slt, %rem3A_556, %lt3A_560 : vector<16xi32>
      %lt3A_562 = arith.constant 0 : i32
      %lt3A_563 = arith.cmpi slt, %select_n3A, %lt3A_562 : i32
      %ne3A_564 = vector.broadcast %lt3A_563 : i1 to vector<16xi1>
      %ne3A_565 = vector.broadcast %ne3A_564 : vector<16xi1> to vector<16xi1>
      %ne3A_566 = arith.xori %lt3A_561, %ne3A_565 : vector<16xi1>
      %and3A = arith.andi %ne3A_566, %ne3A_558 : vector<16xi1>
      %add3A_567 = vector.broadcast %select_n3A : i32 to vector<16xi32>
      %add3A_568 = arith.addi %rem3A_556, %add3A_567 : vector<16xi32>
      %select_n3A_569 = arith.select %and3A, %add3A_568, %rem3A_556 : vector<16xi1>, vector<16xi32>
      %sub3A = arith.subi %add3A_553, %select_n3A_569 : vector<16xi32>
      %shift_right_arithmetic3A = arith.constant 1 : i32
      %shift_right_arithmetic3A_570 = vector.broadcast %shift_right_arithmetic3A : i32 to vector<16xi32>
      %shift_right_arithmetic3A_571 = arith.shrsi %sub3A, %shift_right_arithmetic3A_570 : vector<16xi32>
      %mul3A_572 = arith.constant -286331153 : i32
      %mul3A_573 = vector.broadcast %mul3A_572 : i32 to vector<16xi32>
      %mul3A_574 = arith.muli %shift_right_arithmetic3A_571, %mul3A_573 : vector<16xi32>
      %add3A_575 = arith.constant 256 : i32
      %add3A_576 = vector.broadcast %add3A_575 : i32 to vector<16xi32>
      %add3A_577 = arith.addi %mul3A_574, %add3A_576 : vector<16xi32>
      %gather3A = tpu.vector_load_idx %arg5[%add3A_577, %select_n3A_569] : memref<512x30xi32, #tpu.memory_space<vmem>>[vector<16xi32>, vector<16xi32>], vector<16xi32>,
      %mul3A_578 = arith.constant 16 : i32
      %mul3A_579 = arith.muli %mul3A_578, %scan3A_549 : i32
      %swap3A = arith.index_cast %mul3A_579 : i32 to index
      %swap3A_580 = tpu.vector_load %arg6[%swap3A] {strides = array<i32>} : memref<960xi32, #tpu.memory_space<vmem>>, vector<16xi32>,
      tpu.vector_store %arg6[%swap3A], %gather3A {strides = array<i32>} : memref<960xi32, #tpu.memory_space<vmem>>, vector<16xi32>,
    }
    %scan3A_245 = arith.constant 60 : i32
    %dma_start3A_246 = arith.constant 0 : i32
    %dma_start3A_247 = arith.constant 0 : i32
    %dma_start3A_248 = tpu.memref_slice %arg2[%dma_start3A_246, %dma_start3A_247] : memref<1000000x32xf32, #tpu.memory_space<hbm>> -> memref<1000000x32xf32, #tpu.memory_space<hbm>>
    tpu.enqueue_indirect_dma source(%dma_start3A_248 : memref<1000000x32xf32, #tpu.memory_space<hbm>>) target(%arg8 : memref<960x32xf32, #tpu.memory_space<vmem>>) offsets(%arg6 : memref<960xi32, #tpu.memory_space<vmem>>) semaphore(%arg12 : memref<!tpu.dma_semaphore, #tpu.memory_space<semaphore_mem>>)
    %dma_wait3A_249 = arith.constant 0 : i32
    %dma_wait3A_250 = arith.constant 0 : i32
    %dma_wait3A_251 = tpu.memref_slice %arg2[%dma_wait3A_249, %dma_wait3A_250] : memref<1000000x32xf32, #tpu.memory_space<hbm>> -> memref<1000000x32xf32, #tpu.memory_space<hbm>>
    tpu.wait_indirect_dma semaphore(%arg13 : memref<!tpu.dma_semaphore, #tpu.memory_space<semaphore_mem>>) src(%dma_wait3A_251 : memref<1000000x32xf32, #tpu.memory_space<hbm>>) dst(%arg9 : memref<960x32xf32, #tpu.memory_space<vmem>>)
    %dma_wait3A_252 = arith.constant 0 : i32
    %dma_wait3A_253 = arith.constant 0 : i32
    %dma_wait3A_254 = tpu.memref_slice %arg4[%add3A_199, %dma_wait3A_252, %dma_wait3A_253] : memref<16384x30x20xf32, #tpu.memory_space<hbm>> -> memref<32x30x20xf32, #tpu.memory_space<hbm>>
    %dma_wait3A_255 = arith.constant 0 : i32
    %dma_wait3A_256 = arith.constant 0 : i32
    %dma_wait3A_257 = tpu.memref_slice %arg4[%add3A_199, %dma_wait3A_255, %dma_wait3A_256] : memref<16384x30x20xf32, #tpu.memory_space<hbm>> -> memref<32x30x20xf32, #tpu.memory_space<hbm>>
    tpu.wait_dma2 semaphore(%arg15 : memref<!tpu.dma_semaphore, #tpu.memory_space<semaphore_mem>>) src(%arg11 : memref<32x30x20xf32, #tpu.memory_space<vmem>>) dst(%dma_wait3A_257 : memref<32x30x20xf32, #tpu.memory_space<hbm>>)
    %scan3A_258 = arith.constant 0 : i32
    %scan3A_259 = arith.constant 0 : i32
    %scan3A_260 = arith.constant 32 : i32
    %scan3A_261 = arith.addi %scan3A_259, %scan3A_260 : i32
    %scan3A_262 = arith.constant 1 : i32
    scf.for %scan3A_549 = %scan3A_259 to %scan3A_261 step %scan3A_262  : i32 {
      %scan3A_550 = arith.constant 0 : i32
      %scan3A_551 = arith.constant 30 : i32
      %scan3A_552 = arith.addi %scan3A_550, %scan3A_551 : i32
      %scan3A_553 = arith.constant 1 : i32
      scf.for %scan3A_555 = %scan3A_550 to %scan3A_552 step %scan3A_553  : i32 {
        %mul3A_556 = arith.constant 30 : i32
        %mul3A_557 = arith.muli %scan3A_549, %mul3A_556 : i32
        %add3A_558 = arith.addi %mul3A_557, %scan3A_555 : i32
        %get3A = arith.index_cast %add3A_558 : i32 to index
        %get3A_559 = arith.constant 0 : index
        %get3A_560 = tpu.vector_load %arg9[%get3A, %get3A_559] {strides = array<i32>} : memref<960x32xf32, #tpu.memory_space<vmem>>, vector<16xf32>,
        %swap3A = arith.index_cast %scan3A_549 : i32 to index
        %swap3A_561 = arith.index_cast %scan3A_555 : i32 to index
        %swap3A_562 = arith.constant 0 : index
        %swap3A_563 = tpu.vector_load %arg11[%swap3A, %swap3A_561, %swap3A_562] {strides = array<i32>} : memref<32x30x20xf32, #tpu.memory_space<vmem>>, vector<16xf32>,
        tpu.vector_store %arg11[%swap3A, %swap3A_561, %swap3A_562], %get3A_560 {strides = array<i32>} : memref<32x30x20xf32, #tpu.memory_space<vmem>>, vector<16xf32>,
        %get3A_564 = arith.index_cast %add3A_558 : i32 to index
        %get3A_565 = arith.constant 16 : index
        %get3A_566 = tpu.vector_load %arg9[%get3A_564, %get3A_565] {strides = array<i32>} : memref<960x32xf32, #tpu.memory_space<vmem>>, vector<16xf32>,
        %mul3A_567 = arith.constant 0 : i32
        %mul3A_568 = vector.broadcast %mul3A_567 : i32 to vector<16xi32>
        %mul3A_569 = arith.muli %mul3A_568, %iota3A : vector<16xi32>
        %add3A_570 = vector.broadcast %scan3A_549 : i32 to vector<16xi32>
        %add3A_571 = arith.addi %add3A_570, %mul3A_569 : vector<16xi32>
        %mul3A_572 = arith.constant 0 : i32
        %mul3A_573 = vector.broadcast %mul3A_572 : i32 to vector<16xi32>
        %mul3A_574 = arith.muli %mul3A_573, %iota3A : vector<16xi32>
        %add3A_575 = vector.broadcast %scan3A_555 : i32 to vector<16xi32>
        %add3A_576 = arith.addi %add3A_575, %mul3A_574 : vector<16xi32>
        tpu.vector_store_idx %arg11[%add3A_571, %add3A_576, %add3A_5], %get3A_566 masked %lt3A_7 : memref<32x30x20xf32, #tpu.memory_space<vmem>>[vector<16xi32>, vector<16xi32>, vector<16xi32>], vector<16xf32>, vector<16xi1>
      }
      %scan3A_554 = arith.constant 30 : i32
    }
    %scan3A_263 = arith.constant 32 : i32
    %mul3A_264 = arith.constant 512 : i32
    %mul3A_265 = arith.muli %add3A, %mul3A_264 : i32
    %add3A_266 = arith.constant 224 : i32
    %add3A_267 = arith.addi %mul3A_265, %add3A_266 : i32
    %dma_start3A_268 = arith.constant 0 : i32
    %dma_start3A_269 = arith.constant 0 : i32
    %dma_start3A_270 = tpu.memref_slice %arg4[%add3A_267, %dma_start3A_268, %dma_start3A_269] : memref<16384x30x20xf32, #tpu.memory_space<hbm>> -> memref<32x30x20xf32, #tpu.memory_space<hbm>>
    %dma_start3A_271 = arith.constant 0 : i32
    %dma_start3A_272 = arith.constant 0 : i32
    %dma_start3A_273 = tpu.memref_slice %arg4[%add3A_267, %dma_start3A_271, %dma_start3A_272] : memref<16384x30x20xf32, #tpu.memory_space<hbm>> -> memref<32x30x20xf32, #tpu.memory_space<hbm>>
    tpu.enqueue_dma source(%arg11 : memref<32x30x20xf32, #tpu.memory_space<vmem>>) target(%dma_start3A_273 : memref<32x30x20xf32, #tpu.memory_space<hbm>>) target_semaphore(%arg15 : memref<!tpu.dma_semaphore, #tpu.memory_space<semaphore_mem>>)
    %scan3A_274 = arith.constant 0 : i32
    %scan3A_275 = arith.constant 0 : i32
    %scan3A_276 = arith.constant 60 : i32
    %scan3A_277 = arith.addi %scan3A_275, %scan3A_276 : i32
    %scan3A_278 = arith.constant 1 : i32
    scf.for %scan3A_549 = %scan3A_275 to %scan3A_277 step %scan3A_278  : i32 {
      %mul3A_550 = arith.constant 16 : i32
      %mul3A_551 = arith.muli %mul3A_550, %scan3A_549 : i32
      %add3A_552 = vector.broadcast %mul3A_551 : i32 to vector<16xi32>
      %add3A_553 = arith.addi %iota3A, %add3A_552 : vector<16xi32>
      %jit3A = arith.constant 30 : i32
      %eq3A = arith.constant 0 : i32
      %eq3A_554 = arith.cmpi eq, %jit3A, %eq3A : i32
      %jit3A_555 = arith.constant 1 : i32
      %select_n3A = arith.select %eq3A_554, %jit3A_555, %jit3A : i32
      %rem3A = vector.broadcast %select_n3A : i32 to vector<16xi32>
      %rem3A_556 = arith.remsi %add3A_553, %rem3A : vector<16xi32>
      %ne3A = arith.constant 0 : i32
      %ne3A_557 = vector.broadcast %ne3A : i32 to vector<16xi32>
      %ne3A_558 = arith.cmpi ne, %rem3A_556, %ne3A_557 : vector<16xi32>
      %lt3A_559 = arith.constant 0 : i32
      %lt3A_560 = vector.broadcast %lt3A_559 : i32 to vector<16xi32>
      %lt3A_561 = arith.cmpi slt, %rem3A_556, %lt3A_560 : vector<16xi32>
      %lt3A_562 = arith.constant 0 : i32
      %lt3A_563 = arith.cmpi slt, %select_n3A, %lt3A_562 : i32
      %ne3A_564 = vector.broadcast %lt3A_563 : i1 to vector<16xi1>
      %ne3A_565 = vector.broadcast %ne3A_564 : vector<16xi1> to vector<16xi1>
      %ne3A_566 = arith.xori %lt3A_561, %ne3A_565 : vector<16xi1>
      %and3A = arith.andi %ne3A_566, %ne3A_558 : vector<16xi1>
      %add3A_567 = vector.broadcast %select_n3A : i32 to vector<16xi32>
      %add3A_568 = arith.addi %rem3A_556, %add3A_567 : vector<16xi32>
      %select_n3A_569 = arith.select %and3A, %add3A_568, %rem3A_556 : vector<16xi1>, vector<16xi32>
      %sub3A = arith.subi %add3A_553, %select_n3A_569 : vector<16xi32>
      %shift_right_arithmetic3A = arith.constant 1 : i32
      %shift_right_arithmetic3A_570 = vector.broadcast %shift_right_arithmetic3A : i32 to vector<16xi32>
      %shift_right_arithmetic3A_571 = arith.shrsi %sub3A, %shift_right_arithmetic3A_570 : vector<16xi32>
      %mul3A_572 = arith.constant -286331153 : i32
      %mul3A_573 = vector.broadcast %mul3A_572 : i32 to vector<16xi32>
      %mul3A_574 = arith.muli %shift_right_arithmetic3A_571, %mul3A_573 : vector<16xi32>
      %add3A_575 = arith.constant 288 : i32
      %add3A_576 = vector.broadcast %add3A_575 : i32 to vector<16xi32>
      %add3A_577 = arith.addi %mul3A_574, %add3A_576 : vector<16xi32>
      %gather3A = tpu.vector_load_idx %arg5[%add3A_577, %select_n3A_569] : memref<512x30xi32, #tpu.memory_space<vmem>>[vector<16xi32>, vector<16xi32>], vector<16xi32>,
      %mul3A_578 = arith.constant 16 : i32
      %mul3A_579 = arith.muli %mul3A_578, %scan3A_549 : i32
      %swap3A = arith.index_cast %mul3A_579 : i32 to index
      %swap3A_580 = tpu.vector_load %arg7[%swap3A] {strides = array<i32>} : memref<960xi32, #tpu.memory_space<vmem>>, vector<16xi32>,
      tpu.vector_store %arg7[%swap3A], %gather3A {strides = array<i32>} : memref<960xi32, #tpu.memory_space<vmem>>, vector<16xi32>,
    }
    %scan3A_279 = arith.constant 60 : i32
    %dma_start3A_280 = arith.constant 0 : i32
    %dma_start3A_281 = arith.constant 0 : i32
    %dma_start3A_282 = tpu.memref_slice %arg2[%dma_start3A_280, %dma_start3A_281] : memref<1000000x32xf32, #tpu.memory_space<hbm>> -> memref<1000000x32xf32, #tpu.memory_space<hbm>>
    tpu.enqueue_indirect_dma source(%dma_start3A_282 : memref<1000000x32xf32, #tpu.memory_space<hbm>>) target(%arg9 : memref<960x32xf32, #tpu.memory_space<vmem>>) offsets(%arg7 : memref<960xi32, #tpu.memory_space<vmem>>) semaphore(%arg13 : memref<!tpu.dma_semaphore, #tpu.memory_space<semaphore_mem>>)
    %dma_wait3A_283 = arith.constant 0 : i32
    %dma_wait3A_284 = arith.constant 0 : i32
    %dma_wait3A_285 = tpu.memref_slice %arg2[%dma_wait3A_283, %dma_wait3A_284] : memref<1000000x32xf32, #tpu.memory_space<hbm>> -> memref<1000000x32xf32, #tpu.memory_space<hbm>>
    tpu.wait_indirect_dma semaphore(%arg12 : memref<!tpu.dma_semaphore, #tpu.memory_space<semaphore_mem>>) src(%dma_wait3A_285 : memref<1000000x32xf32, #tpu.memory_space<hbm>>) dst(%arg8 : memref<960x32xf32, #tpu.memory_space<vmem>>)
    %dma_wait3A_286 = arith.constant 0 : i32
    %dma_wait3A_287 = arith.constant 0 : i32
    %dma_wait3A_288 = tpu.memref_slice %arg4[%add3A_233, %dma_wait3A_286, %dma_wait3A_287] : memref<16384x30x20xf32, #tpu.memory_space<hbm>> -> memref<32x30x20xf32, #tpu.memory_space<hbm>>
    %dma_wait3A_289 = arith.constant 0 : i32
    %dma_wait3A_290 = arith.constant 0 : i32
    %dma_wait3A_291 = tpu.memref_slice %arg4[%add3A_233, %dma_wait3A_289, %dma_wait3A_290] : memref<16384x30x20xf32, #tpu.memory_space<hbm>> -> memref<32x30x20xf32, #tpu.memory_space<hbm>>
    tpu.wait_dma2 semaphore(%arg14 : memref<!tpu.dma_semaphore, #tpu.memory_space<semaphore_mem>>) src(%arg10 : memref<32x30x20xf32, #tpu.memory_space<vmem>>) dst(%dma_wait3A_291 : memref<32x30x20xf32, #tpu.memory_space<hbm>>)
    %scan3A_292 = arith.constant 0 : i32
    %scan3A_293 = arith.constant 0 : i32
    %scan3A_294 = arith.constant 32 : i32
    %scan3A_295 = arith.addi %scan3A_293, %scan3A_294 : i32
    %scan3A_296 = arith.constant 1 : i32
    scf.for %scan3A_549 = %scan3A_293 to %scan3A_295 step %scan3A_296  : i32 {
      %scan3A_550 = arith.constant 0 : i32
      %scan3A_551 = arith.constant 30 : i32
      %scan3A_552 = arith.addi %scan3A_550, %scan3A_551 : i32
      %scan3A_553 = arith.constant 1 : i32
      scf.for %scan3A_555 = %scan3A_550 to %scan3A_552 step %scan3A_553  : i32 {
        %mul3A_556 = arith.constant 30 : i32
        %mul3A_557 = arith.muli %scan3A_549, %mul3A_556 : i32
        %add3A_558 = arith.addi %mul3A_557, %scan3A_555 : i32
        %get3A = arith.index_cast %add3A_558 : i32 to index
        %get3A_559 = arith.constant 0 : index
        %get3A_560 = tpu.vector_load %arg8[%get3A, %get3A_559] {strides = array<i32>} : memref<960x32xf32, #tpu.memory_space<vmem>>, vector<16xf32>,
        %swap3A = arith.index_cast %scan3A_549 : i32 to index
        %swap3A_561 = arith.index_cast %scan3A_555 : i32 to index
        %swap3A_562 = arith.constant 0 : index
        %swap3A_563 = tpu.vector_load %arg10[%swap3A, %swap3A_561, %swap3A_562] {strides = array<i32>} : memref<32x30x20xf32, #tpu.memory_space<vmem>>, vector<16xf32>,
        tpu.vector_store %arg10[%swap3A, %swap3A_561, %swap3A_562], %get3A_560 {strides = array<i32>} : memref<32x30x20xf32, #tpu.memory_space<vmem>>, vector<16xf32>,
        %get3A_564 = arith.index_cast %add3A_558 : i32 to index
        %get3A_565 = arith.constant 16 : index
        %get3A_566 = tpu.vector_load %arg8[%get3A_564, %get3A_565] {strides = array<i32>} : memref<960x32xf32, #tpu.memory_space<vmem>>, vector<16xf32>,
        %mul3A_567 = arith.constant 0 : i32
        %mul3A_568 = vector.broadcast %mul3A_567 : i32 to vector<16xi32>
        %mul3A_569 = arith.muli %mul3A_568, %iota3A : vector<16xi32>
        %add3A_570 = vector.broadcast %scan3A_549 : i32 to vector<16xi32>
        %add3A_571 = arith.addi %add3A_570, %mul3A_569 : vector<16xi32>
        %mul3A_572 = arith.constant 0 : i32
        %mul3A_573 = vector.broadcast %mul3A_572 : i32 to vector<16xi32>
        %mul3A_574 = arith.muli %mul3A_573, %iota3A : vector<16xi32>
        %add3A_575 = vector.broadcast %scan3A_555 : i32 to vector<16xi32>
        %add3A_576 = arith.addi %add3A_575, %mul3A_574 : vector<16xi32>
        tpu.vector_store_idx %arg10[%add3A_571, %add3A_576, %add3A_5], %get3A_566 masked %lt3A_7 : memref<32x30x20xf32, #tpu.memory_space<vmem>>[vector<16xi32>, vector<16xi32>, vector<16xi32>], vector<16xf32>, vector<16xi1>
      }
      %scan3A_554 = arith.constant 30 : i32
    }
    %scan3A_297 = arith.constant 32 : i32
    %mul3A_298 = arith.constant 512 : i32
    %mul3A_299 = arith.muli %add3A, %mul3A_298 : i32
    %add3A_300 = arith.constant 256 : i32
    %add3A_301 = arith.addi %mul3A_299, %add3A_300 : i32
    %dma_start3A_302 = arith.constant 0 : i32
    %dma_start3A_303 = arith.constant 0 : i32
    %dma_start3A_304 = tpu.memref_slice %arg4[%add3A_301, %dma_start3A_302, %dma_start3A_303] : memref<16384x30x20xf32, #tpu.memory_space<hbm>> -> memref<32x30x20xf32, #tpu.memory_space<hbm>>
    %dma_start3A_305 = arith.constant 0 : i32
    %dma_start3A_306 = arith.constant 0 : i32
    %dma_start3A_307 = tpu.memref_slice %arg4[%add3A_301, %dma_start3A_305, %dma_start3A_306] : memref<16384x30x20xf32, #tpu.memory_space<hbm>> -> memref<32x30x20xf32, #tpu.memory_space<hbm>>
    tpu.enqueue_dma source(%arg10 : memref<32x30x20xf32, #tpu.memory_space<vmem>>) target(%dma_start3A_307 : memref<32x30x20xf32, #tpu.memory_space<hbm>>) target_semaphore(%arg14 : memref<!tpu.dma_semaphore, #tpu.memory_space<semaphore_mem>>)
    %scan3A_308 = arith.constant 0 : i32
    %scan3A_309 = arith.constant 0 : i32
    %scan3A_310 = arith.constant 60 : i32
    %scan3A_311 = arith.addi %scan3A_309, %scan3A_310 : i32
    %scan3A_312 = arith.constant 1 : i32
    scf.for %scan3A_549 = %scan3A_309 to %scan3A_311 step %scan3A_312  : i32 {
      %mul3A_550 = arith.constant 16 : i32
      %mul3A_551 = arith.muli %mul3A_550, %scan3A_549 : i32
      %add3A_552 = vector.broadcast %mul3A_551 : i32 to vector<16xi32>
      %add3A_553 = arith.addi %iota3A, %add3A_552 : vector<16xi32>
      %jit3A = arith.constant 30 : i32
      %eq3A = arith.constant 0 : i32
      %eq3A_554 = arith.cmpi eq, %jit3A, %eq3A : i32
      %jit3A_555 = arith.constant 1 : i32
      %select_n3A = arith.select %eq3A_554, %jit3A_555, %jit3A : i32
      %rem3A = vector.broadcast %select_n3A : i32 to vector<16xi32>
      %rem3A_556 = arith.remsi %add3A_553, %rem3A : vector<16xi32>
      %ne3A = arith.constant 0 : i32
      %ne3A_557 = vector.broadcast %ne3A : i32 to vector<16xi32>
      %ne3A_558 = arith.cmpi ne, %rem3A_556, %ne3A_557 : vector<16xi32>
      %lt3A_559 = arith.constant 0 : i32
      %lt3A_560 = vector.broadcast %lt3A_559 : i32 to vector<16xi32>
      %lt3A_561 = arith.cmpi slt, %rem3A_556, %lt3A_560 : vector<16xi32>
      %lt3A_562 = arith.constant 0 : i32
      %lt3A_563 = arith.cmpi slt, %select_n3A, %lt3A_562 : i32
      %ne3A_564 = vector.broadcast %lt3A_563 : i1 to vector<16xi1>
      %ne3A_565 = vector.broadcast %ne3A_564 : vector<16xi1> to vector<16xi1>
      %ne3A_566 = arith.xori %lt3A_561, %ne3A_565 : vector<16xi1>
      %and3A = arith.andi %ne3A_566, %ne3A_558 : vector<16xi1>
      %add3A_567 = vector.broadcast %select_n3A : i32 to vector<16xi32>
      %add3A_568 = arith.addi %rem3A_556, %add3A_567 : vector<16xi32>
      %select_n3A_569 = arith.select %and3A, %add3A_568, %rem3A_556 : vector<16xi1>, vector<16xi32>
      %sub3A = arith.subi %add3A_553, %select_n3A_569 : vector<16xi32>
      %shift_right_arithmetic3A = arith.constant 1 : i32
      %shift_right_arithmetic3A_570 = vector.broadcast %shift_right_arithmetic3A : i32 to vector<16xi32>
      %shift_right_arithmetic3A_571 = arith.shrsi %sub3A, %shift_right_arithmetic3A_570 : vector<16xi32>
      %mul3A_572 = arith.constant -286331153 : i32
      %mul3A_573 = vector.broadcast %mul3A_572 : i32 to vector<16xi32>
      %mul3A_574 = arith.muli %shift_right_arithmetic3A_571, %mul3A_573 : vector<16xi32>
      %add3A_575 = arith.constant 320 : i32
      %add3A_576 = vector.broadcast %add3A_575 : i32 to vector<16xi32>
      %add3A_577 = arith.addi %mul3A_574, %add3A_576 : vector<16xi32>
      %gather3A = tpu.vector_load_idx %arg5[%add3A_577, %select_n3A_569] : memref<512x30xi32, #tpu.memory_space<vmem>>[vector<16xi32>, vector<16xi32>], vector<16xi32>,
      %mul3A_578 = arith.constant 16 : i32
      %mul3A_579 = arith.muli %mul3A_578, %scan3A_549 : i32
      %swap3A = arith.index_cast %mul3A_579 : i32 to index
      %swap3A_580 = tpu.vector_load %arg6[%swap3A] {strides = array<i32>} : memref<960xi32, #tpu.memory_space<vmem>>, vector<16xi32>,
      tpu.vector_store %arg6[%swap3A], %gather3A {strides = array<i32>} : memref<960xi32, #tpu.memory_space<vmem>>, vector<16xi32>,
    }
    %scan3A_313 = arith.constant 60 : i32
    %dma_start3A_314 = arith.constant 0 : i32
    %dma_start3A_315 = arith.constant 0 : i32
    %dma_start3A_316 = tpu.memref_slice %arg2[%dma_start3A_314, %dma_start3A_315] : memref<1000000x32xf32, #tpu.memory_space<hbm>> -> memref<1000000x32xf32, #tpu.memory_space<hbm>>
    tpu.enqueue_indirect_dma source(%dma_start3A_316 : memref<1000000x32xf32, #tpu.memory_space<hbm>>) target(%arg8 : memref<960x32xf32, #tpu.memory_space<vmem>>) offsets(%arg6 : memref<960xi32, #tpu.memory_space<vmem>>) semaphore(%arg12 : memref<!tpu.dma_semaphore, #tpu.memory_space<semaphore_mem>>)
    %dma_wait3A_317 = arith.constant 0 : i32
    %dma_wait3A_318 = arith.constant 0 : i32
    %dma_wait3A_319 = tpu.memref_slice %arg2[%dma_wait3A_317, %dma_wait3A_318] : memref<1000000x32xf32, #tpu.memory_space<hbm>> -> memref<1000000x32xf32, #tpu.memory_space<hbm>>
    tpu.wait_indirect_dma semaphore(%arg13 : memref<!tpu.dma_semaphore, #tpu.memory_space<semaphore_mem>>) src(%dma_wait3A_319 : memref<1000000x32xf32, #tpu.memory_space<hbm>>) dst(%arg9 : memref<960x32xf32, #tpu.memory_space<vmem>>)
    %dma_wait3A_320 = arith.constant 0 : i32
    %dma_wait3A_321 = arith.constant 0 : i32
    %dma_wait3A_322 = tpu.memref_slice %arg4[%add3A_267, %dma_wait3A_320, %dma_wait3A_321] : memref<16384x30x20xf32, #tpu.memory_space<hbm>> -> memref<32x30x20xf32, #tpu.memory_space<hbm>>
    %dma_wait3A_323 = arith.constant 0 : i32
    %dma_wait3A_324 = arith.constant 0 : i32
    %dma_wait3A_325 = tpu.memref_slice %arg4[%add3A_267, %dma_wait3A_323, %dma_wait3A_324] : memref<16384x30x20xf32, #tpu.memory_space<hbm>> -> memref<32x30x20xf32, #tpu.memory_space<hbm>>
    tpu.wait_dma2 semaphore(%arg15 : memref<!tpu.dma_semaphore, #tpu.memory_space<semaphore_mem>>) src(%arg11 : memref<32x30x20xf32, #tpu.memory_space<vmem>>) dst(%dma_wait3A_325 : memref<32x30x20xf32, #tpu.memory_space<hbm>>)
    %scan3A_326 = arith.constant 0 : i32
    %scan3A_327 = arith.constant 0 : i32
    %scan3A_328 = arith.constant 32 : i32
    %scan3A_329 = arith.addi %scan3A_327, %scan3A_328 : i32
    %scan3A_330 = arith.constant 1 : i32
    scf.for %scan3A_549 = %scan3A_327 to %scan3A_329 step %scan3A_330  : i32 {
      %scan3A_550 = arith.constant 0 : i32
      %scan3A_551 = arith.constant 30 : i32
      %scan3A_552 = arith.addi %scan3A_550, %scan3A_551 : i32
      %scan3A_553 = arith.constant 1 : i32
      scf.for %scan3A_555 = %scan3A_550 to %scan3A_552 step %scan3A_553  : i32 {
        %mul3A_556 = arith.constant 30 : i32
        %mul3A_557 = arith.muli %scan3A_549, %mul3A_556 : i32
        %add3A_558 = arith.addi %mul3A_557, %scan3A_555 : i32
        %get3A = arith.index_cast %add3A_558 : i32 to index
        %get3A_559 = arith.constant 0 : index
        %get3A_560 = tpu.vector_load %arg9[%get3A, %get3A_559] {strides = array<i32>} : memref<960x32xf32, #tpu.memory_space<vmem>>, vector<16xf32>,
        %swap3A = arith.index_cast %scan3A_549 : i32 to index
        %swap3A_561 = arith.index_cast %scan3A_555 : i32 to index
        %swap3A_562 = arith.constant 0 : index
        %swap3A_563 = tpu.vector_load %arg11[%swap3A, %swap3A_561, %swap3A_562] {strides = array<i32>} : memref<32x30x20xf32, #tpu.memory_space<vmem>>, vector<16xf32>,
        tpu.vector_store %arg11[%swap3A, %swap3A_561, %swap3A_562], %get3A_560 {strides = array<i32>} : memref<32x30x20xf32, #tpu.memory_space<vmem>>, vector<16xf32>,
        %get3A_564 = arith.index_cast %add3A_558 : i32 to index
        %get3A_565 = arith.constant 16 : index
        %get3A_566 = tpu.vector_load %arg9[%get3A_564, %get3A_565] {strides = array<i32>} : memref<960x32xf32, #tpu.memory_space<vmem>>, vector<16xf32>,
        %mul3A_567 = arith.constant 0 : i32
        %mul3A_568 = vector.broadcast %mul3A_567 : i32 to vector<16xi32>
        %mul3A_569 = arith.muli %mul3A_568, %iota3A : vector<16xi32>
        %add3A_570 = vector.broadcast %scan3A_549 : i32 to vector<16xi32>
        %add3A_571 = arith.addi %add3A_570, %mul3A_569 : vector<16xi32>
        %mul3A_572 = arith.constant 0 : i32
        %mul3A_573 = vector.broadcast %mul3A_572 : i32 to vector<16xi32>
        %mul3A_574 = arith.muli %mul3A_573, %iota3A : vector<16xi32>
        %add3A_575 = vector.broadcast %scan3A_555 : i32 to vector<16xi32>
        %add3A_576 = arith.addi %add3A_575, %mul3A_574 : vector<16xi32>
        tpu.vector_store_idx %arg11[%add3A_571, %add3A_576, %add3A_5], %get3A_566 masked %lt3A_7 : memref<32x30x20xf32, #tpu.memory_space<vmem>>[vector<16xi32>, vector<16xi32>, vector<16xi32>], vector<16xf32>, vector<16xi1>
      }
      %scan3A_554 = arith.constant 30 : i32
    }
    %scan3A_331 = arith.constant 32 : i32
    %mul3A_332 = arith.constant 512 : i32
    %mul3A_333 = arith.muli %add3A, %mul3A_332 : i32
    %add3A_334 = arith.constant 288 : i32
    %add3A_335 = arith.addi %mul3A_333, %add3A_334 : i32
    %dma_start3A_336 = arith.constant 0 : i32
    %dma_start3A_337 = arith.constant 0 : i32
    %dma_start3A_338 = tpu.memref_slice %arg4[%add3A_335, %dma_start3A_336, %dma_start3A_337] : memref<16384x30x20xf32, #tpu.memory_space<hbm>> -> memref<32x30x20xf32, #tpu.memory_space<hbm>>
    %dma_start3A_339 = arith.constant 0 : i32
    %dma_start3A_340 = arith.constant 0 : i32
    %dma_start3A_341 = tpu.memref_slice %arg4[%add3A_335, %dma_start3A_339, %dma_start3A_340] : memref<16384x30x20xf32, #tpu.memory_space<hbm>> -> memref<32x30x20xf32, #tpu.memory_space<hbm>>
    tpu.enqueue_dma source(%arg11 : memref<32x30x20xf32, #tpu.memory_space<vmem>>) target(%dma_start3A_341 : memref<32x30x20xf32, #tpu.memory_space<hbm>>) target_semaphore(%arg15 : memref<!tpu.dma_semaphore, #tpu.memory_space<semaphore_mem>>)
    %scan3A_342 = arith.constant 0 : i32
    %scan3A_343 = arith.constant 0 : i32
    %scan3A_344 = arith.constant 60 : i32
    %scan3A_345 = arith.addi %scan3A_343, %scan3A_344 : i32
    %scan3A_346 = arith.constant 1 : i32
    scf.for %scan3A_549 = %scan3A_343 to %scan3A_345 step %scan3A_346  : i32 {
      %mul3A_550 = arith.constant 16 : i32
      %mul3A_551 = arith.muli %mul3A_550, %scan3A_549 : i32
      %add3A_552 = vector.broadcast %mul3A_551 : i32 to vector<16xi32>
      %add3A_553 = arith.addi %iota3A, %add3A_552 : vector<16xi32>
      %jit3A = arith.constant 30 : i32
      %eq3A = arith.constant 0 : i32
      %eq3A_554 = arith.cmpi eq, %jit3A, %eq3A : i32
      %jit3A_555 = arith.constant 1 : i32
      %select_n3A = arith.select %eq3A_554, %jit3A_555, %jit3A : i32
      %rem3A = vector.broadcast %select_n3A : i32 to vector<16xi32>
      %rem3A_556 = arith.remsi %add3A_553, %rem3A : vector<16xi32>
      %ne3A = arith.constant 0 : i32
      %ne3A_557 = vector.broadcast %ne3A : i32 to vector<16xi32>
      %ne3A_558 = arith.cmpi ne, %rem3A_556, %ne3A_557 : vector<16xi32>
      %lt3A_559 = arith.constant 0 : i32
      %lt3A_560 = vector.broadcast %lt3A_559 : i32 to vector<16xi32>
      %lt3A_561 = arith.cmpi slt, %rem3A_556, %lt3A_560 : vector<16xi32>
      %lt3A_562 = arith.constant 0 : i32
      %lt3A_563 = arith.cmpi slt, %select_n3A, %lt3A_562 : i32
      %ne3A_564 = vector.broadcast %lt3A_563 : i1 to vector<16xi1>
      %ne3A_565 = vector.broadcast %ne3A_564 : vector<16xi1> to vector<16xi1>
      %ne3A_566 = arith.xori %lt3A_561, %ne3A_565 : vector<16xi1>
      %and3A = arith.andi %ne3A_566, %ne3A_558 : vector<16xi1>
      %add3A_567 = vector.broadcast %select_n3A : i32 to vector<16xi32>
      %add3A_568 = arith.addi %rem3A_556, %add3A_567 : vector<16xi32>
      %select_n3A_569 = arith.select %and3A, %add3A_568, %rem3A_556 : vector<16xi1>, vector<16xi32>
      %sub3A = arith.subi %add3A_553, %select_n3A_569 : vector<16xi32>
      %shift_right_arithmetic3A = arith.constant 1 : i32
      %shift_right_arithmetic3A_570 = vector.broadcast %shift_right_arithmetic3A : i32 to vector<16xi32>
      %shift_right_arithmetic3A_571 = arith.shrsi %sub3A, %shift_right_arithmetic3A_570 : vector<16xi32>
      %mul3A_572 = arith.constant -286331153 : i32
      %mul3A_573 = vector.broadcast %mul3A_572 : i32 to vector<16xi32>
      %mul3A_574 = arith.muli %shift_right_arithmetic3A_571, %mul3A_573 : vector<16xi32>
      %add3A_575 = arith.constant 352 : i32
      %add3A_576 = vector.broadcast %add3A_575 : i32 to vector<16xi32>
      %add3A_577 = arith.addi %mul3A_574, %add3A_576 : vector<16xi32>
      %gather3A = tpu.vector_load_idx %arg5[%add3A_577, %select_n3A_569] : memref<512x30xi32, #tpu.memory_space<vmem>>[vector<16xi32>, vector<16xi32>], vector<16xi32>,
      %mul3A_578 = arith.constant 16 : i32
      %mul3A_579 = arith.muli %mul3A_578, %scan3A_549 : i32
      %swap3A = arith.index_cast %mul3A_579 : i32 to index
      %swap3A_580 = tpu.vector_load %arg7[%swap3A] {strides = array<i32>} : memref<960xi32, #tpu.memory_space<vmem>>, vector<16xi32>,
      tpu.vector_store %arg7[%swap3A], %gather3A {strides = array<i32>} : memref<960xi32, #tpu.memory_space<vmem>>, vector<16xi32>,
    }
    %scan3A_347 = arith.constant 60 : i32
    %dma_start3A_348 = arith.constant 0 : i32
    %dma_start3A_349 = arith.constant 0 : i32
    %dma_start3A_350 = tpu.memref_slice %arg2[%dma_start3A_348, %dma_start3A_349] : memref<1000000x32xf32, #tpu.memory_space<hbm>> -> memref<1000000x32xf32, #tpu.memory_space<hbm>>
    tpu.enqueue_indirect_dma source(%dma_start3A_350 : memref<1000000x32xf32, #tpu.memory_space<hbm>>) target(%arg9 : memref<960x32xf32, #tpu.memory_space<vmem>>) offsets(%arg7 : memref<960xi32, #tpu.memory_space<vmem>>) semaphore(%arg13 : memref<!tpu.dma_semaphore, #tpu.memory_space<semaphore_mem>>)
    %dma_wait3A_351 = arith.constant 0 : i32
    %dma_wait3A_352 = arith.constant 0 : i32
    %dma_wait3A_353 = tpu.memref_slice %arg2[%dma_wait3A_351, %dma_wait3A_352] : memref<1000000x32xf32, #tpu.memory_space<hbm>> -> memref<1000000x32xf32, #tpu.memory_space<hbm>>
    tpu.wait_indirect_dma semaphore(%arg12 : memref<!tpu.dma_semaphore, #tpu.memory_space<semaphore_mem>>) src(%dma_wait3A_353 : memref<1000000x32xf32, #tpu.memory_space<hbm>>) dst(%arg8 : memref<960x32xf32, #tpu.memory_space<vmem>>)
    %dma_wait3A_354 = arith.constant 0 : i32
    %dma_wait3A_355 = arith.constant 0 : i32
    %dma_wait3A_356 = tpu.memref_slice %arg4[%add3A_301, %dma_wait3A_354, %dma_wait3A_355] : memref<16384x30x20xf32, #tpu.memory_space<hbm>> -> memref<32x30x20xf32, #tpu.memory_space<hbm>>
    %dma_wait3A_357 = arith.constant 0 : i32
    %dma_wait3A_358 = arith.constant 0 : i32
    %dma_wait3A_359 = tpu.memref_slice %arg4[%add3A_301, %dma_wait3A_357, %dma_wait3A_358] : memref<16384x30x20xf32, #tpu.memory_space<hbm>> -> memref<32x30x20xf32, #tpu.memory_space<hbm>>
    tpu.wait_dma2 semaphore(%arg14 : memref<!tpu.dma_semaphore, #tpu.memory_space<semaphore_mem>>) src(%arg10 : memref<32x30x20xf32, #tpu.memory_space<vmem>>) dst(%dma_wait3A_359 : memref<32x30x20xf32, #tpu.memory_space<hbm>>)
    %scan3A_360 = arith.constant 0 : i32
    %scan3A_361 = arith.constant 0 : i32
    %scan3A_362 = arith.constant 32 : i32
    %scan3A_363 = arith.addi %scan3A_361, %scan3A_362 : i32
    %scan3A_364 = arith.constant 1 : i32
    scf.for %scan3A_549 = %scan3A_361 to %scan3A_363 step %scan3A_364  : i32 {
      %scan3A_550 = arith.constant 0 : i32
      %scan3A_551 = arith.constant 30 : i32
      %scan3A_552 = arith.addi %scan3A_550, %scan3A_551 : i32
      %scan3A_553 = arith.constant 1 : i32
      scf.for %scan3A_555 = %scan3A_550 to %scan3A_552 step %scan3A_553  : i32 {
        %mul3A_556 = arith.constant 30 : i32
        %mul3A_557 = arith.muli %scan3A_549, %mul3A_556 : i32
        %add3A_558 = arith.addi %mul3A_557, %scan3A_555 : i32
        %get3A = arith.index_cast %add3A_558 : i32 to index
        %get3A_559 = arith.constant 0 : index
        %get3A_560 = tpu.vector_load %arg8[%get3A, %get3A_559] {strides = array<i32>} : memref<960x32xf32, #tpu.memory_space<vmem>>, vector<16xf32>,
        %swap3A = arith.index_cast %scan3A_549 : i32 to index
        %swap3A_561 = arith.index_cast %scan3A_555 : i32 to index
        %swap3A_562 = arith.constant 0 : index
        %swap3A_563 = tpu.vector_load %arg10[%swap3A, %swap3A_561, %swap3A_562] {strides = array<i32>} : memref<32x30x20xf32, #tpu.memory_space<vmem>>, vector<16xf32>,
        tpu.vector_store %arg10[%swap3A, %swap3A_561, %swap3A_562], %get3A_560 {strides = array<i32>} : memref<32x30x20xf32, #tpu.memory_space<vmem>>, vector<16xf32>,
        %get3A_564 = arith.index_cast %add3A_558 : i32 to index
        %get3A_565 = arith.constant 16 : index
        %get3A_566 = tpu.vector_load %arg8[%get3A_564, %get3A_565] {strides = array<i32>} : memref<960x32xf32, #tpu.memory_space<vmem>>, vector<16xf32>,
        %mul3A_567 = arith.constant 0 : i32
        %mul3A_568 = vector.broadcast %mul3A_567 : i32 to vector<16xi32>
        %mul3A_569 = arith.muli %mul3A_568, %iota3A : vector<16xi32>
        %add3A_570 = vector.broadcast %scan3A_549 : i32 to vector<16xi32>
        %add3A_571 = arith.addi %add3A_570, %mul3A_569 : vector<16xi32>
        %mul3A_572 = arith.constant 0 : i32
        %mul3A_573 = vector.broadcast %mul3A_572 : i32 to vector<16xi32>
        %mul3A_574 = arith.muli %mul3A_573, %iota3A : vector<16xi32>
        %add3A_575 = vector.broadcast %scan3A_555 : i32 to vector<16xi32>
        %add3A_576 = arith.addi %add3A_575, %mul3A_574 : vector<16xi32>
        tpu.vector_store_idx %arg10[%add3A_571, %add3A_576, %add3A_5], %get3A_566 masked %lt3A_7 : memref<32x30x20xf32, #tpu.memory_space<vmem>>[vector<16xi32>, vector<16xi32>, vector<16xi32>], vector<16xf32>, vector<16xi1>
      }
      %scan3A_554 = arith.constant 30 : i32
    }
    %scan3A_365 = arith.constant 32 : i32
    %mul3A_366 = arith.constant 512 : i32
    %mul3A_367 = arith.muli %add3A, %mul3A_366 : i32
    %add3A_368 = arith.constant 320 : i32
    %add3A_369 = arith.addi %mul3A_367, %add3A_368 : i32
    %dma_start3A_370 = arith.constant 0 : i32
    %dma_start3A_371 = arith.constant 0 : i32
    %dma_start3A_372 = tpu.memref_slice %arg4[%add3A_369, %dma_start3A_370, %dma_start3A_371] : memref<16384x30x20xf32, #tpu.memory_space<hbm>> -> memref<32x30x20xf32, #tpu.memory_space<hbm>>
    %dma_start3A_373 = arith.constant 0 : i32
    %dma_start3A_374 = arith.constant 0 : i32
    %dma_start3A_375 = tpu.memref_slice %arg4[%add3A_369, %dma_start3A_373, %dma_start3A_374] : memref<16384x30x20xf32, #tpu.memory_space<hbm>> -> memref<32x30x20xf32, #tpu.memory_space<hbm>>
    tpu.enqueue_dma source(%arg10 : memref<32x30x20xf32, #tpu.memory_space<vmem>>) target(%dma_start3A_375 : memref<32x30x20xf32, #tpu.memory_space<hbm>>) target_semaphore(%arg14 : memref<!tpu.dma_semaphore, #tpu.memory_space<semaphore_mem>>)
    %scan3A_376 = arith.constant 0 : i32
    %scan3A_377 = arith.constant 0 : i32
    %scan3A_378 = arith.constant 60 : i32
    %scan3A_379 = arith.addi %scan3A_377, %scan3A_378 : i32
    %scan3A_380 = arith.constant 1 : i32
    scf.for %scan3A_549 = %scan3A_377 to %scan3A_379 step %scan3A_380  : i32 {
      %mul3A_550 = arith.constant 16 : i32
      %mul3A_551 = arith.muli %mul3A_550, %scan3A_549 : i32
      %add3A_552 = vector.broadcast %mul3A_551 : i32 to vector<16xi32>
      %add3A_553 = arith.addi %iota3A, %add3A_552 : vector<16xi32>
      %jit3A = arith.constant 30 : i32
      %eq3A = arith.constant 0 : i32
      %eq3A_554 = arith.cmpi eq, %jit3A, %eq3A : i32
      %jit3A_555 = arith.constant 1 : i32
      %select_n3A = arith.select %eq3A_554, %jit3A_555, %jit3A : i32
      %rem3A = vector.broadcast %select_n3A : i32 to vector<16xi32>
      %rem3A_556 = arith.remsi %add3A_553, %rem3A : vector<16xi32>
      %ne3A = arith.constant 0 : i32
      %ne3A_557 = vector.broadcast %ne3A : i32 to vector<16xi32>
      %ne3A_558 = arith.cmpi ne, %rem3A_556, %ne3A_557 : vector<16xi32>
      %lt3A_559 = arith.constant 0 : i32
      %lt3A_560 = vector.broadcast %lt3A_559 : i32 to vector<16xi32>
      %lt3A_561 = arith.cmpi slt, %rem3A_556, %lt3A_560 : vector<16xi32>
      %lt3A_562 = arith.constant 0 : i32
      %lt3A_563 = arith.cmpi slt, %select_n3A, %lt3A_562 : i32
      %ne3A_564 = vector.broadcast %lt3A_563 : i1 to vector<16xi1>
      %ne3A_565 = vector.broadcast %ne3A_564 : vector<16xi1> to vector<16xi1>
      %ne3A_566 = arith.xori %lt3A_561, %ne3A_565 : vector<16xi1>
      %and3A = arith.andi %ne3A_566, %ne3A_558 : vector<16xi1>
      %add3A_567 = vector.broadcast %select_n3A : i32 to vector<16xi32>
      %add3A_568 = arith.addi %rem3A_556, %add3A_567 : vector<16xi32>
      %select_n3A_569 = arith.select %and3A, %add3A_568, %rem3A_556 : vector<16xi1>, vector<16xi32>
      %sub3A = arith.subi %add3A_553, %select_n3A_569 : vector<16xi32>
      %shift_right_arithmetic3A = arith.constant 1 : i32
      %shift_right_arithmetic3A_570 = vector.broadcast %shift_right_arithmetic3A : i32 to vector<16xi32>
      %shift_right_arithmetic3A_571 = arith.shrsi %sub3A, %shift_right_arithmetic3A_570 : vector<16xi32>
      %mul3A_572 = arith.constant -286331153 : i32
      %mul3A_573 = vector.broadcast %mul3A_572 : i32 to vector<16xi32>
      %mul3A_574 = arith.muli %shift_right_arithmetic3A_571, %mul3A_573 : vector<16xi32>
      %add3A_575 = arith.constant 384 : i32
      %add3A_576 = vector.broadcast %add3A_575 : i32 to vector<16xi32>
      %add3A_577 = arith.addi %mul3A_574, %add3A_576 : vector<16xi32>
      %gather3A = tpu.vector_load_idx %arg5[%add3A_577, %select_n3A_569] : memref<512x30xi32, #tpu.memory_space<vmem>>[vector<16xi32>, vector<16xi32>], vector<16xi32>,
      %mul3A_578 = arith.constant 16 : i32
      %mul3A_579 = arith.muli %mul3A_578, %scan3A_549 : i32
      %swap3A = arith.index_cast %mul3A_579 : i32 to index
      %swap3A_580 = tpu.vector_load %arg6[%swap3A] {strides = array<i32>} : memref<960xi32, #tpu.memory_space<vmem>>, vector<16xi32>,
      tpu.vector_store %arg6[%swap3A], %gather3A {strides = array<i32>} : memref<960xi32, #tpu.memory_space<vmem>>, vector<16xi32>,
    }
    %scan3A_381 = arith.constant 60 : i32
    %dma_start3A_382 = arith.constant 0 : i32
    %dma_start3A_383 = arith.constant 0 : i32
    %dma_start3A_384 = tpu.memref_slice %arg2[%dma_start3A_382, %dma_start3A_383] : memref<1000000x32xf32, #tpu.memory_space<hbm>> -> memref<1000000x32xf32, #tpu.memory_space<hbm>>
    tpu.enqueue_indirect_dma source(%dma_start3A_384 : memref<1000000x32xf32, #tpu.memory_space<hbm>>) target(%arg8 : memref<960x32xf32, #tpu.memory_space<vmem>>) offsets(%arg6 : memref<960xi32, #tpu.memory_space<vmem>>) semaphore(%arg12 : memref<!tpu.dma_semaphore, #tpu.memory_space<semaphore_mem>>)
    %dma_wait3A_385 = arith.constant 0 : i32
    %dma_wait3A_386 = arith.constant 0 : i32
    %dma_wait3A_387 = tpu.memref_slice %arg2[%dma_wait3A_385, %dma_wait3A_386] : memref<1000000x32xf32, #tpu.memory_space<hbm>> -> memref<1000000x32xf32, #tpu.memory_space<hbm>>
    tpu.wait_indirect_dma semaphore(%arg13 : memref<!tpu.dma_semaphore, #tpu.memory_space<semaphore_mem>>) src(%dma_wait3A_387 : memref<1000000x32xf32, #tpu.memory_space<hbm>>) dst(%arg9 : memref<960x32xf32, #tpu.memory_space<vmem>>)
    %dma_wait3A_388 = arith.constant 0 : i32
    %dma_wait3A_389 = arith.constant 0 : i32
    %dma_wait3A_390 = tpu.memref_slice %arg4[%add3A_335, %dma_wait3A_388, %dma_wait3A_389] : memref<16384x30x20xf32, #tpu.memory_space<hbm>> -> memref<32x30x20xf32, #tpu.memory_space<hbm>>
    %dma_wait3A_391 = arith.constant 0 : i32
    %dma_wait3A_392 = arith.constant 0 : i32
    %dma_wait3A_393 = tpu.memref_slice %arg4[%add3A_335, %dma_wait3A_391, %dma_wait3A_392] : memref<16384x30x20xf32, #tpu.memory_space<hbm>> -> memref<32x30x20xf32, #tpu.memory_space<hbm>>
    tpu.wait_dma2 semaphore(%arg15 : memref<!tpu.dma_semaphore, #tpu.memory_space<semaphore_mem>>) src(%arg11 : memref<32x30x20xf32, #tpu.memory_space<vmem>>) dst(%dma_wait3A_393 : memref<32x30x20xf32, #tpu.memory_space<hbm>>)
    %scan3A_394 = arith.constant 0 : i32
    %scan3A_395 = arith.constant 0 : i32
    %scan3A_396 = arith.constant 32 : i32
    %scan3A_397 = arith.addi %scan3A_395, %scan3A_396 : i32
    %scan3A_398 = arith.constant 1 : i32
    scf.for %scan3A_549 = %scan3A_395 to %scan3A_397 step %scan3A_398  : i32 {
      %scan3A_550 = arith.constant 0 : i32
      %scan3A_551 = arith.constant 30 : i32
      %scan3A_552 = arith.addi %scan3A_550, %scan3A_551 : i32
      %scan3A_553 = arith.constant 1 : i32
      scf.for %scan3A_555 = %scan3A_550 to %scan3A_552 step %scan3A_553  : i32 {
        %mul3A_556 = arith.constant 30 : i32
        %mul3A_557 = arith.muli %scan3A_549, %mul3A_556 : i32
        %add3A_558 = arith.addi %mul3A_557, %scan3A_555 : i32
        %get3A = arith.index_cast %add3A_558 : i32 to index
        %get3A_559 = arith.constant 0 : index
        %get3A_560 = tpu.vector_load %arg9[%get3A, %get3A_559] {strides = array<i32>} : memref<960x32xf32, #tpu.memory_space<vmem>>, vector<16xf32>,
        %swap3A = arith.index_cast %scan3A_549 : i32 to index
        %swap3A_561 = arith.index_cast %scan3A_555 : i32 to index
        %swap3A_562 = arith.constant 0 : index
        %swap3A_563 = tpu.vector_load %arg11[%swap3A, %swap3A_561, %swap3A_562] {strides = array<i32>} : memref<32x30x20xf32, #tpu.memory_space<vmem>>, vector<16xf32>,
        tpu.vector_store %arg11[%swap3A, %swap3A_561, %swap3A_562], %get3A_560 {strides = array<i32>} : memref<32x30x20xf32, #tpu.memory_space<vmem>>, vector<16xf32>,
        %get3A_564 = arith.index_cast %add3A_558 : i32 to index
        %get3A_565 = arith.constant 16 : index
        %get3A_566 = tpu.vector_load %arg9[%get3A_564, %get3A_565] {strides = array<i32>} : memref<960x32xf32, #tpu.memory_space<vmem>>, vector<16xf32>,
        %mul3A_567 = arith.constant 0 : i32
        %mul3A_568 = vector.broadcast %mul3A_567 : i32 to vector<16xi32>
        %mul3A_569 = arith.muli %mul3A_568, %iota3A : vector<16xi32>
        %add3A_570 = vector.broadcast %scan3A_549 : i32 to vector<16xi32>
        %add3A_571 = arith.addi %add3A_570, %mul3A_569 : vector<16xi32>
        %mul3A_572 = arith.constant 0 : i32
        %mul3A_573 = vector.broadcast %mul3A_572 : i32 to vector<16xi32>
        %mul3A_574 = arith.muli %mul3A_573, %iota3A : vector<16xi32>
        %add3A_575 = vector.broadcast %scan3A_555 : i32 to vector<16xi32>
        %add3A_576 = arith.addi %add3A_575, %mul3A_574 : vector<16xi32>
        tpu.vector_store_idx %arg11[%add3A_571, %add3A_576, %add3A_5], %get3A_566 masked %lt3A_7 : memref<32x30x20xf32, #tpu.memory_space<vmem>>[vector<16xi32>, vector<16xi32>, vector<16xi32>], vector<16xf32>, vector<16xi1>
      }
      %scan3A_554 = arith.constant 30 : i32
    }
    %scan3A_399 = arith.constant 32 : i32
    %mul3A_400 = arith.constant 512 : i32
    %mul3A_401 = arith.muli %add3A, %mul3A_400 : i32
    %add3A_402 = arith.constant 352 : i32
    %add3A_403 = arith.addi %mul3A_401, %add3A_402 : i32
    %dma_start3A_404 = arith.constant 0 : i32
    %dma_start3A_405 = arith.constant 0 : i32
    %dma_start3A_406 = tpu.memref_slice %arg4[%add3A_403, %dma_start3A_404, %dma_start3A_405] : memref<16384x30x20xf32, #tpu.memory_space<hbm>> -> memref<32x30x20xf32, #tpu.memory_space<hbm>>
    %dma_start3A_407 = arith.constant 0 : i32
    %dma_start3A_408 = arith.constant 0 : i32
    %dma_start3A_409 = tpu.memref_slice %arg4[%add3A_403, %dma_start3A_407, %dma_start3A_408] : memref<16384x30x20xf32, #tpu.memory_space<hbm>> -> memref<32x30x20xf32, #tpu.memory_space<hbm>>
    tpu.enqueue_dma source(%arg11 : memref<32x30x20xf32, #tpu.memory_space<vmem>>) target(%dma_start3A_409 : memref<32x30x20xf32, #tpu.memory_space<hbm>>) target_semaphore(%arg15 : memref<!tpu.dma_semaphore, #tpu.memory_space<semaphore_mem>>)
    %scan3A_410 = arith.constant 0 : i32
    %scan3A_411 = arith.constant 0 : i32
    %scan3A_412 = arith.constant 60 : i32
    %scan3A_413 = arith.addi %scan3A_411, %scan3A_412 : i32
    %scan3A_414 = arith.constant 1 : i32
    scf.for %scan3A_549 = %scan3A_411 to %scan3A_413 step %scan3A_414  : i32 {
      %mul3A_550 = arith.constant 16 : i32
      %mul3A_551 = arith.muli %mul3A_550, %scan3A_549 : i32
      %add3A_552 = vector.broadcast %mul3A_551 : i32 to vector<16xi32>
      %add3A_553 = arith.addi %iota3A, %add3A_552 : vector<16xi32>
      %jit3A = arith.constant 30 : i32
      %eq3A = arith.constant 0 : i32
      %eq3A_554 = arith.cmpi eq, %jit3A, %eq3A : i32
      %jit3A_555 = arith.constant 1 : i32
      %select_n3A = arith.select %eq3A_554, %jit3A_555, %jit3A : i32
      %rem3A = vector.broadcast %select_n3A : i32 to vector<16xi32>
      %rem3A_556 = arith.remsi %add3A_553, %rem3A : vector<16xi32>
      %ne3A = arith.constant 0 : i32
      %ne3A_557 = vector.broadcast %ne3A : i32 to vector<16xi32>
      %ne3A_558 = arith.cmpi ne, %rem3A_556, %ne3A_557 : vector<16xi32>
      %lt3A_559 = arith.constant 0 : i32
      %lt3A_560 = vector.broadcast %lt3A_559 : i32 to vector<16xi32>
      %lt3A_561 = arith.cmpi slt, %rem3A_556, %lt3A_560 : vector<16xi32>
      %lt3A_562 = arith.constant 0 : i32
      %lt3A_563 = arith.cmpi slt, %select_n3A, %lt3A_562 : i32
      %ne3A_564 = vector.broadcast %lt3A_563 : i1 to vector<16xi1>
      %ne3A_565 = vector.broadcast %ne3A_564 : vector<16xi1> to vector<16xi1>
      %ne3A_566 = arith.xori %lt3A_561, %ne3A_565 : vector<16xi1>
      %and3A = arith.andi %ne3A_566, %ne3A_558 : vector<16xi1>
      %add3A_567 = vector.broadcast %select_n3A : i32 to vector<16xi32>
      %add3A_568 = arith.addi %rem3A_556, %add3A_567 : vector<16xi32>
      %select_n3A_569 = arith.select %and3A, %add3A_568, %rem3A_556 : vector<16xi1>, vector<16xi32>
      %sub3A = arith.subi %add3A_553, %select_n3A_569 : vector<16xi32>
      %shift_right_arithmetic3A = arith.constant 1 : i32
      %shift_right_arithmetic3A_570 = vector.broadcast %shift_right_arithmetic3A : i32 to vector<16xi32>
      %shift_right_arithmetic3A_571 = arith.shrsi %sub3A, %shift_right_arithmetic3A_570 : vector<16xi32>
      %mul3A_572 = arith.constant -286331153 : i32
      %mul3A_573 = vector.broadcast %mul3A_572 : i32 to vector<16xi32>
      %mul3A_574 = arith.muli %shift_right_arithmetic3A_571, %mul3A_573 : vector<16xi32>
      %add3A_575 = arith.constant 416 : i32
      %add3A_576 = vector.broadcast %add3A_575 : i32 to vector<16xi32>
      %add3A_577 = arith.addi %mul3A_574, %add3A_576 : vector<16xi32>
      %gather3A = tpu.vector_load_idx %arg5[%add3A_577, %select_n3A_569] : memref<512x30xi32, #tpu.memory_space<vmem>>[vector<16xi32>, vector<16xi32>], vector<16xi32>,
      %mul3A_578 = arith.constant 16 : i32
      %mul3A_579 = arith.muli %mul3A_578, %scan3A_549 : i32
      %swap3A = arith.index_cast %mul3A_579 : i32 to index
      %swap3A_580 = tpu.vector_load %arg7[%swap3A] {strides = array<i32>} : memref<960xi32, #tpu.memory_space<vmem>>, vector<16xi32>,
      tpu.vector_store %arg7[%swap3A], %gather3A {strides = array<i32>} : memref<960xi32, #tpu.memory_space<vmem>>, vector<16xi32>,
    }
    %scan3A_415 = arith.constant 60 : i32
    %dma_start3A_416 = arith.constant 0 : i32
    %dma_start3A_417 = arith.constant 0 : i32
    %dma_start3A_418 = tpu.memref_slice %arg2[%dma_start3A_416, %dma_start3A_417] : memref<1000000x32xf32, #tpu.memory_space<hbm>> -> memref<1000000x32xf32, #tpu.memory_space<hbm>>
    tpu.enqueue_indirect_dma source(%dma_start3A_418 : memref<1000000x32xf32, #tpu.memory_space<hbm>>) target(%arg9 : memref<960x32xf32, #tpu.memory_space<vmem>>) offsets(%arg7 : memref<960xi32, #tpu.memory_space<vmem>>) semaphore(%arg13 : memref<!tpu.dma_semaphore, #tpu.memory_space<semaphore_mem>>)
    %dma_wait3A_419 = arith.constant 0 : i32
    %dma_wait3A_420 = arith.constant 0 : i32
    %dma_wait3A_421 = tpu.memref_slice %arg2[%dma_wait3A_419, %dma_wait3A_420] : memref<1000000x32xf32, #tpu.memory_space<hbm>> -> memref<1000000x32xf32, #tpu.memory_space<hbm>>
    tpu.wait_indirect_dma semaphore(%arg12 : memref<!tpu.dma_semaphore, #tpu.memory_space<semaphore_mem>>) src(%dma_wait3A_421 : memref<1000000x32xf32, #tpu.memory_space<hbm>>) dst(%arg8 : memref<960x32xf32, #tpu.memory_space<vmem>>)
    %dma_wait3A_422 = arith.constant 0 : i32
    %dma_wait3A_423 = arith.constant 0 : i32
    %dma_wait3A_424 = tpu.memref_slice %arg4[%add3A_369, %dma_wait3A_422, %dma_wait3A_423] : memref<16384x30x20xf32, #tpu.memory_space<hbm>> -> memref<32x30x20xf32, #tpu.memory_space<hbm>>
    %dma_wait3A_425 = arith.constant 0 : i32
    %dma_wait3A_426 = arith.constant 0 : i32
    %dma_wait3A_427 = tpu.memref_slice %arg4[%add3A_369, %dma_wait3A_425, %dma_wait3A_426] : memref<16384x30x20xf32, #tpu.memory_space<hbm>> -> memref<32x30x20xf32, #tpu.memory_space<hbm>>
    tpu.wait_dma2 semaphore(%arg14 : memref<!tpu.dma_semaphore, #tpu.memory_space<semaphore_mem>>) src(%arg10 : memref<32x30x20xf32, #tpu.memory_space<vmem>>) dst(%dma_wait3A_427 : memref<32x30x20xf32, #tpu.memory_space<hbm>>)
    %scan3A_428 = arith.constant 0 : i32
    %scan3A_429 = arith.constant 0 : i32
    %scan3A_430 = arith.constant 32 : i32
    %scan3A_431 = arith.addi %scan3A_429, %scan3A_430 : i32
    %scan3A_432 = arith.constant 1 : i32
    scf.for %scan3A_549 = %scan3A_429 to %scan3A_431 step %scan3A_432  : i32 {
      %scan3A_550 = arith.constant 0 : i32
      %scan3A_551 = arith.constant 30 : i32
      %scan3A_552 = arith.addi %scan3A_550, %scan3A_551 : i32
      %scan3A_553 = arith.constant 1 : i32
      scf.for %scan3A_555 = %scan3A_550 to %scan3A_552 step %scan3A_553  : i32 {
        %mul3A_556 = arith.constant 30 : i32
        %mul3A_557 = arith.muli %scan3A_549, %mul3A_556 : i32
        %add3A_558 = arith.addi %mul3A_557, %scan3A_555 : i32
        %get3A = arith.index_cast %add3A_558 : i32 to index
        %get3A_559 = arith.constant 0 : index
        %get3A_560 = tpu.vector_load %arg8[%get3A, %get3A_559] {strides = array<i32>} : memref<960x32xf32, #tpu.memory_space<vmem>>, vector<16xf32>,
        %swap3A = arith.index_cast %scan3A_549 : i32 to index
        %swap3A_561 = arith.index_cast %scan3A_555 : i32 to index
        %swap3A_562 = arith.constant 0 : index
        %swap3A_563 = tpu.vector_load %arg10[%swap3A, %swap3A_561, %swap3A_562] {strides = array<i32>} : memref<32x30x20xf32, #tpu.memory_space<vmem>>, vector<16xf32>,
        tpu.vector_store %arg10[%swap3A, %swap3A_561, %swap3A_562], %get3A_560 {strides = array<i32>} : memref<32x30x20xf32, #tpu.memory_space<vmem>>, vector<16xf32>,
        %get3A_564 = arith.index_cast %add3A_558 : i32 to index
        %get3A_565 = arith.constant 16 : index
        %get3A_566 = tpu.vector_load %arg8[%get3A_564, %get3A_565] {strides = array<i32>} : memref<960x32xf32, #tpu.memory_space<vmem>>, vector<16xf32>,
        %mul3A_567 = arith.constant 0 : i32
        %mul3A_568 = vector.broadcast %mul3A_567 : i32 to vector<16xi32>
        %mul3A_569 = arith.muli %mul3A_568, %iota3A : vector<16xi32>
        %add3A_570 = vector.broadcast %scan3A_549 : i32 to vector<16xi32>
        %add3A_571 = arith.addi %add3A_570, %mul3A_569 : vector<16xi32>
        %mul3A_572 = arith.constant 0 : i32
        %mul3A_573 = vector.broadcast %mul3A_572 : i32 to vector<16xi32>
        %mul3A_574 = arith.muli %mul3A_573, %iota3A : vector<16xi32>
        %add3A_575 = vector.broadcast %scan3A_555 : i32 to vector<16xi32>
        %add3A_576 = arith.addi %add3A_575, %mul3A_574 : vector<16xi32>
        tpu.vector_store_idx %arg10[%add3A_571, %add3A_576, %add3A_5], %get3A_566 masked %lt3A_7 : memref<32x30x20xf32, #tpu.memory_space<vmem>>[vector<16xi32>, vector<16xi32>, vector<16xi32>], vector<16xf32>, vector<16xi1>
      }
      %scan3A_554 = arith.constant 30 : i32
    }
    %scan3A_433 = arith.constant 32 : i32
    %mul3A_434 = arith.constant 512 : i32
    %mul3A_435 = arith.muli %add3A, %mul3A_434 : i32
    %add3A_436 = arith.constant 384 : i32
    %add3A_437 = arith.addi %mul3A_435, %add3A_436 : i32
    %dma_start3A_438 = arith.constant 0 : i32
    %dma_start3A_439 = arith.constant 0 : i32
    %dma_start3A_440 = tpu.memref_slice %arg4[%add3A_437, %dma_start3A_438, %dma_start3A_439] : memref<16384x30x20xf32, #tpu.memory_space<hbm>> -> memref<32x30x20xf32, #tpu.memory_space<hbm>>
    %dma_start3A_441 = arith.constant 0 : i32
    %dma_start3A_442 = arith.constant 0 : i32
    %dma_start3A_443 = tpu.memref_slice %arg4[%add3A_437, %dma_start3A_441, %dma_start3A_442] : memref<16384x30x20xf32, #tpu.memory_space<hbm>> -> memref<32x30x20xf32, #tpu.memory_space<hbm>>
    tpu.enqueue_dma source(%arg10 : memref<32x30x20xf32, #tpu.memory_space<vmem>>) target(%dma_start3A_443 : memref<32x30x20xf32, #tpu.memory_space<hbm>>) target_semaphore(%arg14 : memref<!tpu.dma_semaphore, #tpu.memory_space<semaphore_mem>>)
    %scan3A_444 = arith.constant 0 : i32
    %scan3A_445 = arith.constant 0 : i32
    %scan3A_446 = arith.constant 60 : i32
    %scan3A_447 = arith.addi %scan3A_445, %scan3A_446 : i32
    %scan3A_448 = arith.constant 1 : i32
    scf.for %scan3A_549 = %scan3A_445 to %scan3A_447 step %scan3A_448  : i32 {
      %mul3A_550 = arith.constant 16 : i32
      %mul3A_551 = arith.muli %mul3A_550, %scan3A_549 : i32
      %add3A_552 = vector.broadcast %mul3A_551 : i32 to vector<16xi32>
      %add3A_553 = arith.addi %iota3A, %add3A_552 : vector<16xi32>
      %jit3A = arith.constant 30 : i32
      %eq3A = arith.constant 0 : i32
      %eq3A_554 = arith.cmpi eq, %jit3A, %eq3A : i32
      %jit3A_555 = arith.constant 1 : i32
      %select_n3A = arith.select %eq3A_554, %jit3A_555, %jit3A : i32
      %rem3A = vector.broadcast %select_n3A : i32 to vector<16xi32>
      %rem3A_556 = arith.remsi %add3A_553, %rem3A : vector<16xi32>
      %ne3A = arith.constant 0 : i32
      %ne3A_557 = vector.broadcast %ne3A : i32 to vector<16xi32>
      %ne3A_558 = arith.cmpi ne, %rem3A_556, %ne3A_557 : vector<16xi32>
      %lt3A_559 = arith.constant 0 : i32
      %lt3A_560 = vector.broadcast %lt3A_559 : i32 to vector<16xi32>
      %lt3A_561 = arith.cmpi slt, %rem3A_556, %lt3A_560 : vector<16xi32>
      %lt3A_562 = arith.constant 0 : i32
      %lt3A_563 = arith.cmpi slt, %select_n3A, %lt3A_562 : i32
      %ne3A_564 = vector.broadcast %lt3A_563 : i1 to vector<16xi1>
      %ne3A_565 = vector.broadcast %ne3A_564 : vector<16xi1> to vector<16xi1>
      %ne3A_566 = arith.xori %lt3A_561, %ne3A_565 : vector<16xi1>
      %and3A = arith.andi %ne3A_566, %ne3A_558 : vector<16xi1>
      %add3A_567 = vector.broadcast %select_n3A : i32 to vector<16xi32>
      %add3A_568 = arith.addi %rem3A_556, %add3A_567 : vector<16xi32>
      %select_n3A_569 = arith.select %and3A, %add3A_568, %rem3A_556 : vector<16xi1>, vector<16xi32>
      %sub3A = arith.subi %add3A_553, %select_n3A_569 : vector<16xi32>
      %shift_right_arithmetic3A = arith.constant 1 : i32
      %shift_right_arithmetic3A_570 = vector.broadcast %shift_right_arithmetic3A : i32 to vector<16xi32>
      %shift_right_arithmetic3A_571 = arith.shrsi %sub3A, %shift_right_arithmetic3A_570 : vector<16xi32>
      %mul3A_572 = arith.constant -286331153 : i32
      %mul3A_573 = vector.broadcast %mul3A_572 : i32 to vector<16xi32>
      %mul3A_574 = arith.muli %shift_right_arithmetic3A_571, %mul3A_573 : vector<16xi32>
      %add3A_575 = arith.constant 448 : i32
      %add3A_576 = vector.broadcast %add3A_575 : i32 to vector<16xi32>
      %add3A_577 = arith.addi %mul3A_574, %add3A_576 : vector<16xi32>
      %gather3A = tpu.vector_load_idx %arg5[%add3A_577, %select_n3A_569] : memref<512x30xi32, #tpu.memory_space<vmem>>[vector<16xi32>, vector<16xi32>], vector<16xi32>,
      %mul3A_578 = arith.constant 16 : i32
      %mul3A_579 = arith.muli %mul3A_578, %scan3A_549 : i32
      %swap3A = arith.index_cast %mul3A_579 : i32 to index
      %swap3A_580 = tpu.vector_load %arg6[%swap3A] {strides = array<i32>} : memref<960xi32, #tpu.memory_space<vmem>>, vector<16xi32>,
      tpu.vector_store %arg6[%swap3A], %gather3A {strides = array<i32>} : memref<960xi32, #tpu.memory_space<vmem>>, vector<16xi32>,
    }
    %scan3A_449 = arith.constant 60 : i32
    %dma_start3A_450 = arith.constant 0 : i32
    %dma_start3A_451 = arith.constant 0 : i32
    %dma_start3A_452 = tpu.memref_slice %arg2[%dma_start3A_450, %dma_start3A_451] : memref<1000000x32xf32, #tpu.memory_space<hbm>> -> memref<1000000x32xf32, #tpu.memory_space<hbm>>
    tpu.enqueue_indirect_dma source(%dma_start3A_452 : memref<1000000x32xf32, #tpu.memory_space<hbm>>) target(%arg8 : memref<960x32xf32, #tpu.memory_space<vmem>>) offsets(%arg6 : memref<960xi32, #tpu.memory_space<vmem>>) semaphore(%arg12 : memref<!tpu.dma_semaphore, #tpu.memory_space<semaphore_mem>>)
    %dma_wait3A_453 = arith.constant 0 : i32
    %dma_wait3A_454 = arith.constant 0 : i32
    %dma_wait3A_455 = tpu.memref_slice %arg2[%dma_wait3A_453, %dma_wait3A_454] : memref<1000000x32xf32, #tpu.memory_space<hbm>> -> memref<1000000x32xf32, #tpu.memory_space<hbm>>
    tpu.wait_indirect_dma semaphore(%arg13 : memref<!tpu.dma_semaphore, #tpu.memory_space<semaphore_mem>>) src(%dma_wait3A_455 : memref<1000000x32xf32, #tpu.memory_space<hbm>>) dst(%arg9 : memref<960x32xf32, #tpu.memory_space<vmem>>)
    %dma_wait3A_456 = arith.constant 0 : i32
    %dma_wait3A_457 = arith.constant 0 : i32
    %dma_wait3A_458 = tpu.memref_slice %arg4[%add3A_403, %dma_wait3A_456, %dma_wait3A_457] : memref<16384x30x20xf32, #tpu.memory_space<hbm>> -> memref<32x30x20xf32, #tpu.memory_space<hbm>>
    %dma_wait3A_459 = arith.constant 0 : i32
    %dma_wait3A_460 = arith.constant 0 : i32
    %dma_wait3A_461 = tpu.memref_slice %arg4[%add3A_403, %dma_wait3A_459, %dma_wait3A_460] : memref<16384x30x20xf32, #tpu.memory_space<hbm>> -> memref<32x30x20xf32, #tpu.memory_space<hbm>>
    tpu.wait_dma2 semaphore(%arg15 : memref<!tpu.dma_semaphore, #tpu.memory_space<semaphore_mem>>) src(%arg11 : memref<32x30x20xf32, #tpu.memory_space<vmem>>) dst(%dma_wait3A_461 : memref<32x30x20xf32, #tpu.memory_space<hbm>>)
    %scan3A_462 = arith.constant 0 : i32
    %scan3A_463 = arith.constant 0 : i32
    %scan3A_464 = arith.constant 32 : i32
    %scan3A_465 = arith.addi %scan3A_463, %scan3A_464 : i32
    %scan3A_466 = arith.constant 1 : i32
    scf.for %scan3A_549 = %scan3A_463 to %scan3A_465 step %scan3A_466  : i32 {
      %scan3A_550 = arith.constant 0 : i32
      %scan3A_551 = arith.constant 30 : i32
      %scan3A_552 = arith.addi %scan3A_550, %scan3A_551 : i32
      %scan3A_553 = arith.constant 1 : i32
      scf.for %scan3A_555 = %scan3A_550 to %scan3A_552 step %scan3A_553  : i32 {
        %mul3A_556 = arith.constant 30 : i32
        %mul3A_557 = arith.muli %scan3A_549, %mul3A_556 : i32
        %add3A_558 = arith.addi %mul3A_557, %scan3A_555 : i32
        %get3A = arith.index_cast %add3A_558 : i32 to index
        %get3A_559 = arith.constant 0 : index
        %get3A_560 = tpu.vector_load %arg9[%get3A, %get3A_559] {strides = array<i32>} : memref<960x32xf32, #tpu.memory_space<vmem>>, vector<16xf32>,
        %swap3A = arith.index_cast %scan3A_549 : i32 to index
        %swap3A_561 = arith.index_cast %scan3A_555 : i32 to index
        %swap3A_562 = arith.constant 0 : index
        %swap3A_563 = tpu.vector_load %arg11[%swap3A, %swap3A_561, %swap3A_562] {strides = array<i32>} : memref<32x30x20xf32, #tpu.memory_space<vmem>>, vector<16xf32>,
        tpu.vector_store %arg11[%swap3A, %swap3A_561, %swap3A_562], %get3A_560 {strides = array<i32>} : memref<32x30x20xf32, #tpu.memory_space<vmem>>, vector<16xf32>,
        %get3A_564 = arith.index_cast %add3A_558 : i32 to index
        %get3A_565 = arith.constant 16 : index
        %get3A_566 = tpu.vector_load %arg9[%get3A_564, %get3A_565] {strides = array<i32>} : memref<960x32xf32, #tpu.memory_space<vmem>>, vector<16xf32>,
        %mul3A_567 = arith.constant 0 : i32
        %mul3A_568 = vector.broadcast %mul3A_567 : i32 to vector<16xi32>
        %mul3A_569 = arith.muli %mul3A_568, %iota3A : vector<16xi32>
        %add3A_570 = vector.broadcast %scan3A_549 : i32 to vector<16xi32>
        %add3A_571 = arith.addi %add3A_570, %mul3A_569 : vector<16xi32>
        %mul3A_572 = arith.constant 0 : i32
        %mul3A_573 = vector.broadcast %mul3A_572 : i32 to vector<16xi32>
        %mul3A_574 = arith.muli %mul3A_573, %iota3A : vector<16xi32>
        %add3A_575 = vector.broadcast %scan3A_555 : i32 to vector<16xi32>
        %add3A_576 = arith.addi %add3A_575, %mul3A_574 : vector<16xi32>
        tpu.vector_store_idx %arg11[%add3A_571, %add3A_576, %add3A_5], %get3A_566 masked %lt3A_7 : memref<32x30x20xf32, #tpu.memory_space<vmem>>[vector<16xi32>, vector<16xi32>, vector<16xi32>], vector<16xf32>, vector<16xi1>
      }
      %scan3A_554 = arith.constant 30 : i32
    }
    %scan3A_467 = arith.constant 32 : i32
    %mul3A_468 = arith.constant 512 : i32
    %mul3A_469 = arith.muli %add3A, %mul3A_468 : i32
    %add3A_470 = arith.constant 416 : i32
    %add3A_471 = arith.addi %mul3A_469, %add3A_470 : i32
    %dma_start3A_472 = arith.constant 0 : i32
    %dma_start3A_473 = arith.constant 0 : i32
    %dma_start3A_474 = tpu.memref_slice %arg4[%add3A_471, %dma_start3A_472, %dma_start3A_473] : memref<16384x30x20xf32, #tpu.memory_space<hbm>> -> memref<32x30x20xf32, #tpu.memory_space<hbm>>
    %dma_start3A_475 = arith.constant 0 : i32
    %dma_start3A_476 = arith.constant 0 : i32
    %dma_start3A_477 = tpu.memref_slice %arg4[%add3A_471, %dma_start3A_475, %dma_start3A_476] : memref<16384x30x20xf32, #tpu.memory_space<hbm>> -> memref<32x30x20xf32, #tpu.memory_space<hbm>>
    tpu.enqueue_dma source(%arg11 : memref<32x30x20xf32, #tpu.memory_space<vmem>>) target(%dma_start3A_477 : memref<32x30x20xf32, #tpu.memory_space<hbm>>) target_semaphore(%arg15 : memref<!tpu.dma_semaphore, #tpu.memory_space<semaphore_mem>>)
    %scan3A_478 = arith.constant 0 : i32
    %scan3A_479 = arith.constant 0 : i32
    %scan3A_480 = arith.constant 60 : i32
    %scan3A_481 = arith.addi %scan3A_479, %scan3A_480 : i32
    %scan3A_482 = arith.constant 1 : i32
    scf.for %scan3A_549 = %scan3A_479 to %scan3A_481 step %scan3A_482  : i32 {
      %mul3A_550 = arith.constant 16 : i32
      %mul3A_551 = arith.muli %mul3A_550, %scan3A_549 : i32
      %add3A_552 = vector.broadcast %mul3A_551 : i32 to vector<16xi32>
      %add3A_553 = arith.addi %iota3A, %add3A_552 : vector<16xi32>
      %jit3A = arith.constant 30 : i32
      %eq3A = arith.constant 0 : i32
      %eq3A_554 = arith.cmpi eq, %jit3A, %eq3A : i32
      %jit3A_555 = arith.constant 1 : i32
      %select_n3A = arith.select %eq3A_554, %jit3A_555, %jit3A : i32
      %rem3A = vector.broadcast %select_n3A : i32 to vector<16xi32>
      %rem3A_556 = arith.remsi %add3A_553, %rem3A : vector<16xi32>
      %ne3A = arith.constant 0 : i32
      %ne3A_557 = vector.broadcast %ne3A : i32 to vector<16xi32>
      %ne3A_558 = arith.cmpi ne, %rem3A_556, %ne3A_557 : vector<16xi32>
      %lt3A_559 = arith.constant 0 : i32
      %lt3A_560 = vector.broadcast %lt3A_559 : i32 to vector<16xi32>
      %lt3A_561 = arith.cmpi slt, %rem3A_556, %lt3A_560 : vector<16xi32>
      %lt3A_562 = arith.constant 0 : i32
      %lt3A_563 = arith.cmpi slt, %select_n3A, %lt3A_562 : i32
      %ne3A_564 = vector.broadcast %lt3A_563 : i1 to vector<16xi1>
      %ne3A_565 = vector.broadcast %ne3A_564 : vector<16xi1> to vector<16xi1>
      %ne3A_566 = arith.xori %lt3A_561, %ne3A_565 : vector<16xi1>
      %and3A = arith.andi %ne3A_566, %ne3A_558 : vector<16xi1>
      %add3A_567 = vector.broadcast %select_n3A : i32 to vector<16xi32>
      %add3A_568 = arith.addi %rem3A_556, %add3A_567 : vector<16xi32>
      %select_n3A_569 = arith.select %and3A, %add3A_568, %rem3A_556 : vector<16xi1>, vector<16xi32>
      %sub3A = arith.subi %add3A_553, %select_n3A_569 : vector<16xi32>
      %shift_right_arithmetic3A = arith.constant 1 : i32
      %shift_right_arithmetic3A_570 = vector.broadcast %shift_right_arithmetic3A : i32 to vector<16xi32>
      %shift_right_arithmetic3A_571 = arith.shrsi %sub3A, %shift_right_arithmetic3A_570 : vector<16xi32>
      %mul3A_572 = arith.constant -286331153 : i32
      %mul3A_573 = vector.broadcast %mul3A_572 : i32 to vector<16xi32>
      %mul3A_574 = arith.muli %shift_right_arithmetic3A_571, %mul3A_573 : vector<16xi32>
      %add3A_575 = arith.constant 480 : i32
      %add3A_576 = vector.broadcast %add3A_575 : i32 to vector<16xi32>
      %add3A_577 = arith.addi %mul3A_574, %add3A_576 : vector<16xi32>
      %gather3A = tpu.vector_load_idx %arg5[%add3A_577, %select_n3A_569] : memref<512x30xi32, #tpu.memory_space<vmem>>[vector<16xi32>, vector<16xi32>], vector<16xi32>,
      %mul3A_578 = arith.constant 16 : i32
      %mul3A_579 = arith.muli %mul3A_578, %scan3A_549 : i32
      %swap3A = arith.index_cast %mul3A_579 : i32 to index
      %swap3A_580 = tpu.vector_load %arg7[%swap3A] {strides = array<i32>} : memref<960xi32, #tpu.memory_space<vmem>>, vector<16xi32>,
      tpu.vector_store %arg7[%swap3A], %gather3A {strides = array<i32>} : memref<960xi32, #tpu.memory_space<vmem>>, vector<16xi32>,
    }
    %scan3A_483 = arith.constant 60 : i32
    %dma_start3A_484 = arith.constant 0 : i32
    %dma_start3A_485 = arith.constant 0 : i32
    %dma_start3A_486 = tpu.memref_slice %arg2[%dma_start3A_484, %dma_start3A_485] : memref<1000000x32xf32, #tpu.memory_space<hbm>> -> memref<1000000x32xf32, #tpu.memory_space<hbm>>
    tpu.enqueue_indirect_dma source(%dma_start3A_486 : memref<1000000x32xf32, #tpu.memory_space<hbm>>) target(%arg9 : memref<960x32xf32, #tpu.memory_space<vmem>>) offsets(%arg7 : memref<960xi32, #tpu.memory_space<vmem>>) semaphore(%arg13 : memref<!tpu.dma_semaphore, #tpu.memory_space<semaphore_mem>>)
    %dma_wait3A_487 = arith.constant 0 : i32
    %dma_wait3A_488 = arith.constant 0 : i32
    %dma_wait3A_489 = tpu.memref_slice %arg2[%dma_wait3A_487, %dma_wait3A_488] : memref<1000000x32xf32, #tpu.memory_space<hbm>> -> memref<1000000x32xf32, #tpu.memory_space<hbm>>
    tpu.wait_indirect_dma semaphore(%arg12 : memref<!tpu.dma_semaphore, #tpu.memory_space<semaphore_mem>>) src(%dma_wait3A_489 : memref<1000000x32xf32, #tpu.memory_space<hbm>>) dst(%arg8 : memref<960x32xf32, #tpu.memory_space<vmem>>)
    %dma_wait3A_490 = arith.constant 0 : i32
    %dma_wait3A_491 = arith.constant 0 : i32
    %dma_wait3A_492 = tpu.memref_slice %arg4[%add3A_437, %dma_wait3A_490, %dma_wait3A_491] : memref<16384x30x20xf32, #tpu.memory_space<hbm>> -> memref<32x30x20xf32, #tpu.memory_space<hbm>>
    %dma_wait3A_493 = arith.constant 0 : i32
    %dma_wait3A_494 = arith.constant 0 : i32
    %dma_wait3A_495 = tpu.memref_slice %arg4[%add3A_437, %dma_wait3A_493, %dma_wait3A_494] : memref<16384x30x20xf32, #tpu.memory_space<hbm>> -> memref<32x30x20xf32, #tpu.memory_space<hbm>>
    tpu.wait_dma2 semaphore(%arg14 : memref<!tpu.dma_semaphore, #tpu.memory_space<semaphore_mem>>) src(%arg10 : memref<32x30x20xf32, #tpu.memory_space<vmem>>) dst(%dma_wait3A_495 : memref<32x30x20xf32, #tpu.memory_space<hbm>>)
    %scan3A_496 = arith.constant 0 : i32
    %scan3A_497 = arith.constant 0 : i32
    %scan3A_498 = arith.constant 32 : i32
    %scan3A_499 = arith.addi %scan3A_497, %scan3A_498 : i32
    %scan3A_500 = arith.constant 1 : i32
    scf.for %scan3A_549 = %scan3A_497 to %scan3A_499 step %scan3A_500  : i32 {
      %scan3A_550 = arith.constant 0 : i32
      %scan3A_551 = arith.constant 30 : i32
      %scan3A_552 = arith.addi %scan3A_550, %scan3A_551 : i32
      %scan3A_553 = arith.constant 1 : i32
      scf.for %scan3A_555 = %scan3A_550 to %scan3A_552 step %scan3A_553  : i32 {
        %mul3A_556 = arith.constant 30 : i32
        %mul3A_557 = arith.muli %scan3A_549, %mul3A_556 : i32
        %add3A_558 = arith.addi %mul3A_557, %scan3A_555 : i32
        %get3A = arith.index_cast %add3A_558 : i32 to index
        %get3A_559 = arith.constant 0 : index
        %get3A_560 = tpu.vector_load %arg8[%get3A, %get3A_559] {strides = array<i32>} : memref<960x32xf32, #tpu.memory_space<vmem>>, vector<16xf32>,
        %swap3A = arith.index_cast %scan3A_549 : i32 to index
        %swap3A_561 = arith.index_cast %scan3A_555 : i32 to index
        %swap3A_562 = arith.constant 0 : index
        %swap3A_563 = tpu.vector_load %arg10[%swap3A, %swap3A_561, %swap3A_562] {strides = array<i32>} : memref<32x30x20xf32, #tpu.memory_space<vmem>>, vector<16xf32>,
        tpu.vector_store %arg10[%swap3A, %swap3A_561, %swap3A_562], %get3A_560 {strides = array<i32>} : memref<32x30x20xf32, #tpu.memory_space<vmem>>, vector<16xf32>,
        %get3A_564 = arith.index_cast %add3A_558 : i32 to index
        %get3A_565 = arith.constant 16 : index
        %get3A_566 = tpu.vector_load %arg8[%get3A_564, %get3A_565] {strides = array<i32>} : memref<960x32xf32, #tpu.memory_space<vmem>>, vector<16xf32>,
        %mul3A_567 = arith.constant 0 : i32
        %mul3A_568 = vector.broadcast %mul3A_567 : i32 to vector<16xi32>
        %mul3A_569 = arith.muli %mul3A_568, %iota3A : vector<16xi32>
        %add3A_570 = vector.broadcast %scan3A_549 : i32 to vector<16xi32>
        %add3A_571 = arith.addi %add3A_570, %mul3A_569 : vector<16xi32>
        %mul3A_572 = arith.constant 0 : i32
        %mul3A_573 = vector.broadcast %mul3A_572 : i32 to vector<16xi32>
        %mul3A_574 = arith.muli %mul3A_573, %iota3A : vector<16xi32>
        %add3A_575 = vector.broadcast %scan3A_555 : i32 to vector<16xi32>
        %add3A_576 = arith.addi %add3A_575, %mul3A_574 : vector<16xi32>
        tpu.vector_store_idx %arg10[%add3A_571, %add3A_576, %add3A_5], %get3A_566 masked %lt3A_7 : memref<32x30x20xf32, #tpu.memory_space<vmem>>[vector<16xi32>, vector<16xi32>, vector<16xi32>], vector<16xf32>, vector<16xi1>
      }
      %scan3A_554 = arith.constant 30 : i32
    }
    %scan3A_501 = arith.constant 32 : i32
    %mul3A_502 = arith.constant 512 : i32
    %mul3A_503 = arith.muli %add3A, %mul3A_502 : i32
    %add3A_504 = arith.constant 448 : i32
    %add3A_505 = arith.addi %mul3A_503, %add3A_504 : i32
    %dma_start3A_506 = arith.constant 0 : i32
    %dma_start3A_507 = arith.constant 0 : i32
    %dma_start3A_508 = tpu.memref_slice %arg4[%add3A_505, %dma_start3A_506, %dma_start3A_507] : memref<16384x30x20xf32, #tpu.memory_space<hbm>> -> memref<32x30x20xf32, #tpu.memory_space<hbm>>
    %dma_start3A_509 = arith.constant 0 : i32
    %dma_start3A_510 = arith.constant 0 : i32
    %dma_start3A_511 = tpu.memref_slice %arg4[%add3A_505, %dma_start3A_509, %dma_start3A_510] : memref<16384x30x20xf32, #tpu.memory_space<hbm>> -> memref<32x30x20xf32, #tpu.memory_space<hbm>>
    tpu.enqueue_dma source(%arg10 : memref<32x30x20xf32, #tpu.memory_space<vmem>>) target(%dma_start3A_511 : memref<32x30x20xf32, #tpu.memory_space<hbm>>) target_semaphore(%arg14 : memref<!tpu.dma_semaphore, #tpu.memory_space<semaphore_mem>>)
    %dma_wait3A_512 = arith.constant 0 : i32
    %dma_wait3A_513 = arith.constant 0 : i32
    %dma_wait3A_514 = tpu.memref_slice %arg2[%dma_wait3A_512, %dma_wait3A_513] : memref<1000000x32xf32, #tpu.memory_space<hbm>> -> memref<1000000x32xf32, #tpu.memory_space<hbm>>
    tpu.wait_indirect_dma semaphore(%arg13 : memref<!tpu.dma_semaphore, #tpu.memory_space<semaphore_mem>>) src(%dma_wait3A_514 : memref<1000000x32xf32, #tpu.memory_space<hbm>>) dst(%arg9 : memref<960x32xf32, #tpu.memory_space<vmem>>)
    %dma_wait3A_515 = arith.constant 0 : i32
    %dma_wait3A_516 = arith.constant 0 : i32
    %dma_wait3A_517 = tpu.memref_slice %arg4[%add3A_471, %dma_wait3A_515, %dma_wait3A_516] : memref<16384x30x20xf32, #tpu.memory_space<hbm>> -> memref<32x30x20xf32, #tpu.memory_space<hbm>>
    %dma_wait3A_518 = arith.constant 0 : i32
    %dma_wait3A_519 = arith.constant 0 : i32
    %dma_wait3A_520 = tpu.memref_slice %arg4[%add3A_471, %dma_wait3A_518, %dma_wait3A_519] : memref<16384x30x20xf32, #tpu.memory_space<hbm>> -> memref<32x30x20xf32, #tpu.memory_space<hbm>>
    tpu.wait_dma2 semaphore(%arg15 : memref<!tpu.dma_semaphore, #tpu.memory_space<semaphore_mem>>) src(%arg11 : memref<32x30x20xf32, #tpu.memory_space<vmem>>) dst(%dma_wait3A_520 : memref<32x30x20xf32, #tpu.memory_space<hbm>>)
    %scan3A_521 = arith.constant 0 : i32
    %scan3A_522 = arith.constant 0 : i32
    %scan3A_523 = arith.constant 32 : i32
    %scan3A_524 = arith.addi %scan3A_522, %scan3A_523 : i32
    %scan3A_525 = arith.constant 1 : i32
    scf.for %scan3A_549 = %scan3A_522 to %scan3A_524 step %scan3A_525  : i32 {
      %scan3A_550 = arith.constant 0 : i32
      %scan3A_551 = arith.constant 30 : i32
      %scan3A_552 = arith.addi %scan3A_550, %scan3A_551 : i32
      %scan3A_553 = arith.constant 1 : i32
      scf.for %scan3A_555 = %scan3A_550 to %scan3A_552 step %scan3A_553  : i32 {
        %mul3A_556 = arith.constant 30 : i32
        %mul3A_557 = arith.muli %scan3A_549, %mul3A_556 : i32
        %add3A_558 = arith.addi %mul3A_557, %scan3A_555 : i32
        %get3A = arith.index_cast %add3A_558 : i32 to index
        %get3A_559 = arith.constant 0 : index
        %get3A_560 = tpu.vector_load %arg9[%get3A, %get3A_559] {strides = array<i32>} : memref<960x32xf32, #tpu.memory_space<vmem>>, vector<16xf32>,
        %swap3A = arith.index_cast %scan3A_549 : i32 to index
        %swap3A_561 = arith.index_cast %scan3A_555 : i32 to index
        %swap3A_562 = arith.constant 0 : index
        %swap3A_563 = tpu.vector_load %arg11[%swap3A, %swap3A_561, %swap3A_562] {strides = array<i32>} : memref<32x30x20xf32, #tpu.memory_space<vmem>>, vector<16xf32>,
        tpu.vector_store %arg11[%swap3A, %swap3A_561, %swap3A_562], %get3A_560 {strides = array<i32>} : memref<32x30x20xf32, #tpu.memory_space<vmem>>, vector<16xf32>,
        %get3A_564 = arith.index_cast %add3A_558 : i32 to index
        %get3A_565 = arith.constant 16 : index
        %get3A_566 = tpu.vector_load %arg9[%get3A_564, %get3A_565] {strides = array<i32>} : memref<960x32xf32, #tpu.memory_space<vmem>>, vector<16xf32>,
        %mul3A_567 = arith.constant 0 : i32
        %mul3A_568 = vector.broadcast %mul3A_567 : i32 to vector<16xi32>
        %mul3A_569 = arith.muli %mul3A_568, %iota3A : vector<16xi32>
        %add3A_570 = vector.broadcast %scan3A_549 : i32 to vector<16xi32>
        %add3A_571 = arith.addi %add3A_570, %mul3A_569 : vector<16xi32>
        %mul3A_572 = arith.constant 0 : i32
        %mul3A_573 = vector.broadcast %mul3A_572 : i32 to vector<16xi32>
        %mul3A_574 = arith.muli %mul3A_573, %iota3A : vector<16xi32>
        %add3A_575 = vector.broadcast %scan3A_555 : i32 to vector<16xi32>
        %add3A_576 = arith.addi %add3A_575, %mul3A_574 : vector<16xi32>
        tpu.vector_store_idx %arg11[%add3A_571, %add3A_576, %add3A_5], %get3A_566 masked %lt3A_7 : memref<32x30x20xf32, #tpu.memory_space<vmem>>[vector<16xi32>, vector<16xi32>, vector<16xi32>], vector<16xf32>, vector<16xi1>
      }
      %scan3A_554 = arith.constant 30 : i32
    }
    %scan3A_526 = arith.constant 32 : i32
    %mul3A_527 = arith.constant 512 : i32
    %mul3A_528 = arith.muli %add3A, %mul3A_527 : i32
    %add3A_529 = arith.constant 480 : i32
    %add3A_530 = arith.addi %mul3A_528, %add3A_529 : i32
    %dma_start3A_531 = arith.constant 0 : i32
    %dma_start3A_532 = arith.constant 0 : i32
    %dma_start3A_533 = tpu.memref_slice %arg4[%add3A_530, %dma_start3A_531, %dma_start3A_532] : memref<16384x30x20xf32, #tpu.memory_space<hbm>> -> memref<32x30x20xf32, #tpu.memory_space<hbm>>
    %dma_start3A_534 = arith.constant 0 : i32
    %dma_start3A_535 = arith.constant 0 : i32
    %dma_start3A_536 = tpu.memref_slice %arg4[%add3A_530, %dma_start3A_534, %dma_start3A_535] : memref<16384x30x20xf32, #tpu.memory_space<hbm>> -> memref<32x30x20xf32, #tpu.memory_space<hbm>>
    tpu.enqueue_dma source(%arg11 : memref<32x30x20xf32, #tpu.memory_space<vmem>>) target(%dma_start3A_536 : memref<32x30x20xf32, #tpu.memory_space<hbm>>) target_semaphore(%arg15 : memref<!tpu.dma_semaphore, #tpu.memory_space<semaphore_mem>>)
    %dma_wait3A_537 = arith.constant 0 : i32
    %dma_wait3A_538 = arith.constant 0 : i32
    %dma_wait3A_539 = tpu.memref_slice %arg4[%add3A_530, %dma_wait3A_537, %dma_wait3A_538] : memref<16384x30x20xf32, #tpu.memory_space<hbm>> -> memref<32x30x20xf32, #tpu.memory_space<hbm>>
    %dma_wait3A_540 = arith.constant 0 : i32
    %dma_wait3A_541 = arith.constant 0 : i32
    %dma_wait3A_542 = tpu.memref_slice %arg4[%add3A_530, %dma_wait3A_540, %dma_wait3A_541] : memref<16384x30x20xf32, #tpu.memory_space<hbm>> -> memref<32x30x20xf32, #tpu.memory_space<hbm>>
    tpu.wait_dma2 semaphore(%arg15 : memref<!tpu.dma_semaphore, #tpu.memory_space<semaphore_mem>>) src(%arg11 : memref<32x30x20xf32, #tpu.memory_space<vmem>>) dst(%dma_wait3A_542 : memref<32x30x20xf32, #tpu.memory_space<hbm>>)
    %dma_wait3A_543 = arith.constant 0 : i32
    %dma_wait3A_544 = arith.constant 0 : i32
    %dma_wait3A_545 = tpu.memref_slice %arg4[%add3A_505, %dma_wait3A_543, %dma_wait3A_544] : memref<16384x30x20xf32, #tpu.memory_space<hbm>> -> memref<32x30x20xf32, #tpu.memory_space<hbm>>
    %dma_wait3A_546 = arith.constant 0 : i32
    %dma_wait3A_547 = arith.constant 0 : i32
    %dma_wait3A_548 = tpu.memref_slice %arg4[%add3A_505, %dma_wait3A_546, %dma_wait3A_547] : memref<16384x30x20xf32, #tpu.memory_space<hbm>> -> memref<32x30x20xf32, #tpu.memory_space<hbm>>
    tpu.wait_dma2 semaphore(%arg14 : memref<!tpu.dma_semaphore, #tpu.memory_space<semaphore_mem>>) src(%arg10 : memref<32x30x20xf32, #tpu.memory_space<vmem>>) dst(%dma_wait3A_548 : memref<32x30x20xf32, #tpu.memory_space<hbm>>)
    return
  }
}

</mosaic_0001>

<sc_bundles>
// kernel: kernel.3.cloned.1.call-start
scs
__scs_entry_jumppad:
0x0: {  	(pc) =	sbr.rel $0x88, $3  }
0x1: {  	(tag) =	ssettag $0x0;
	lr =	simm.s32 $0x1  }
0x2: {  	[smem:$0x3F9F] =	sst lr;
	_ =	strace $0xD0000000  }
0x3: {  	_ = 	snop  }
0x4: {  	_ = 	snop  }
0x5: {  	_ = 	snop  }
0x6: {  	_ = 	snop  }
0x7: {  	_ = 	snop  }
__scs_overlays_trampoline_lowered:
0x8: {  	[smem:$0x3FAE] =	sst s0  }
0x9: {  	[smem:$0x3FAF] =	sst s1  }
0xa: {  	[smem:$0x3FB0] =	sst s2  }
0xb: {  	[smem:$0x3FB1] =	sst s3  }
0xc: {  	[smem:$0x3FB2] =	sst s4  }
0xd: {  	[smem:$0x3FB3] =	sst s5  }
0xe: {  	[smem:$0x3FB4] =	sst s6  }
0xf: {  	[smem:$0x3FB5] =	sst s7  }
0x10: {  	[smem:$0x3FB6] =	sst s8  }
0x11: {  	[smem:$0x3FB7] =	sst s9;
	s0 =	simm.s32 @!p0 $0x0  }
0x12: {  	s1 =	sld [smem:$0x3F9D];
	s0 =	simm.s32 @p0 $0x1  }
0x13: {  	[smem:$0x3FB8] =	sst s0;
	s0 =	simm.s32 @!p1 $0x0  }
0x14: {  	s2 =	sld [smem:$0x3F9C];
	s0 =	simm.s32 @p1 $0x1  }
0x15: {  	[smem:$0x3FB9] =	sst s0;
	s0 =	simm.s32 @!p2 $0x0  }
0x16: {  	s3 =	sld [smem:$0x3FDB];
	s0 =	simm.s32 @p2 $0x1  }
0x17: {  	s4 =	simm.s32 $0x1BF5;
	[smem:$0x3FBB] =	sst s0  }
0x18: {  	s0 =	sld [smem:$0x3F9E];
	_ =	swait.ge [sflag:s4], $0x0  }
0x19: {  	s7 =	sld [smem:$0x3F9F]  }
0x1a: {  	s8 =	sadd.s32 $0xFFFFE003, lr  }
0x1b: {  	s9 =	sadd.s32 $0xFFFFFEF7, lr;
	s5 =	simm.s32 $0xFFFFFFFF;
	p2 =	slt.u32 s8, $0xFFFFF086  }
0x1c: {  	p1 =	slt.u32 s9, $0xF7A;
	s5 =	simm.s32 @!p2 $0x0  }
0x1d: {  	s5 =	simm.s32 @p1 $0x1;
	p0 =	seq.s32 s7, s2  }
0x1e: {  	s7 =	smul.u32 @!p0 $0xF7A, s2;
	p2 =	seq.s32 @!p0 s5, $0x0  }
0x1f: {  	s9 =	smul.u32 $0xF7A, s1;
	s8 =	simm.s32 @!p0 $0x1BF5;
	p2 =	por !p2, p0  }
0x20: {  	[sflag:s8] =	ssyncset.s32 @!p0 $0xFFFFF086;
	s6 =	sadd.s32 @!p0 s3, s7;
	s7 =	simm.s32 @!p0 $0x108  }
0x21: {  	s3 =	sadd.s32 s3, s9;
	s6 =	sadd.s32 @!p0 $0x88, s6;
	s7 =	simm.s32 @p2 $0x1082  }
0x22: {  	[simem:s7], [sflag:s8] =	dma.local @!p0 [hbm:s6], $0xF7A  }
0x23: {  	s9 =	sor.u32 $0xD0000000, s2;
	s6 =	simm.s32 $0x108;
	_ =	swait.ge @!p0 [sflag:s8], $0x0  }
0x24: {  	s3 =	sadd.s32 $0x88, s3;
	s6 =	simm.s32 @!p1 $0x1082;
	[sflag:s4] =	ssyncset.s32 $0xFFFFF086  }
0x25: {  	[simem:s6], [sflag:s4] =	dma.local [hbm:s3], $0xF7A  }
0x26: {  	[smem:$0x3F9F] =	sst s1;
	(tag) =	ssettag s2;
	_ =	strace s9  }
0x27: {  	s1 =	sld [smem:$0x3FAF]  }
0x28: {  	s2 =	sld [smem:$0x3FB0]  }
0x29: {  	s4 =	sld [smem:$0x3FB2]  }
0x2a: {  	p0 =	seq.s32 s5, $0x0;
	s5 =	sld [smem:$0x3FB3]  }
0x2b: {  	s6 =	sld [smem:$0x3FB4]  }
0x2c: {  	s7 =	sld [smem:$0x3FB5]  }
0x2d: {  	s3 =	simm.s32 $0x108;
	s8 =	sld [smem:$0x3FB6]  }
0x2e: {  	s3 =	simm.s32 @!p0 $0x1082;
	s9 =	sld [smem:$0x3FB7]  }
0x2f: {  	lr =	sadd.s32 s0, s3;
	s0 =	sld [smem:$0x3FAE]  }
0x30: {  	s3 =	sld [smem:$0x3FB1]  }
0x31: {  	[smem:$0x3FBA] =	sst s10  }
0x32: {  	s10 =	sld [smem:$0x3FB8];
	_ =	sdelay $0x3  }
0x33: {  	p0 =	seq.s32 s10, $0x1;
	s10 =	sld [smem:$0x3FBA];
	_ =	sdelay $0x3  }
0x34: {  	[smem:$0x3FBA] =	sst s10  }
0x35: {  	s10 =	sld [smem:$0x3FB9];
	_ =	sdelay $0x3  }
0x36: {  	p1 =	seq.s32 s10, $0x1;
	s10 =	sld [smem:$0x3FBA];
	_ =	sdelay $0x3  }
0x37: {  	[smem:$0x3FBA] =	sst s10  }
0x38: {  	s10 =	sld [smem:$0x3FBB]  }
0x39: {  	_ = 	snop;
	(pc) =	sbr.ind lr, $3  }
0x3a: {  	_ = 	snop  }
0x3b: {  	_ = 	snop  }
0x3c: {  	p2 =	seq.s32 s10, $0x1;
	s10 =	sld [smem:$0x3FBA]  }
0x3d: {  	_ =	shalt  }
0x3e: {  	_ =	shalt  }
0x3f: {  	_ =	shalt  }
0x40: {  	_ =	shalt  }
0x41: {  	_ =	shalt  }
0x42: {  	_ =	shalt  }
0x43: {  	_ =	shalt  }
0x44: {  	_ =	shalt  }
0x45: {  	_ =	shalt  }
0x46: {  	_ =	shalt  }
0x47: {  	_ =	shalt  }
0x48: {  	_ =	shalt  }
0x49: {  	_ =	shalt  }
0x4a: {  	_ =	shalt  }
0x4b: {  	_ =	shalt  }
0x4c: {  	_ =	shalt  }
0x4d: {  	_ =	shalt  }
0x4e: {  	_ =	shalt  }
0x4f: {  	_ =	shalt  }
0x50: {  	_ =	shalt  }
0x51: {  	_ =	shalt  }
0x52: {  	_ =	shalt  }
0x53: {  	_ =	shalt  }
0x54: {  	_ =	shalt  }
0x55: {  	_ =	shalt  }
0x56: {  	_ =	shalt  }
0x57: {  	_ =	shalt  }
0x58: {  	_ =	shalt  }
0x59: {  	_ =	shalt  }
0x5a: {  	_ =	shalt  }
0x5b: {  	_ =	shalt  }
0x5c: {  	_ =	shalt  }
0x5d: {  	_ =	shalt  }
0x5e: {  	_ =	shalt  }
0x5f: {  	_ =	shalt  }
0x60: {  	_ =	shalt  }
0x61: {  	_ =	shalt  }
0x62: {  	_ =	shalt  }
0x63: {  	_ =	shalt  }
0x64: {  	_ =	shalt  }
0x65: {  	_ =	shalt  }
0x66: {  	_ =	shalt  }
0x67: {  	_ =	shalt  }
0x68: {  	_ =	shalt  }
0x69: {  	_ =	shalt  }
0x6a: {  	_ =	shalt  }
0x6b: {  	_ =	shalt  }
0x6c: {  	_ =	shalt  }
0x6d: {  	_ =	shalt  }
0x6e: {  	_ =	shalt  }
0x6f: {  	_ =	shalt  }
0x70: {  	_ =	shalt  }
0x71: {  	_ =	shalt  }
0x72: {  	_ =	shalt  }
0x73: {  	_ =	shalt  }
0x74: {  	_ =	shalt  }
0x75: {  	_ =	shalt  }
0x76: {  	_ =	shalt  }
0x77: {  	_ =	shalt  }
0x78: {  	_ =	shalt  }
0x79: {  	_ =	shalt  }
0x7a: {  	_ =	shalt  }
0x7b: {  	_ =	shalt  }
0x7c: {  	_ =	shalt  }
0x7d: {  	_ =	shalt  }
0x7e: {  	_ =	shalt  }
0x7f: {  	_ =	shalt  }
0x80: {  	_ =	shalt  }
0x81: {  	_ =	shalt  }
0x82: {  	_ =	shalt  }
0x83: {  	_ =	shalt  }
0x84: {  	_ =	shalt  }
0x85: {  	_ =	shalt  }
0x86: {  	_ =	shalt  }
0x87: {  	_ =	shalt  }
.Lfunc_end0:
.L_simem_size_0:
called_computation.1_lowered:
.L_overlay_start_0:
0x88: {  	s2 =	sld [smem:$0x3FD9]  }
0x89: {  	s3 =	sld [smem:$0x3FFE];
	_ =	sdelay $0x1  }
0x8a: {  	s1 =	srdreg.scid  }
0x8b: {  	s0 =	sand.u32 $0x1, s1  }
0x8c: {  	s17 =	sshll.u32 s0, $0xA;
	s2 =	sadd.s32 s3, s2  }
0x8d: {  	s2 =	sadd.s32 s2, s17  }
0x8e: {  	[smem:$0x3FC6] =	sst s2  }
0x8f: {  	_ = 	snop  }
0x90: {  	s2 =	sld [smem:$0x3FD0];
	(tm) =	ssettm $0x1  }
0x91: {  	s18 =	sld [smem:$0x3FFB];
	_ =	sdelay $0x3  }
0x92: {  	_ =	strace s18  }
0x93: {  	s3 =	sld [smem:$0x3FFC];
	_ =	sdelay $0x3  }
0x94: {  	_ =	strace s3  }
0x95: {  	s3 =	sld [smem:$0x3FFD];
	_ =	sdelay $0x3  }
0x96: {  	_ =	strace s3  }
0x97: {  	_ =	strace $0x8FFFFFFF  }
0x98: {  	s19 =	sld [smem:$0x3FDB];
	_ =	sdelay $0x1  }
0x99: {  	s4 =	simm.s32 $_scs_section_size  }
0x9a: {  	s5 =	simm.s32 $_size__tile_overlayer_lowered;
	s6 =	simm.s32 $_tile_overlayer_lowered  }
0x9b: {  	s22 =	simm.s32 $0x1BFF;
	s21 =	sshll.u32 s6, $0x1;
	s3 =	sadd.s32 s4, s19  }
0x9c: {  	s7 =	simm.s32 $0x0;
	s20 =	sshll.u32 s5, $0x1;
	s5 =	sadd.s32 s21, s3  }
0x9d: {  	[timem:s7], [sflag:s22] =	dma.local [hbm:s5], s20  }
0x9e: {  	_ =	swait.ge [sflag:s22], s20  }
0x9f: {  	s4 =	ssub.s32 $0x0, s20;
	[sflag:s22] =	ssyncset.done $0x0  }
0xa0: {  	[sflag:s22] =	ssyncadd.s32 s4;
	_ =	sdelay $0x1  }
0xa1: {  	s23 =	simm.s32 $0x1B8B  }
0xa2: {  	_ =	swait.ge [sflag:s23], $0x1  }
0xa3: {  	[sflag:s23] =	ssyncset.done $0x0  }
0xa4: {  	s25 =	simm.s32 $0x1B8E;
	s24 =	sld [smem:$0x3FFE];
	[sflag:s23] =	ssyncadd.s32 $0xFFFFFFFF  }
0xa5: {  	s26 =	simm.s32 $execute0_lowered;
	[smem:$0x3FD2] =	sst s25  }
0xa6: {  	s5 =	sshll.u32 s26, $0x1;
	_ =	strace $0x80000046;
	[dreg:$0x1] =	wrdreg $0xFFFFFFFF  }
0xa7: {  	s28 =	simm.s32 $_size_execute0_lowered;
	s3 =	sadd.s32 s3, s5;
	[dreg:$0x0] =	wrdreg $0x0  }
0xa8: {  	s5 =	sshll.u32 s28, $0x1;
	[dreg:$0x2] =	wrdreg s3  }
0xa9: {  	[dreg:$0x3] =	wrdreg s5  }
0xaa: {  	[dreg:$0x4] =	wrdreg $0xC0  }
0xab: {  	_ =	task [dreg:s7], $0x5FFFF  }
0xac: {  	[dreg:$0x1] =	wrdreg $0xFFFFFFFF  }
0xad: {  	[dreg:$0x0] =	wrdreg $0x60  }
0xae: {  	[dreg:$0x2] =	wrdreg s24  }
0xaf: {  	[dreg:$0x3] =	wrdreg s2  }
0xb0: {  	[dreg:$0x4] =	wrdreg $0x9  }
0xb1: {  	_ =	task.clear_ibuf [dreg:s7], $0x5FFFF;
	_ =	strace $0x90000046  }
0xb2: {  	s29 =	simm.s32 $0x9;
	_ =	strace $0x80000048  }
0xb3: {  	_ =	swait.ge [sflag:s29], $0x1  }
0xb4: {  	[sflag:s29] =	ssyncadd.s32 $0xFFFFFFFF  }
0xb5: {  	_ =	strace $0x90000048  }
0xb6: {  	_ =	sfence  }
0xb7: {  	s30 =	sld [smem:$0x0];
	_ =	sdelay $0x2  }
0xb8: {  	s31 =	sshll.u32 s1, $0xD;
	s1 =	sshrl.u32 s1, $0x2  }
0xb9: {  	s3 =	sand.u32 $0x4000, s31;
	s1 =	sadd.s32 s1, s30  }
0xba: {  	s0 =	sor.u32 s3, s0;
	s1 =	sshll.u32 s1, $0x11  }
0xbb: {  	s0 =	sor.u32 s1, s0  }
0xbc: {  	s0 =	sadd.s32 $0x8F2B, s0  }
0xbd: {  	[sflag:s0] =	ssyncadd.remote.s32 $0x1  }
0xbe: {  	_ =	sfence.sel $0xFFFF  }
0xbf: {  	[dreg:$0x0] =	wrdreg $0xFFFFFFFF;
	(pc) =	sbr.abs _section_cstart, $3  }
0xc0: {  	[dreg:$0x1] =	wrdreg $0xFFFFFFFF  }
0xc1: {  	_ =	task.clear_ibuf [dreg:s7], $0x2FFFF;
	_ =	strace $0x9FFFFFFF  }
0xc2: {  	(tm) =	ssettm $0x7FFFFFFF  }
0xc3: {  	_ =	shalt  }
tec
execute0_lowered:
.L_overlay_start_1:
0x0: {  	(tag) =	ssettag $0x1  }
0x1: {  	s0 =	rddreg [dreg:$0x0]  }
0x2: {  	s1 =	rddreg [dreg:$0x1]  }
0x3: {  	s2 =	srdreg.scid;
	s4 =	stileid.u32  }
0x4: {  	s28 =	simm.s32 $0xBF80;
	s29 =	simm.s32 $0x1;
	s30 =	simm.s32 $0x13780  }
0x5: {  	s3 =	sand.u32 $0x1, s2;
	s2 =	simm.s32 $0x0;
	s4 =	sshll.u32 s4, $0xA  }
0x6: {  	s5 =	sshll.u32 s3, $0x9;
	[smem:$0x7FF] =	sst s2;
	s11 =	ssub.s32 $0x2, s3  }
0x7: {  	s3 =	sadd.s32 $0xA00, s0;
	s0 =	sadd.s32 $0x3D1400, s0;
	s4 =	sor.u32 s5, s4  }
0x8: {  	s31 =	simm.s32 $0x2;
	_ =	strace $0x80000047;
	s6 =	smul.u32 $0x2D0, s4  }
0x9: {  	s7 =	sshrl.u32 s11, $0x1;
	s8 =	sshll.u32 s4, $0x2;
	s4 =	smul.u32 $0x5A, s4  }
0xa: {  	s5 =	ssub.s32 s11, s7;
	s1 =	sadd.s32 s1, s8;
	s6 =	sshrl.u32 s6, $0x3  }
0xb: {  	[dreg:$0x3] =	wrdreg s1;
	s12 =	sadd.s32 s0, s6;
	s0 =	sadd.s32 s0, s4  }
0xc: {  	s1 =	simm.s32 $0x3;
	s4 =	simm.s32 $0x4;
	[dreg:$0x4] =	wrdreg s0  }
0xd: {  	s20 =	sadd.s32 $0xB40, s12;
	s21 =	sadd.s32 $0x1680, s12;
	s22 =	sadd.s32 $0x21C0, s12  }
0xe: {  	s23 =	sadd.s32 $0x2D00, s12;
	s24 =	sadd.s32 $0x3840, s12;
	[dreg:$0x5] =	wrdreg s20  }
0xf: {  	s25 =	sadd.s32 $0x4380, s12;
	s26 =	sadd.s32 $0x4EC0, s12;
	[dreg:$0x6] =	wrdreg s21  }
0x10: {  	s13 =	sadd.s32 $0x5A00, s12;
	s14 =	sadd.s32 $0x6540, s12;
	[dreg:$0x7] =	wrdreg s22  }
0x11: {  	s15 =	sadd.s32 $0x7080, s12;
	s16 =	sadd.s32 $0x7BC0, s12;
	[dreg:$0x8] =	wrdreg s23  }
0x12: {  	s17 =	sadd.s32 $0x8700, s12;
	s18 =	sadd.s32 $0x9240, s12;
	[dreg:$0x9] =	wrdreg s24  }
0x13: {  	s19 =	sadd.s32 $0x9D80, s12;
	s0 =	simm.s32 $0x19180;
	[dreg:$0xa] =	wrdreg s25  }
0x14: {  	[dreg:$0xb] =	wrdreg s26;
	s20 =	sadd.s32 $0xA8C0, s12;
	s21 =	smax.u32 s5, $0x1  }
0x15: {  	v0 =	vlaneseq.u32;
	s22 =	simm.s32 $0x5;
	s23 =	simm.s32 $0x3C0;
	s24 =	simm.s32 $0x4000  }
0x16: {  	v1 =	vor.u32 $0x10, v0;
	s25 =	simm.s32 $0x4780;
	s26 =	simm.s32 $0x43C0;
	s5 =	simm.s32 $0x0  }
.LBB2_1:
0x17: {  	v2 =	vor.u32 s2, v0  }
0x18: {  	v3 =	vmulhi.u32 $0x88888889, v2;
	_ =	sdelay $0x1  }
0x19: {  	v3 =	vshrl.u32 v3, $0x4  }
0x1a: {  	v3 =	vmul.u32 $0x1E, v3  }
0x1b: {  	s6 =	simm.s32 $0x10  }
0x1c: {  	v5 =	vor.u32 s6, v0;
	v4 =	vshrl.u32 v3, $0x1  }
0x1d: {  	v6 =	vmulhi.u32 $0x88888889, v5;
	v4 =	vmul.u32 $0xDDDDDDE0, v4  }
0x1e: {  	v2 =	vsub.s32 v2, v3  }
0x1f: {  	s10 =	rddreg [dreg:$0x3];
	v3 =	vor.u32 v2, v4;
	v2 =	vshrl.u32 v6, $0x4  }
0x20: {  	[tilespmem:s2], [sflag:$0x5] =	stream.linear.gather [hbm4b:s10+s2], $0x4000, $0x38;
	v4 =	vmul.u32 $0x1E, v2;
	[tilespmem:$0x1EB80] =	vst v63  }
0x21: {  	_ =	swait.ge [sflag:s22], $0x4000  }
0x22: {  	s11 =	simm.s32 $0x20;
	[sflag:s22] =	ssyncset.done $0x0;
	v6 =	vshrl.u32 v4, $0x1  }
0x23: {  	[sflag:s22] =	ssyncadd.s32 $0xFFFFC000;
	v2 =	vor.u32 s11, v0;
	v6 =	vmul.u32 $0xDDDDDDE0, v6  }
0x24: {  	v7 =	vmulhi.u32 $0x88888889, v2;
	v4 =	vsub.s32 v5, v4;
	v3 =	vld.idx.msk [tilespmem:v3+s2+$0x0], $0xffff  }
0x25: {  	v8 =	vor.u32 v4, v6  }
0x26: {  	v4 =	vshrl.u32 v7, $0x4  }
0x27: {  	v5 =	vmul.u32 $0x1E, v4;
	_ =	sdelay $0x1  }
0x28: {  	s12 =	simm.s32 $0x30;
	v6 =	vshrl.u32 v5, $0x1;
	[tilespmem:s24+$0x0] =	vst v3  }
0x29: {  	s7 =	simm.s32 $0x40;
	s6 =	simm.s32 $0x4000;
	v4 =	vor.u32 s12, v0;
	v6 =	vmul.u32 $0xDDDDDDE0, v6;
	v3 =	vld.idx.msk [tilespmem:v8+s2+$0x0], $0xffff  }
.LBB2_2:
0x2a: {  	p0 =	sne.s32 s7, $0x3B0;
	v7 =	vmulhi.u32 $0x88888889, v4;
	v5 =	vsub.s32 v2, v5;
	v2 =	vmov v4  }
0x2b: {  	v8 =	vor.u32 v5, v6  }
.Ltmp0:
0x2c: {  	v4 =	vshrl.u32 v7, $0x4;
	(pc) =	sbr.rel @p0 .LBB2_2-.Ltmp0, $4  }
0x2d: {  	v5 =	vmul.u32 $0x1E, v4  }
0x2e: {  	s6 =	sadd.s32 $0x10, s6  }
0x2f: {  	v6 =	vshrl.u32 v5, $0x1;
	[tilespmem:s6+$0x0] =	vst v3  }
0x30: {  	v4 =	vor.u32 s7, v0;
	s7 =	sadd.s32 $0x10, s7;
	v6 =	vmul.u32 $0xDDDDDDE0, v6;
	v3 =	vld.idx.msk [tilespmem:v8+s2+$0x0], $0xffff  }
0x31: {  	v7 =	vmulhi.u32 $0x88888889, v4  }
0x32: {  	v2 =	vsub.s32 v2, v5  }
0x33: {  	v2 =	vor.u32 v2, v6;
	v5 =	vshrl.u32 v7, $0x4  }
0x34: {  	v5 =	vmul.u32 $0x1E, v5;
	_ =	sdelay $0x1  }
0x35: {  	s7 =	simm.s32 $0x0;
	s6 =	sadd.s32 $0x10, s6;
	v6 =	vshrl.u32 v5, $0x1  }
0x36: {  	v7 =	vor.u32 s7, v0;
	[tilespmem:s6+$0x0] =	vst v3;
	v3 =	vmul.u32 $0xDDDDDDE0, v6  }
0x37: {  	v4 =	vsub.s32 v4, v5;
	v6 =	vmulhi.u32 $0x88888889, v7;
	v2 =	vld.idx.msk [tilespmem:v2+s2+$0x0], $0xffff  }
0x38: {  	v3 =	vor.u32 v4, v3  }
0x39: {  	v4 =	vshrl.u32 v6, $0x4  }
0x3a: {  	v4 =	vmul.u32 $0x1E, v4  }
0x3b: {  	s6 =	sadd.s32 $0x10, s6  }
0x3c: {  	v5 =	vshrl.u32 v4, $0x1;
	[tilespmem:s6+$0x0] =	vst v2  }
0x3d: {  	v2 =	vmul.u32 $0xDDDDDDE0, v5;
	v3 =	vld.idx.msk [tilespmem:v3+s2+$0x0], $0xffff  }
0x3e: {  	s10 =	simm.s32 $0x10;
	v4 =	vsub.s32 v7, v4  }
0x3f: {  	v2 =	vor.u32 v4, v2;
	v4 =	vor.u32 s10, v0  }
0x40: {  	v5 =	vadd.s32 $0x400, v2;
	v2 =	vmulhi.u32 $0x88888889, v4  }
0x41: {  	s6 =	sadd.s32 $0x10, s6  }
0x42: {  	[tilespmem:s6+$0x0] =	vst v3;
	v3 =	vshrl.u32 v2, $0x4  }
0x43: {  	v6 =	vmul.u32 $0x1E, v3  }
0x44: {  	[tilespmem:s25], [sflag:$0x1] =	stream.indirect.gather [hbm4b:s3+s23], $0x20, s24, s23, $0xb8;
	[tilespmem:$0x1EB80] =	vst v63  }
0x45: {  	s11 =	simm.s32 $0x20;
	v7 =	vld.idx.msk [tilespmem:v5+s2+$0x0], $0xffff;
	v5 =	vshrl.u32 v6, $0x1  }
0x46: {  	v2 =	vor.u32 s11, v0;
	v5 =	vmul.u32 $0xDDDDDDE0, v5  }
0x47: {  	v3 =	vmulhi.u32 $0x88888889, v2;
	v4 =	vsub.s32 v4, v6  }
0x48: {  	v4 =	vor.u32 v4, v5  }
0x49: {  	v3 =	vshrl.u32 v3, $0x4;
	v5 =	vadd.s32 $0x400, v4  }
0x4a: {  	v3 =	vmul.u32 $0x1E, v3;
	_ =	sdelay $0x1  }
0x4b: {  	s12 =	simm.s32 $0x30;
	s6 =	simm.s32 $0x43C0;
	v6 =	vshrl.u32 v3, $0x1  }
0x4c: {  	s7 =	simm.s32 $0x40;
	v4 =	vor.u32 s12, v0;
	v6 =	vmul.u32 $0xDDDDDDE0, v6;
	[tilespmem:s6+$0x0] =	vst v7  }
.LBB2_4:
0x4d: {  	p0 =	sne.s32 s7, $0x3B0;
	v7 =	vmulhi.u32 $0x88888889, v4;
	v3 =	vsub.s32 v2, v3;
	v8 =	vld.idx.msk [tilespmem:v5+s2+$0x0], $0xffff;
	v2 =	vmov v4  }
0x4e: {  	v3 =	vor.u32 v3, v6  }
.Ltmp1:
0x4f: {  	v4 =	vshrl.u32 v7, $0x4;
	v5 =	vadd.s32 $0x400, v3;
	(pc) =	sbr.rel @p0 .LBB2_4-.Ltmp1, $3  }
0x50: {  	v3 =	vmul.u32 $0x1E, v4;
	_ =	sdelay $0x1  }
0x51: {  	s6 =	sadd.s32 $0x10, s6;
	v6 =	vshrl.u32 v3, $0x1  }
0x52: {  	v4 =	vor.u32 s7, v0;
	s7 =	sadd.s32 $0x10, s7;
	v6 =	vmul.u32 $0xDDDDDDE0, v6;
	[tilespmem:s6+$0x0] =	vst v8  }
0x53: {  	_ =	sdelay $0x1  }
0x54: {  	v7 =	vmulhi.u32 $0x88888889, v4  }
0x55: {  	v2 =	vsub.s32 v2, v3  }
0x56: {  	v3 =	vld.idx.msk [tilespmem:v5+s2+$0x0], $0xffff;
	v2 =	vor.u32 v2, v6;
	v62 =	vshrl.u32 v7, $0x4  }
0x57: {  	v2 =	vadd.s32 $0x400, v2;
	v5 =	vmul.u32 $0x1E, v62;
	_ =	sdelay $0x1  }
0x58: {  	v63 =	vshrl.u32 v5, $0x1  }
0x59: {  	s6 =	sadd.s32 $0x10, s6;
	v6 =	vmul.u32 $0xDDDDDDE0, v63  }
0x5a: {  	[tilespmem:s6+$0x0] =	vst v3;
	v3 =	vsub.s32 v4, v5  }
0x5b: {  	v2 =	vld.idx.msk [tilespmem:v2+s2+$0x0], $0xffff;
	v3 =	vor.u32 v3, v6  }
0x5c: {  	v3 =	vadd.s32 $0x400, v3;
	_ =	sdelay $0x2  }
0x5d: {  	s6 =	sadd.s32 $0x10, s6  }
0x5e: {  	[tilespmem:s6+$0x0] =	vst v2  }
0x5f: {  	v2 =	vld.idx.msk [tilespmem:v3+s2+$0x0], $0xffff;
	_ =	sdelay $0x3  }
0x60: {  	s6 =	sadd.s32 $0x10, s6  }
0x61: {  	[tilespmem:s6+$0x0] =	vst v2  }
0x62: {  	[tilespmem:s28], [sflag:$0x2] =	stream.indirect.gather [hbm4b:s3+s23], $0x20, s26, s23, $0xb8;
	[tilespmem:$0x1EB80] =	vst v63  }
0x63: {  	_ =	swait.ge [sflag:s29], $0x7800  }
0x64: {  	s11 =	simm.s32 $0x13780;
	s8 =	simm.s32 $0x4790;
	[sflag:s29] =	ssyncset.done $0x0  }
0x65: {  	s9 =	simm.s32 $0x0;
	s6 =	simm.s32 $0x0;
	[sflag:s29] =	ssyncadd.s32 $0xFFFF8800  }
.LBB2_6:
0x66: {  	v2 =	vmov s9;
	v3 =	vld [tilespmem:s8+$0xFFFFFFF0];
	v4 =	vmov s6  }
0x67: {  	v2 =	vmul.u32 $0x2D0, v2;
	v4 =	vmul.u32 $0x18, v4;
	_ =	sdelay $0x1  }
0x68: {  	v4 =	vadd.s32 v2, v4  }
0x69: {  	v4 =	vbroadcast v4, $0x0  }
0x6a: {  	[tilespmem:s11+$0x0] =	vst v3  }
0x6b: {  	v3 =	vld [tilespmem:s8+$0x0];
	v4 =	vadd.s32 v1, v4;
	_ =	sdelay $0x4  }
0x6c: {  	s7 =	simm.s32 $0x1;
	s10 =	sadd.s32 $0x20, s8;
	[tilespmem:v4+s30+$0x0] =	vst.idx.msk $0xf, v3  }
0x6d: {  	s12 =	simm.s32 $0x2;
	v4 =	vmov s7;
	s7 =	smov.u32 s11;
	v3 =	vld [tilespmem:s10+$0xFFFFFFF0]  }
.LBB2_7:
0x6e: {  	p0 =	sne.s32 s12, $0x1D;
	v4 =	vmul.u32 $0x18, v4;
	_ =	sdelay $0x1  }
0x6f: {  	v4 =	vadd.s32 v2, v4  }
0x70: {  	s7 =	sadd.s32 $0x18, s7;
	v4 =	vbroadcast v4, $0x0  }
0x71: {  	[tilespmem:s7+$0x0] =	vst v3  }
0x72: {  	v3 =	vld [tilespmem:s10+$0x0];
	v4 =	vadd.s32 v1, v4;
	_ =	sdelay $0x1  }
.Ltmp2:
0x73: {  	(pc) =	sbr.rel @p0 .LBB2_7-.Ltmp2, $3  }
0x74: {  	_ =	sdelay $0x1  }
0x75: {  	s10 =	sadd.s32 $0x20, s10;
	[tilespmem:v4+s30+$0x0] =	vst.idx.msk $0xf, v3  }
0x76: {  	v4 =	vmov s12;
	s12 =	sadd.s32 $0x1, s12;
	v3 =	vld [tilespmem:s10+$0xFFFFFFF0]  }
0x77: {  	v4 =	vmul.u32 $0x18, v4;
	_ =	sdelay $0x1  }
0x78: {  	v2 =	vadd.s32 v2, v4  }
0x79: {  	s7 =	sadd.s32 $0x18, s7;
	v2 =	vbroadcast v2, $0x0  }
0x7a: {  	s9 =	sadd.s32 $0x1, s9;
	[tilespmem:s7+$0x0] =	vst v3  }
0x7b: {  	p0 =	sne.s32 s9, $0x20;
	v3 =	vld [tilespmem:s10+$0x0];
	v2 =	vadd.s32 v1, v2  }
.Ltmp3:
0x7c: {  	_ = 	snop;
	(pc) =	sbr.rel @p0 .LBB2_6-.Ltmp3, $2  }
0x7d: {  	_ =	sdelay $0x2  }
0x7e: {  	s11 =	sadd.s32 $0x2D0, s11;
	s8 =	sadd.s32 $0x3C0, s8;
	[tilespmem:v2+s30+$0x0] =	vst.idx.msk $0xf, v3  }
0x7f: {  	s6 =	simm.s32 $0x0  }
0x80: {  	v2 =	vor.u32 s6, v0  }
0x81: {  	v3 =	vmulhi.u32 $0x88888889, v2;
	_ =	sdelay $0x1  }
0x82: {  	v3 =	vshrl.u32 v3, $0x4  }
0x83: {  	v3 =	vmul.u32 $0x1E, v3;
	_ =	sdelay $0x1  }
0x84: {  	v4 =	vshrl.u32 v3, $0x1  }
0x85: {  	v4 =	vmul.u32 $0xDDDDDDE0, v4  }
0x86: {  	s7 =	simm.s32 $0x10;
	v2 =	vsub.s32 v2, v3  }
0x87: {  	v2 =	vor.u32 v2, v4;
	v4 =	vor.u32 s7, v0  }
0x88: {  	v3 =	vadd.s32 $0x800, v2;
	v2 =	vmulhi.u32 $0x88888889, v4;
	_ =	sdelay $0x1  }
0x89: {  	v5 =	vshrl.u32 v2, $0x4  }
0x8a: {  	s11 =	rddreg [dreg:$0x4];
	v5 =	vmul.u32 $0x1E, v5  }
0x8b: {  	[hbm4b:s11+s6] =	stream.linear.scatter [tilespmem:s30], [sflag:$0x3], $0x5A00, $0x38;
	[tilespmem:$0x1EB80] =	vst v63  }
0x8c: {  	s10 =	simm.s32 $0x20;
	v7 =	vld.idx.msk [tilespmem:v3+s2+$0x0], $0xffff;
	v3 =	vshrl.u32 v5, $0x1  }
0x8d: {  	v2 =	vor.u32 s10, v0;
	v8 =	vmul.u32 $0xDDDDDDE0, v3  }
0x8e: {  	v6 =	vmulhi.u32 $0x88888889, v2;
	v4 =	vsub.s32 v4, v5  }
0x8f: {  	v4 =	vor.u32 v4, v8  }
0x90: {  	v6 =	vshrl.u32 v6, $0x4;
	v5 =	vadd.s32 $0x800, v4  }
0x91: {  	v3 =	vmul.u32 $0x1E, v6;
	_ =	sdelay $0x1  }
0x92: {  	s12 =	simm.s32 $0x30;
	s6 =	simm.s32 $0x4000;
	v6 =	vshrl.u32 v3, $0x1  }
0x93: {  	s7 =	simm.s32 $0x40;
	v4 =	vor.u32 s12, v0;
	v6 =	vmul.u32 $0xDDDDDDE0, v6;
	[tilespmem:s6+$0x0] =	vst v7  }
.LBB2_10:
0x94: {  	p0 =	sne.s32 s7, $0x3B0;
	v7 =	vmulhi.u32 $0x88888889, v4;
	v3 =	vsub.s32 v2, v3;
	v8 =	vld.idx.msk [tilespmem:v5+s2+$0x0], $0xffff;
	v2 =	vmov v4  }
0x95: {  	v3 =	vor.u32 v3, v6  }
.Ltmp4:
0x96: {  	v4 =	vshrl.u32 v7, $0x4;
	v5 =	vadd.s32 $0x800, v3;
	(pc) =	sbr.rel @p0 .LBB2_10-.Ltmp4, $3  }
0x97: {  	v3 =	vmul.u32 $0x1E, v4;
	_ =	sdelay $0x1  }
0x98: {  	s6 =	sadd.s32 $0x10, s6;
	v6 =	vshrl.u32 v3, $0x1  }
0x99: {  	v4 =	vor.u32 s7, v0;
	s7 =	sadd.s32 $0x10, s7;
	v6 =	vmul.u32 $0xDDDDDDE0, v6;
	[tilespmem:s6+$0x0] =	vst v8  }
0x9a: {  	_ =	sdelay $0x1  }
0x9b: {  	v7 =	vmulhi.u32 $0x88888889, v4  }
0x9c: {  	v2 =	vsub.s32 v2, v3  }
0x9d: {  	v3 =	vld.idx.msk [tilespmem:v5+s2+$0x0], $0xffff;
	v2 =	vor.u32 v2, v6;
	v62 =	vshrl.u32 v7, $0x4  }
0x9e: {  	v2 =	vadd.s32 $0x800, v2;
	v5 =	vmul.u32 $0x1E, v62;
	_ =	sdelay $0x1  }
0x9f: {  	v63 =	vshrl.u32 v5, $0x1  }
0xa0: {  	s6 =	sadd.s32 $0x10, s6;
	v6 =	vmul.u32 $0xDDDDDDE0, v63  }
0xa1: {  	[tilespmem:s6+$0x0] =	vst v3;
	v3 =	vsub.s32 v4, v5  }
0xa2: {  	v2 =	vld.idx.msk [tilespmem:v2+s2+$0x0], $0xffff;
	v3 =	vor.u32 v3, v6  }
0xa3: {  	v3 =	vadd.s32 $0x800, v3;
	_ =	sdelay $0x2  }
0xa4: {  	s6 =	sadd.s32 $0x10, s6  }
0xa5: {  	[tilespmem:s6+$0x0] =	vst v2  }
0xa6: {  	v2 =	vld.idx.msk [tilespmem:v3+s2+$0x0], $0xffff;
	_ =	sdelay $0x3  }
0xa7: {  	s6 =	sadd.s32 $0x10, s6  }
0xa8: {  	[tilespmem:s6+$0x0] =	vst v2  }
0xa9: {  	[tilespmem:s25], [sflag:$0x1] =	stream.indirect.gather [hbm4b:s3+s23], $0x20, s24, s23, $0xb8;
	[tilespmem:$0x1EB80] =	vst v63  }
0xaa: {  	_ =	swait.ge [sflag:s31], $0x7800  }
0xab: {  	s7 =	simm.s32 $0x19180;
	s8 =	simm.s32 $0xBF90;
	[sflag:s31] =	ssyncset.done $0x0  }
0xac: {  	s9 =	simm.s32 $0x0;
	s6 =	simm.s32 $0x0;
	[sflag:s31] =	ssyncadd.s32 $0xFFFF8800  }
.LBB2_12:
0xad: {  	v2 =	vmov s9;
	v3 =	vld [tilespmem:s8+$0xFFFFFFF0];
	v4 =	vmov s6  }
0xae: {  	v2 =	vmul.u32 $0x2D0, v2;
	v4 =	vmul.u32 $0x18, v4;
	_ =	sdelay $0x1  }
0xaf: {  	v4 =	vadd.s32 v2, v4  }
0xb0: {  	v4 =	vbroadcast v4, $0x0  }
0xb1: {  	[tilespmem:s7+$0x0] =	vst v3  }
0xb2: {  	v3 =	vld [tilespmem:s8+$0x0];
	v4 =	vadd.s32 v1, v4;
	_ =	sdelay $0x4  }
0xb3: {  	s11 =	simm.s32 $0x1;
	s10 =	sadd.s32 $0x20, s8;
	[tilespmem:v4+s0+$0x0] =	vst.idx.msk $0xf, v3  }
0xb4: {  	s12 =	simm.s32 $0x2;
	v4 =	vmov s11;
	s11 =	smov.u32 s7;
	v3 =	vld [tilespmem:s10+$0xFFFFFFF0]  }
.LBB2_13:
0xb5: {  	p0 =	sne.s32 s12, $0x1D;
	v4 =	vmul.u32 $0x18, v4;
	_ =	sdelay $0x1  }
0xb6: {  	v4 =	vadd.s32 v2, v4  }
0xb7: {  	s11 =	sadd.s32 $0x18, s11;
	v4 =	vbroadcast v4, $0x0  }
0xb8: {  	[tilespmem:s11+$0x0] =	vst v3  }
0xb9: {  	v3 =	vld [tilespmem:s10+$0x0];
	v4 =	vadd.s32 v1, v4;
	_ =	sdelay $0x1  }
.Ltmp5:
0xba: {  	(pc) =	sbr.rel @p0 .LBB2_13-.Ltmp5, $3  }
0xbb: {  	_ =	sdelay $0x1  }
0xbc: {  	s10 =	sadd.s32 $0x20, s10;
	[tilespmem:v4+s0+$0x0] =	vst.idx.msk $0xf, v3  }
0xbd: {  	v4 =	vmov s12;
	s12 =	sadd.s32 $0x1, s12;
	v3 =	vld [tilespmem:s10+$0xFFFFFFF0]  }
0xbe: {  	v4 =	vmul.u32 $0x18, v4;
	_ =	sdelay $0x1  }
0xbf: {  	v2 =	vadd.s32 v2, v4  }
0xc0: {  	s11 =	sadd.s32 $0x18, s11;
	v2 =	vbroadcast v2, $0x0  }
0xc1: {  	s9 =	sadd.s32 $0x1, s9;
	[tilespmem:s11+$0x0] =	vst v3  }
0xc2: {  	p0 =	sne.s32 s9, $0x20;
	v3 =	vld [tilespmem:s10+$0x0];
	v2 =	vadd.s32 v1, v2  }
.Ltmp6:
0xc3: {  	_ = 	snop;
	(pc) =	sbr.rel @p0 .LBB2_12-.Ltmp6, $2  }
0xc4: {  	_ =	sdelay $0x2  }
0xc5: {  	s7 =	sadd.s32 $0x2D0, s7;
	s8 =	sadd.s32 $0x3C0, s8;
	[tilespmem:v2+s0+$0x0] =	vst.idx.msk $0xf, v3  }
0xc6: {  	s6 =	simm.s32 $0x0  }
0xc7: {  	v2 =	vor.u32 s6, v0  }
0xc8: {  	v3 =	vmulhi.u32 $0x88888889, v2;
	_ =	sdelay $0x1  }
0xc9: {  	v3 =	vshrl.u32 v3, $0x4  }
0xca: {  	v3 =	vmul.u32 $0x1E, v3;
	_ =	sdelay $0x1  }
0xcb: {  	v4 =	vshrl.u32 v3, $0x1  }
0xcc: {  	v4 =	vmul.u32 $0xDDDDDDE0, v4  }
0xcd: {  	s7 =	simm.s32 $0x10;
	v2 =	vsub.s32 v2, v3  }
0xce: {  	v2 =	vor.u32 v2, v4;
	v4 =	vor.u32 s7, v0  }
0xcf: {  	v3 =	vadd.s32 $0xC00, v2;
	v2 =	vmulhi.u32 $0x88888889, v4;
	_ =	sdelay $0x1  }
0xd0: {  	v5 =	vshrl.u32 v2, $0x4  }
0xd1: {  	s11 =	rddreg [dreg:$0x5];
	v5 =	vmul.u32 $0x1E, v5  }
0xd2: {  	[hbm4b:s11+s6] =	stream.linear.scatter [tilespmem:s0], [sflag:$0x4], $0x5A00, $0x38;
	[tilespmem:$0x1EB80] =	vst v63  }
0xd3: {  	s10 =	simm.s32 $0x20;
	v7 =	vld.idx.msk [tilespmem:v3+s2+$0x0], $0xffff;
	v3 =	vshrl.u32 v5, $0x1  }
0xd4: {  	v2 =	vor.u32 s10, v0;
	v8 =	vmul.u32 $0xDDDDDDE0, v3  }
0xd5: {  	v6 =	vmulhi.u32 $0x88888889, v2;
	v4 =	vsub.s32 v4, v5  }
0xd6: {  	v4 =	vor.u32 v4, v8  }
0xd7: {  	v6 =	vshrl.u32 v6, $0x4;
	v5 =	vadd.s32 $0xC00, v4  }
0xd8: {  	v3 =	vmul.u32 $0x1E, v6;
	_ =	sdelay $0x1  }
0xd9: {  	s12 =	simm.s32 $0x30;
	s6 =	simm.s32 $0x43C0;
	v6 =	vshrl.u32 v3, $0x1  }
0xda: {  	s7 =	simm.s32 $0x40;
	v4 =	vor.u32 s12, v0;
	v6 =	vmul.u32 $0xDDDDDDE0, v6;
	[tilespmem:s6+$0x0] =	vst v7  }
.LBB2_16:
0xdb: {  	p0 =	sne.s32 s7, $0x3B0;
	v7 =	vmulhi.u32 $0x88888889, v4;
	v3 =	vsub.s32 v2, v3;
	v8 =	vld.idx.msk [tilespmem:v5+s2+$0x0], $0xffff;
	v2 =	vmov v4  }
0xdc: {  	v3 =	vor.u32 v3, v6  }
.Ltmp7:
0xdd: {  	v4 =	vshrl.u32 v7, $0x4;
	v5 =	vadd.s32 $0xC00, v3;
	(pc) =	sbr.rel @p0 .LBB2_16-.Ltmp7, $3  }
0xde: {  	v3 =	vmul.u32 $0x1E, v4;
	_ =	sdelay $0x1  }
0xdf: {  	s6 =	sadd.s32 $0x10, s6;
	v6 =	vshrl.u32 v3, $0x1  }
0xe0: {  	v4 =	vor.u32 s7, v0;
	s7 =	sadd.s32 $0x10, s7;
	v6 =	vmul.u32 $0xDDDDDDE0, v6;
	[tilespmem:s6+$0x0] =	vst v8  }
0xe1: {  	_ =	sdelay $0x1  }
0xe2: {  	v7 =	vmulhi.u32 $0x88888889, v4  }
0xe3: {  	v2 =	vsub.s32 v2, v3  }
0xe4: {  	v3 =	vld.idx.msk [tilespmem:v5+s2+$0x0], $0xffff;
	v2 =	vor.u32 v2, v6;
	v62 =	vshrl.u32 v7, $0x4  }
0xe5: {  	v2 =	vadd.s32 $0xC00, v2;
	v5 =	vmul.u32 $0x1E, v62;
	_ =	sdelay $0x1  }
0xe6: {  	v63 =	vshrl.u32 v5, $0x1  }
0xe7: {  	s6 =	sadd.s32 $0x10, s6;
	v6 =	vmul.u32 $0xDDDDDDE0, v63  }
0xe8: {  	[tilespmem:s6+$0x0] =	vst v3;
	v3 =	vsub.s32 v4, v5  }
0xe9: {  	v2 =	vld.idx.msk [tilespmem:v2+s2+$0x0], $0xffff;
	v3 =	vor.u32 v3, v6  }
0xea: {  	v3 =	vadd.s32 $0xC00, v3;
	_ =	sdelay $0x2  }
0xeb: {  	s6 =	sadd.s32 $0x10, s6  }
0xec: {  	[tilespmem:s6+$0x0] =	vst v2  }
0xed: {  	v2 =	vld.idx.msk [tilespmem:v3+s2+$0x0], $0xffff;
	_ =	sdelay $0x3  }
0xee: {  	s6 =	sadd.s32 $0x10, s6  }
0xef: {  	[tilespmem:s6+$0x0] =	vst v2  }
0xf0: {  	[tilespmem:s28], [sflag:$0x2] =	stream.indirect.gather [hbm4b:s3+s23], $0x20, s26, s23, $0xb8;
	[tilespmem:$0x1EB80] =	vst v63  }
0xf1: {  	_ =	swait.ge [sflag:s29], $0x7800  }
0xf2: {  	[sflag:s29] =	ssyncset.done $0x0  }
0xf3: {  	[sflag:s29] =	ssyncadd.s32 $0xFFFF8800  }
0xf4: {  	_ =	swait.ge [sflag:s1], $0x5A00  }
0xf5: {  	s7 =	simm.s32 $0x13780;
	s8 =	simm.s32 $0x4790;
	[sflag:s1] =	ssyncset.done $0x0  }
0xf6: {  	s9 =	simm.s32 $0x0;
	s6 =	simm.s32 $0x0;
	[sflag:s1] =	ssyncadd.s32 $0xFFFFA600  }
.LBB2_18:
0xf7: {  	v2 =	vmov s9;
	v3 =	vld [tilespmem:s8+$0xFFFFFFF0];
	v4 =	vmov s6  }
0xf8: {  	v2 =	vmul.u32 $0x2D0, v2;
	v4 =	vmul.u32 $0x18, v4;
	_ =	sdelay $0x1  }
0xf9: {  	v4 =	vadd.s32 v2, v4  }
0xfa: {  	v4 =	vbroadcast v4, $0x0  }
0xfb: {  	[tilespmem:s7+$0x0] =	vst v3  }
0xfc: {  	v3 =	vld [tilespmem:s8+$0x0];
	v4 =	vadd.s32 v1, v4;
	_ =	sdelay $0x4  }
0xfd: {  	s11 =	simm.s32 $0x1;
	s10 =	sadd.s32 $0x20, s8;
	[tilespmem:v4+s30+$0x0] =	vst.idx.msk $0xf, v3  }
0xfe: {  	s12 =	simm.s32 $0x2;
	v4 =	vmov s11;
	s11 =	smov.u32 s7;
	v3 =	vld [tilespmem:s10+$0xFFFFFFF0]  }
.LBB2_19:
0xff: {  	p0 =	sne.s32 s12, $0x1D;
	v4 =	vmul.u32 $0x18, v4;
	_ =	sdelay $0x1  }
0x100: {  	v4 =	vadd.s32 v2, v4  }
0x101: {  	s11 =	sadd.s32 $0x18, s11;
	v4 =	vbroadcast v4, $0x0  }
0x102: {  	[tilespmem:s11+$0x0] =	vst v3  }
0x103: {  	v3 =	vld [tilespmem:s10+$0x0];
	v4 =	vadd.s32 v1, v4;
	_ =	sdelay $0x1  }
.Ltmp8:
0x104: {  	(pc) =	sbr.rel @p0 .LBB2_19-.Ltmp8, $3  }
0x105: {  	_ =	sdelay $0x1  }
0x106: {  	s10 =	sadd.s32 $0x20, s10;
	[tilespmem:v4+s30+$0x0] =	vst.idx.msk $0xf, v3  }
0x107: {  	v4 =	vmov s12;
	s12 =	sadd.s32 $0x1, s12;
	v3 =	vld [tilespmem:s10+$0xFFFFFFF0]  }
0x108: {  	v4 =	vmul.u32 $0x18, v4;
	_ =	sdelay $0x1  }
0x109: {  	v2 =	vadd.s32 v2, v4  }
0x10a: {  	s11 =	sadd.s32 $0x18, s11;
	v2 =	vbroadcast v2, $0x0  }
0x10b: {  	s9 =	sadd.s32 $0x1, s9;
	[tilespmem:s11+$0x0] =	vst v3  }
0x10c: {  	p0 =	sne.s32 s9, $0x20;
	v3 =	vld [tilespmem:s10+$0x0];
	v2 =	vadd.s32 v1, v2  }
.Ltmp9:
0x10d: {  	_ = 	snop;
	(pc) =	sbr.rel @p0 .LBB2_18-.Ltmp9, $2  }
0x10e: {  	_ =	sdelay $0x2  }
0x10f: {  	s7 =	sadd.s32 $0x2D0, s7;
	s8 =	sadd.s32 $0x3C0, s8;
	[tilespmem:v2+s30+$0x0] =	vst.idx.msk $0xf, v3  }
0x110: {  	s6 =	simm.s32 $0x0  }
0x111: {  	v2 =	vor.u32 s6, v0  }
0x112: {  	v3 =	vmulhi.u32 $0x88888889, v2;
	_ =	sdelay $0x1  }
0x113: {  	v3 =	vshrl.u32 v3, $0x4  }
0x114: {  	v3 =	vmul.u32 $0x1E, v3;
	_ =	sdelay $0x1  }
0x115: {  	v4 =	vshrl.u32 v3, $0x1  }
0x116: {  	v4 =	vmul.u32 $0xDDDDDDE0, v4  }
0x117: {  	s7 =	simm.s32 $0x10;
	v2 =	vsub.s32 v2, v3  }
0x118: {  	v2 =	vor.u32 v2, v4;
	v4 =	vor.u32 s7, v0  }
0x119: {  	v3 =	vadd.s32 $0x1000, v2;
	v2 =	vmulhi.u32 $0x88888889, v4;
	_ =	sdelay $0x1  }
0x11a: {  	v5 =	vshrl.u32 v2, $0x4  }
0x11b: {  	s11 =	rddreg [dreg:$0x6];
	v5 =	vmul.u32 $0x1E, v5  }
0x11c: {  	[hbm4b:s11+s6] =	stream.linear.scatter [tilespmem:s30], [sflag:$0x3], $0x5A00, $0x38;
	[tilespmem:$0x1EB80] =	vst v63  }
0x11d: {  	s10 =	simm.s32 $0x20;
	v7 =	vld.idx.msk [tilespmem:v3+s2+$0x0], $0xffff;
	v3 =	vshrl.u32 v5, $0x1  }
0x11e: {  	v2 =	vor.u32 s10, v0;
	v8 =	vmul.u32 $0xDDDDDDE0, v3  }
0x11f: {  	v6 =	vmulhi.u32 $0x88888889, v2;
	v4 =	vsub.s32 v4, v5  }
0x120: {  	v4 =	vor.u32 v4, v8  }
0x121: {  	v6 =	vshrl.u32 v6, $0x4;
	v5 =	vadd.s32 $0x1000, v4  }
0x122: {  	v3 =	vmul.u32 $0x1E, v6;
	_ =	sdelay $0x1  }
0x123: {  	s12 =	simm.s32 $0x30;
	s6 =	simm.s32 $0x4000;
	v6 =	vshrl.u32 v3, $0x1  }
0x124: {  	s7 =	simm.s32 $0x40;
	v4 =	vor.u32 s12, v0;
	v6 =	vmul.u32 $0xDDDDDDE0, v6;
	[tilespmem:s6+$0x0] =	vst v7  }
.LBB2_22:
0x125: {  	p0 =	sne.s32 s7, $0x3B0;
	v7 =	vmulhi.u32 $0x88888889, v4;
	v3 =	vsub.s32 v2, v3;
	v8 =	vld.idx.msk [tilespmem:v5+s2+$0x0], $0xffff;
	v2 =	vmov v4  }
0x126: {  	v3 =	vor.u32 v3, v6  }
.Ltmp10:
0x127: {  	v4 =	vshrl.u32 v7, $0x4;
	v5 =	vadd.s32 $0x1000, v3;
	(pc) =	sbr.rel @p0 .LBB2_22-.Ltmp10, $3  }
0x128: {  	v3 =	vmul.u32 $0x1E, v4;
	_ =	sdelay $0x1  }
0x129: {  	s6 =	sadd.s32 $0x10, s6;
	v6 =	vshrl.u32 v3, $0x1  }
0x12a: {  	v4 =	vor.u32 s7, v0;
	s7 =	sadd.s32 $0x10, s7;
	v6 =	vmul.u32 $0xDDDDDDE0, v6;
	[tilespmem:s6+$0x0] =	vst v8  }
0x12b: {  	_ =	sdelay $0x1  }
0x12c: {  	v7 =	vmulhi.u32 $0x88888889, v4  }
0x12d: {  	v2 =	vsub.s32 v2, v3  }
0x12e: {  	v3 =	vld.idx.msk [tilespmem:v5+s2+$0x0], $0xffff;
	v2 =	vor.u32 v2, v6;
	v62 =	vshrl.u32 v7, $0x4  }
0x12f: {  	v2 =	vadd.s32 $0x1000, v2;
	v5 =	vmul.u32 $0x1E, v62;
	_ =	sdelay $0x1  }
0x130: {  	v63 =	vshrl.u32 v5, $0x1  }
0x131: {  	s6 =	sadd.s32 $0x10, s6;
	v6 =	vmul.u32 $0xDDDDDDE0, v63  }
0x132: {  	[tilespmem:s6+$0x0] =	vst v3;
	v3 =	vsub.s32 v4, v5  }
0x133: {  	v2 =	vld.idx.msk [tilespmem:v2+s2+$0x0], $0xffff;
	v3 =	vor.u32 v3, v6  }
0x134: {  	v3 =	vadd.s32 $0x1000, v3;
	_ =	sdelay $0x2  }
0x135: {  	s6 =	sadd.s32 $0x10, s6  }
0x136: {  	[tilespmem:s6+$0x0] =	vst v2  }
0x137: {  	v2 =	vld.idx.msk [tilespmem:v3+s2+$0x0], $0xffff;
	_ =	sdelay $0x3  }
0x138: {  	s6 =	sadd.s32 $0x10, s6  }
0x139: {  	[tilespmem:s6+$0x0] =	vst v2  }
0x13a: {  	[tilespmem:s25], [sflag:$0x1] =	stream.indirect.gather [hbm4b:s3+s23], $0x20, s24, s23, $0xb8;
	[tilespmem:$0x1EB80] =	vst v63  }
0x13b: {  	_ =	swait.ge [sflag:s31], $0x7800  }
0x13c: {  	[sflag:s31] =	ssyncset.done $0x0  }
0x13d: {  	[sflag:s31] =	ssyncadd.s32 $0xFFFF8800  }
0x13e: {  	_ =	swait.ge [sflag:s4], $0x5A00  }
0x13f: {  	s7 =	simm.s32 $0x19180;
	s8 =	simm.s32 $0xBF90;
	[sflag:s4] =	ssyncset.done $0x0  }
0x140: {  	s9 =	simm.s32 $0x0;
	s6 =	simm.s32 $0x0;
	[sflag:s4] =	ssyncadd.s32 $0xFFFFA600  }
.LBB2_24:
0x141: {  	v2 =	vmov s9;
	v3 =	vld [tilespmem:s8+$0xFFFFFFF0];
	v4 =	vmov s6  }
0x142: {  	v2 =	vmul.u32 $0x2D0, v2;
	v4 =	vmul.u32 $0x18, v4;
	_ =	sdelay $0x1  }
0x143: {  	v4 =	vadd.s32 v2, v4  }
0x144: {  	v4 =	vbroadcast v4, $0x0  }
0x145: {  	[tilespmem:s7+$0x0] =	vst v3  }
0x146: {  	v3 =	vld [tilespmem:s8+$0x0];
	v4 =	vadd.s32 v1, v4;
	_ =	sdelay $0x4  }
0x147: {  	s11 =	simm.s32 $0x1;
	s10 =	sadd.s32 $0x20, s8;
	[tilespmem:v4+s0+$0x0] =	vst.idx.msk $0xf, v3  }
0x148: {  	s12 =	simm.s32 $0x2;
	v4 =	vmov s11;
	s11 =	smov.u32 s7;
	v3 =	vld [tilespmem:s10+$0xFFFFFFF0]  }
.LBB2_25:
0x149: {  	p0 =	sne.s32 s12, $0x1D;
	v4 =	vmul.u32 $0x18, v4;
	_ =	sdelay $0x1  }
0x14a: {  	v4 =	vadd.s32 v2, v4  }
0x14b: {  	s11 =	sadd.s32 $0x18, s11;
	v4 =	vbroadcast v4, $0x0  }
0x14c: {  	[tilespmem:s11+$0x0] =	vst v3  }
0x14d: {  	v3 =	vld [tilespmem:s10+$0x0];
	v4 =	vadd.s32 v1, v4;
	_ =	sdelay $0x1  }
.Ltmp11:
0x14e: {  	(pc) =	sbr.rel @p0 .LBB2_25-.Ltmp11, $3  }
0x14f: {  	_ =	sdelay $0x1  }
0x150: {  	s10 =	sadd.s32 $0x20, s10;
	[tilespmem:v4+s0+$0x0] =	vst.idx.msk $0xf, v3  }
0x151: {  	v4 =	vmov s12;
	s12 =	sadd.s32 $0x1, s12;
	v3 =	vld [tilespmem:s10+$0xFFFFFFF0]  }
0x152: {  	v4 =	vmul.u32 $0x18, v4;
	_ =	sdelay $0x1  }
0x153: {  	v2 =	vadd.s32 v2, v4  }
0x154: {  	s11 =	sadd.s32 $0x18, s11;
	v2 =	vbroadcast v2, $0x0  }
0x155: {  	s9 =	sadd.s32 $0x1, s9;
	[tilespmem:s11+$0x0] =	vst v3  }
0x156: {  	p0 =	sne.s32 s9, $0x20;
	v3 =	vld [tilespmem:s10+$0x0];
	v2 =	vadd.s32 v1, v2  }
.Ltmp12:
0x157: {  	_ = 	snop;
	(pc) =	sbr.rel @p0 .LBB2_24-.Ltmp12, $2  }
0x158: {  	_ =	sdelay $0x2  }
0x159: {  	s7 =	sadd.s32 $0x2D0, s7;
	s8 =	sadd.s32 $0x3C0, s8;
	[tilespmem:v2+s0+$0x0] =	vst.idx.msk $0xf, v3  }
0x15a: {  	s6 =	simm.s32 $0x0  }
0x15b: {  	v2 =	vor.u32 s6, v0  }
0x15c: {  	v3 =	vmulhi.u32 $0x88888889, v2;
	_ =	sdelay $0x1  }
0x15d: {  	v3 =	vshrl.u32 v3, $0x4  }
0x15e: {  	v3 =	vmul.u32 $0x1E, v3;
	_ =	sdelay $0x1  }
0x15f: {  	v4 =	vshrl.u32 v3, $0x1  }
0x160: {  	v4 =	vmul.u32 $0xDDDDDDE0, v4  }
0x161: {  	s7 =	simm.s32 $0x10;
	v2 =	vsub.s32 v2, v3  }
0x162: {  	v2 =	vor.u32 v2, v4;
	v4 =	vor.u32 s7, v0  }
0x163: {  	v3 =	vadd.s32 $0x1400, v2;
	v2 =	vmulhi.u32 $0x88888889, v4;
	_ =	sdelay $0x1  }
0x164: {  	v5 =	vshrl.u32 v2, $0x4  }
0x165: {  	s11 =	rddreg [dreg:$0x7];
	v5 =	vmul.u32 $0x1E, v5  }
0x166: {  	[hbm4b:s11+s6] =	stream.linear.scatter [tilespmem:s0], [sflag:$0x4], $0x5A00, $0x38;
	[tilespmem:$0x1EB80] =	vst v63  }
0x167: {  	s10 =	simm.s32 $0x20;
	v7 =	vld.idx.msk [tilespmem:v3+s2+$0x0], $0xffff;
	v3 =	vshrl.u32 v5, $0x1  }
0x168: {  	v2 =	vor.u32 s10, v0;
	v8 =	vmul.u32 $0xDDDDDDE0, v3  }
0x169: {  	v6 =	vmulhi.u32 $0x88888889, v2;
	v4 =	vsub.s32 v4, v5  }
0x16a: {  	v4 =	vor.u32 v4, v8  }
0x16b: {  	v6 =	vshrl.u32 v6, $0x4;
	v5 =	vadd.s32 $0x1400, v4  }
0x16c: {  	v3 =	vmul.u32 $0x1E, v6;
	_ =	sdelay $0x1  }
0x16d: {  	s12 =	simm.s32 $0x30;
	s6 =	simm.s32 $0x43C0;
	v6 =	vshrl.u32 v3, $0x1  }
0x16e: {  	s7 =	simm.s32 $0x40;
	v4 =	vor.u32 s12, v0;
	v6 =	vmul.u32 $0xDDDDDDE0, v6;
	[tilespmem:s6+$0x0] =	vst v7  }
.LBB2_28:
0x16f: {  	p0 =	sne.s32 s7, $0x3B0;
	v7 =	vmulhi.u32 $0x88888889, v4;
	v3 =	vsub.s32 v2, v3;
	v8 =	vld.idx.msk [tilespmem:v5+s2+$0x0], $0xffff;
	v2 =	vmov v4  }
0x170: {  	v3 =	vor.u32 v3, v6  }
.Ltmp13:
0x171: {  	v4 =	vshrl.u32 v7, $0x4;
	v5 =	vadd.s32 $0x1400, v3;
	(pc) =	sbr.rel @p0 .LBB2_28-.Ltmp13, $3  }
0x172: {  	v3 =	vmul.u32 $0x1E, v4;
	_ =	sdelay $0x1  }
0x173: {  	s6 =	sadd.s32 $0x10, s6;
	v6 =	vshrl.u32 v3, $0x1  }
0x174: {  	v4 =	vor.u32 s7, v0;
	s7 =	sadd.s32 $0x10, s7;
	v6 =	vmul.u32 $0xDDDDDDE0, v6;
	[tilespmem:s6+$0x0] =	vst v8  }
0x175: {  	_ =	sdelay $0x1  }
0x176: {  	v7 =	vmulhi.u32 $0x88888889, v4  }
0x177: {  	v2 =	vsub.s32 v2, v3  }
0x178: {  	v3 =	vld.idx.msk [tilespmem:v5+s2+$0x0], $0xffff;
	v2 =	vor.u32 v2, v6;
	v62 =	vshrl.u32 v7, $0x4  }
0x179: {  	v2 =	vadd.s32 $0x1400, v2;
	v5 =	vmul.u32 $0x1E, v62;
	_ =	sdelay $0x1  }
0x17a: {  	v63 =	vshrl.u32 v5, $0x1  }
0x17b: {  	s6 =	sadd.s32 $0x10, s6;
	v6 =	vmul.u32 $0xDDDDDDE0, v63  }
0x17c: {  	[tilespmem:s6+$0x0] =	vst v3;
	v3 =	vsub.s32 v4, v5  }
0x17d: {  	v2 =	vld.idx.msk [tilespmem:v2+s2+$0x0], $0xffff;
	v3 =	vor.u32 v3, v6  }
0x17e: {  	v3 =	vadd.s32 $0x1400, v3;
	_ =	sdelay $0x2  }
0x17f: {  	s6 =	sadd.s32 $0x10, s6  }
0x180: {  	[tilespmem:s6+$0x0] =	vst v2  }
0x181: {  	v2 =	vld.idx.msk [tilespmem:v3+s2+$0x0], $0xffff;
	_ =	sdelay $0x3  }
0x182: {  	s6 =	sadd.s32 $0x10, s6  }
0x183: {  	[tilespmem:s6+$0x0] =	vst v2  }
0x184: {  	[tilespmem:s28], [sflag:$0x2] =	stream.indirect.gather [hbm4b:s3+s23], $0x20, s26, s23, $0xb8;
	[tilespmem:$0x1EB80] =	vst v63  }
0x185: {  	_ =	swait.ge [sflag:s29], $0x7800  }
0x186: {  	[sflag:s29] =	ssyncset.done $0x0  }
0x187: {  	[sflag:s29] =	ssyncadd.s32 $0xFFFF8800  }
0x188: {  	_ =	swait.ge [sflag:s1], $0x5A00  }
0x189: {  	s7 =	simm.s32 $0x13780;
	s8 =	simm.s32 $0x4790;
	[sflag:s1] =	ssyncset.done $0x0  }
0x18a: {  	s9 =	simm.s32 $0x0;
	s6 =	simm.s32 $0x0;
	[sflag:s1] =	ssyncadd.s32 $0xFFFFA600  }
.LBB2_30:
0x18b: {  	v2 =	vmov s9;
	v3 =	vld [tilespmem:s8+$0xFFFFFFF0];
	v4 =	vmov s6  }
0x18c: {  	v2 =	vmul.u32 $0x2D0, v2;
	v4 =	vmul.u32 $0x18, v4;
	_ =	sdelay $0x1  }
0x18d: {  	v4 =	vadd.s32 v2, v4  }
0x18e: {  	v4 =	vbroadcast v4, $0x0  }
0x18f: {  	[tilespmem:s7+$0x0] =	vst v3  }
0x190: {  	v3 =	vld [tilespmem:s8+$0x0];
	v4 =	vadd.s32 v1, v4;
	_ =	sdelay $0x4  }
0x191: {  	s11 =	simm.s32 $0x1;
	s10 =	sadd.s32 $0x20, s8;
	[tilespmem:v4+s30+$0x0] =	vst.idx.msk $0xf, v3  }
0x192: {  	s12 =	simm.s32 $0x2;
	v4 =	vmov s11;
	s11 =	smov.u32 s7;
	v3 =	vld [tilespmem:s10+$0xFFFFFFF0]  }
.LBB2_31:
0x193: {  	p0 =	sne.s32 s12, $0x1D;
	v4 =	vmul.u32 $0x18, v4;
	_ =	sdelay $0x1  }
0x194: {  	v4 =	vadd.s32 v2, v4  }
0x195: {  	s11 =	sadd.s32 $0x18, s11;
	v4 =	vbroadcast v4, $0x0  }
0x196: {  	[tilespmem:s11+$0x0] =	vst v3  }
0x197: {  	v3 =	vld [tilespmem:s10+$0x0];
	v4 =	vadd.s32 v1, v4;
	_ =	sdelay $0x1  }
.Ltmp14:
0x198: {  	(pc) =	sbr.rel @p0 .LBB2_31-.Ltmp14, $3  }
0x199: {  	_ =	sdelay $0x1  }
0x19a: {  	s10 =	sadd.s32 $0x20, s10;
	[tilespmem:v4+s30+$0x0] =	vst.idx.msk $0xf, v3  }
0x19b: {  	v4 =	vmov s12;
	s12 =	sadd.s32 $0x1, s12;
	v3 =	vld [tilespmem:s10+$0xFFFFFFF0]  }
0x19c: {  	v4 =	vmul.u32 $0x18, v4;
	_ =	sdelay $0x1  }
0x19d: {  	v2 =	vadd.s32 v2, v4  }
0x19e: {  	s11 =	sadd.s32 $0x18, s11;
	v2 =	vbroadcast v2, $0x0  }
0x19f: {  	s9 =	sadd.s32 $0x1, s9;
	[tilespmem:s11+$0x0] =	vst v3  }
0x1a0: {  	p0 =	sne.s32 s9, $0x20;
	v3 =	vld [tilespmem:s10+$0x0];
	v2 =	vadd.s32 v1, v2  }
.Ltmp15:
0x1a1: {  	_ = 	snop;
	(pc) =	sbr.rel @p0 .LBB2_30-.Ltmp15, $2  }
0x1a2: {  	_ =	sdelay $0x2  }
0x1a3: {  	s7 =	sadd.s32 $0x2D0, s7;
	s8 =	sadd.s32 $0x3C0, s8;
	[tilespmem:v2+s30+$0x0] =	vst.idx.msk $0xf, v3  }
0x1a4: {  	s6 =	simm.s32 $0x0  }
0x1a5: {  	v2 =	vor.u32 s6, v0  }
0x1a6: {  	v3 =	vmulhi.u32 $0x88888889, v2;
	_ =	sdelay $0x1  }
0x1a7: {  	v3 =	vshrl.u32 v3, $0x4  }
0x1a8: {  	v3 =	vmul.u32 $0x1E, v3;
	_ =	sdelay $0x1  }
0x1a9: {  	v4 =	vshrl.u32 v3, $0x1  }
0x1aa: {  	v4 =	vmul.u32 $0xDDDDDDE0, v4  }
0x1ab: {  	s7 =	simm.s32 $0x10;
	v2 =	vsub.s32 v2, v3  }
0x1ac: {  	v2 =	vor.u32 v2, v4;
	v4 =	vor.u32 s7, v0  }
0x1ad: {  	v3 =	vadd.s32 $0x1800, v2;
	v2 =	vmulhi.u32 $0x88888889, v4;
	_ =	sdelay $0x1  }
0x1ae: {  	v5 =	vshrl.u32 v2, $0x4  }
0x1af: {  	s11 =	rddreg [dreg:$0x8];
	v5 =	vmul.u32 $0x1E, v5  }
0x1b0: {  	[hbm4b:s11+s6] =	stream.linear.scatter [tilespmem:s30], [sflag:$0x3], $0x5A00, $0x38;
	[tilespmem:$0x1EB80] =	vst v63  }
0x1b1: {  	s10 =	simm.s32 $0x20;
	v7 =	vld.idx.msk [tilespmem:v3+s2+$0x0], $0xffff;
	v3 =	vshrl.u32 v5, $0x1  }
0x1b2: {  	v2 =	vor.u32 s10, v0;
	v8 =	vmul.u32 $0xDDDDDDE0, v3  }
0x1b3: {  	v6 =	vmulhi.u32 $0x88888889, v2;
	v4 =	vsub.s32 v4, v5  }
0x1b4: {  	v4 =	vor.u32 v4, v8  }
0x1b5: {  	v6 =	vshrl.u32 v6, $0x4;
	v5 =	vadd.s32 $0x1800, v4  }
0x1b6: {  	v3 =	vmul.u32 $0x1E, v6;
	_ =	sdelay $0x1  }
0x1b7: {  	s12 =	simm.s32 $0x30;
	s6 =	simm.s32 $0x4000;
	v6 =	vshrl.u32 v3, $0x1  }
0x1b8: {  	s7 =	simm.s32 $0x40;
	v4 =	vor.u32 s12, v0;
	v6 =	vmul.u32 $0xDDDDDDE0, v6;
	[tilespmem:s6+$0x0] =	vst v7  }
.LBB2_34:
0x1b9: {  	p0 =	sne.s32 s7, $0x3B0;
	v7 =	vmulhi.u32 $0x88888889, v4;
	v3 =	vsub.s32 v2, v3;
	v8 =	vld.idx.msk [tilespmem:v5+s2+$0x0], $0xffff;
	v2 =	vmov v4  }
0x1ba: {  	v3 =	vor.u32 v3, v6  }
.Ltmp16:
0x1bb: {  	v4 =	vshrl.u32 v7, $0x4;
	v5 =	vadd.s32 $0x1800, v3;
	(pc) =	sbr.rel @p0 .LBB2_34-.Ltmp16, $3  }
0x1bc: {  	v3 =	vmul.u32 $0x1E, v4;
	_ =	sdelay $0x1  }
0x1bd: {  	s6 =	sadd.s32 $0x10, s6;
	v6 =	vshrl.u32 v3, $0x1  }
0x1be: {  	v4 =	vor.u32 s7, v0;
	s7 =	sadd.s32 $0x10, s7;
	v6 =	vmul.u32 $0xDDDDDDE0, v6;
	[tilespmem:s6+$0x0] =	vst v8  }
0x1bf: {  	_ =	sdelay $0x1  }
0x1c0: {  	v7 =	vmulhi.u32 $0x88888889, v4  }
0x1c1: {  	v2 =	vsub.s32 v2, v3  }
0x1c2: {  	v3 =	vld.idx.msk [tilespmem:v5+s2+$0x0], $0xffff;
	v2 =	vor.u32 v2, v6;
	v62 =	vshrl.u32 v7, $0x4  }
0x1c3: {  	v2 =	vadd.s32 $0x1800, v2;
	v5 =	vmul.u32 $0x1E, v62;
	_ =	sdelay $0x1  }
0x1c4: {  	v63 =	vshrl.u32 v5, $0x1  }
0x1c5: {  	s6 =	sadd.s32 $0x10, s6;
	v6 =	vmul.u32 $0xDDDDDDE0, v63  }
0x1c6: {  	[tilespmem:s6+$0x0] =	vst v3;
	v3 =	vsub.s32 v4, v5  }
0x1c7: {  	v2 =	vld.idx.msk [tilespmem:v2+s2+$0x0], $0xffff;
	v3 =	vor.u32 v3, v6  }
0x1c8: {  	v3 =	vadd.s32 $0x1800, v3;
	_ =	sdelay $0x2  }
0x1c9: {  	s6 =	sadd.s32 $0x10, s6  }
0x1ca: {  	[tilespmem:s6+$0x0] =	vst v2  }
0x1cb: {  	v2 =	vld.idx.msk [tilespmem:v3+s2+$0x0], $0xffff;
	_ =	sdelay $0x3  }
0x1cc: {  	s6 =	sadd.s32 $0x10, s6  }
0x1cd: {  	[tilespmem:s6+$0x0] =	vst v2  }
0x1ce: {  	[tilespmem:s25], [sflag:$0x1] =	stream.indirect.gather [hbm4b:s3+s23], $0x20, s24, s23, $0xb8;
	[tilespmem:$0x1EB80] =	vst v63  }
0x1cf: {  	_ =	swait.ge [sflag:s31], $0x7800  }
0x1d0: {  	[sflag:s31] =	ssyncset.done $0x0  }
0x1d1: {  	[sflag:s31] =	ssyncadd.s32 $0xFFFF8800  }
0x1d2: {  	_ =	swait.ge [sflag:s4], $0x5A00  }
0x1d3: {  	s7 =	simm.s32 $0x19180;
	s8 =	simm.s32 $0xBF90;
	[sflag:s4] =	ssyncset.done $0x0  }
0x1d4: {  	s9 =	simm.s32 $0x0;
	s6 =	simm.s32 $0x0;
	[sflag:s4] =	ssyncadd.s32 $0xFFFFA600  }
.LBB2_36:
0x1d5: {  	v2 =	vmov s9;
	v3 =	vld [tilespmem:s8+$0xFFFFFFF0];
	v4 =	vmov s6  }
0x1d6: {  	v2 =	vmul.u32 $0x2D0, v2;
	v4 =	vmul.u32 $0x18, v4;
	_ =	sdelay $0x1  }
0x1d7: {  	v4 =	vadd.s32 v2, v4  }
0x1d8: {  	v4 =	vbroadcast v4, $0x0  }
0x1d9: {  	[tilespmem:s7+$0x0] =	vst v3  }
0x1da: {  	v3 =	vld [tilespmem:s8+$0x0];
	v4 =	vadd.s32 v1, v4;
	_ =	sdelay $0x4  }
0x1db: {  	s11 =	simm.s32 $0x1;
	s10 =	sadd.s32 $0x20, s8;
	[tilespmem:v4+s0+$0x0] =	vst.idx.msk $0xf, v3  }
0x1dc: {  	s12 =	simm.s32 $0x2;
	v4 =	vmov s11;
	s11 =	smov.u32 s7;
	v3 =	vld [tilespmem:s10+$0xFFFFFFF0]  }
.LBB2_37:
0x1dd: {  	p0 =	sne.s32 s12, $0x1D;
	v4 =	vmul.u32 $0x18, v4;
	_ =	sdelay $0x1  }
0x1de: {  	v4 =	vadd.s32 v2, v4  }
0x1df: {  	s11 =	sadd.s32 $0x18, s11;
	v4 =	vbroadcast v4, $0x0  }
0x1e0: {  	[tilespmem:s11+$0x0] =	vst v3  }
0x1e1: {  	v3 =	vld [tilespmem:s10+$0x0];
	v4 =	vadd.s32 v1, v4;
	_ =	sdelay $0x1  }
.Ltmp17:
0x1e2: {  	(pc) =	sbr.rel @p0 .LBB2_37-.Ltmp17, $3  }
0x1e3: {  	_ =	sdelay $0x1  }
0x1e4: {  	s10 =	sadd.s32 $0x20, s10;
	[tilespmem:v4+s0+$0x0] =	vst.idx.msk $0xf, v3  }
0x1e5: {  	v4 =	vmov s12;
	s12 =	sadd.s32 $0x1, s12;
	v3 =	vld [tilespmem:s10+$0xFFFFFFF0]  }
0x1e6: {  	v4 =	vmul.u32 $0x18, v4;
	_ =	sdelay $0x1  }
0x1e7: {  	v2 =	vadd.s32 v2, v4  }
0x1e8: {  	s11 =	sadd.s32 $0x18, s11;
	v2 =	vbroadcast v2, $0x0  }
0x1e9: {  	s9 =	sadd.s32 $0x1, s9;
	[tilespmem:s11+$0x0] =	vst v3  }
0x1ea: {  	p0 =	sne.s32 s9, $0x20;
	v3 =	vld [tilespmem:s10+$0x0];
	v2 =	vadd.s32 v1, v2  }
.Ltmp18:
0x1eb: {  	_ = 	snop;
	(pc) =	sbr.rel @p0 .LBB2_36-.Ltmp18, $2  }
0x1ec: {  	_ =	sdelay $0x2  }
0x1ed: {  	s7 =	sadd.s32 $0x2D0, s7;
	s8 =	sadd.s32 $0x3C0, s8;
	[tilespmem:v2+s0+$0x0] =	vst.idx.msk $0xf, v3  }
0x1ee: {  	s6 =	simm.s32 $0x0  }
0x1ef: {  	v2 =	vor.u32 s6, v0  }
0x1f0: {  	v3 =	vmulhi.u32 $0x88888889, v2;
	_ =	sdelay $0x1  }
0x1f1: {  	v3 =	vshrl.u32 v3, $0x4  }
0x1f2: {  	v3 =	vmul.u32 $0x1E, v3;
	_ =	sdelay $0x1  }
0x1f3: {  	v4 =	vshrl.u32 v3, $0x1  }
0x1f4: {  	v4 =	vmul.u32 $0xDDDDDDE0, v4  }
0x1f5: {  	s7 =	simm.s32 $0x10;
	v2 =	vsub.s32 v2, v3  }
0x1f6: {  	v2 =	vor.u32 v2, v4;
	v4 =	vor.u32 s7, v0  }
0x1f7: {  	v3 =	vadd.s32 $0x1C00, v2;
	v2 =	vmulhi.u32 $0x88888889, v4;
	_ =	sdelay $0x1  }
0x1f8: {  	v5 =	vshrl.u32 v2, $0x4  }
0x1f9: {  	s11 =	rddreg [dreg:$0x9];
	v5 =	vmul.u32 $0x1E, v5  }
0x1fa: {  	[hbm4b:s11+s6] =	stream.linear.scatter [tilespmem:s0], [sflag:$0x4], $0x5A00, $0x38;
	[tilespmem:$0x1EB80] =	vst v63  }
0x1fb: {  	s10 =	simm.s32 $0x20;
	v7 =	vld.idx.msk [tilespmem:v3+s2+$0x0], $0xffff;
	v3 =	vshrl.u32 v5, $0x1  }
0x1fc: {  	v2 =	vor.u32 s10, v0;
	v8 =	vmul.u32 $0xDDDDDDE0, v3  }
0x1fd: {  	v6 =	vmulhi.u32 $0x88888889, v2;
	v4 =	vsub.s32 v4, v5  }
0x1fe: {  	v4 =	vor.u32 v4, v8  }
0x1ff: {  	v6 =	vshrl.u32 v6, $0x4;
	v5 =	vadd.s32 $0x1C00, v4  }
0x200: {  	v3 =	vmul.u32 $0x1E, v6;
	_ =	sdelay $0x1  }
0x201: {  	s12 =	simm.s32 $0x30;
	s6 =	simm.s32 $0x43C0;
	v6 =	vshrl.u32 v3, $0x1  }
0x202: {  	s7 =	simm.s32 $0x40;
	v4 =	vor.u32 s12, v0;
	v6 =	vmul.u32 $0xDDDDDDE0, v6;
	[tilespmem:s6+$0x0] =	vst v7  }
.LBB2_40:
0x203: {  	p0 =	sne.s32 s7, $0x3B0;
	v7 =	vmulhi.u32 $0x88888889, v4;
	v3 =	vsub.s32 v2, v3;
	v8 =	vld.idx.msk [tilespmem:v5+s2+$0x0], $0xffff;
	v2 =	vmov v4  }
0x204: {  	v3 =	vor.u32 v3, v6  }
.Ltmp19:
0x205: {  	v4 =	vshrl.u32 v7, $0x4;
	v5 =	vadd.s32 $0x1C00, v3;
	(pc) =	sbr.rel @p0 .LBB2_40-.Ltmp19, $3  }
0x206: {  	v3 =	vmul.u32 $0x1E, v4;
	_ =	sdelay $0x1  }
0x207: {  	s6 =	sadd.s32 $0x10, s6;
	v6 =	vshrl.u32 v3, $0x1  }
0x208: {  	v4 =	vor.u32 s7, v0;
	s7 =	sadd.s32 $0x10, s7;
	v6 =	vmul.u32 $0xDDDDDDE0, v6;
	[tilespmem:s6+$0x0] =	vst v8  }
0x209: {  	_ =	sdelay $0x1  }
0x20a: {  	v7 =	vmulhi.u32 $0x88888889, v4  }
0x20b: {  	v2 =	vsub.s32 v2, v3  }
0x20c: {  	v3 =	vld.idx.msk [tilespmem:v5+s2+$0x0], $0xffff;
	v2 =	vor.u32 v2, v6;
	v62 =	vshrl.u32 v7, $0x4  }
0x20d: {  	v2 =	vadd.s32 $0x1C00, v2;
	v5 =	vmul.u32 $0x1E, v62;
	_ =	sdelay $0x1  }
0x20e: {  	v63 =	vshrl.u32 v5, $0x1  }
0x20f: {  	s6 =	sadd.s32 $0x10, s6;
	v6 =	vmul.u32 $0xDDDDDDE0, v63  }
0x210: {  	[tilespmem:s6+$0x0] =	vst v3;
	v3 =	vsub.s32 v4, v5  }
0x211: {  	v2 =	vld.idx.msk [tilespmem:v2+s2+$0x0], $0xffff;
	v3 =	vor.u32 v3, v6  }
0x212: {  	v3 =	vadd.s32 $0x1C00, v3;
	_ =	sdelay $0x2  }
0x213: {  	s6 =	sadd.s32 $0x10, s6  }
0x214: {  	[tilespmem:s6+$0x0] =	vst v2  }
0x215: {  	v2 =	vld.idx.msk [tilespmem:v3+s2+$0x0], $0xffff;
	_ =	sdelay $0x3  }
0x216: {  	s6 =	sadd.s32 $0x10, s6  }
0x217: {  	[tilespmem:s6+$0x0] =	vst v2  }
0x218: {  	[tilespmem:s28], [sflag:$0x2] =	stream.indirect.gather [hbm4b:s3+s23], $0x20, s26, s23, $0xb8;
	[tilespmem:$0x1EB80] =	vst v63  }
0x219: {  	_ =	swait.ge [sflag:s29], $0x7800  }
0x21a: {  	[sflag:s29] =	ssyncset.done $0x0  }
0x21b: {  	[sflag:s29] =	ssyncadd.s32 $0xFFFF8800  }
0x21c: {  	_ =	swait.ge [sflag:s1], $0x5A00  }
0x21d: {  	s7 =	simm.s32 $0x13780;
	s8 =	simm.s32 $0x4790;
	[sflag:s1] =	ssyncset.done $0x0  }
0x21e: {  	s9 =	simm.s32 $0x0;
	s6 =	simm.s32 $0x0;
	[sflag:s1] =	ssyncadd.s32 $0xFFFFA600  }
.LBB2_42:
0x21f: {  	v2 =	vmov s9;
	v3 =	vld [tilespmem:s8+$0xFFFFFFF0];
	v4 =	vmov s6  }
0x220: {  	v2 =	vmul.u32 $0x2D0, v2;
	v4 =	vmul.u32 $0x18, v4;
	_ =	sdelay $0x1  }
0x221: {  	v4 =	vadd.s32 v2, v4  }
0x222: {  	v4 =	vbroadcast v4, $0x0  }
0x223: {  	[tilespmem:s7+$0x0] =	vst v3  }
0x224: {  	v3 =	vld [tilespmem:s8+$0x0];
	v4 =	vadd.s32 v1, v4;
	_ =	sdelay $0x4  }
0x225: {  	s11 =	simm.s32 $0x1;
	s10 =	sadd.s32 $0x20, s8;
	[tilespmem:v4+s30+$0x0] =	vst.idx.msk $0xf, v3  }
0x226: {  	s12 =	simm.s32 $0x2;
	v4 =	vmov s11;
	s11 =	smov.u32 s7;
	v3 =	vld [tilespmem:s10+$0xFFFFFFF0]  }
.LBB2_43:
0x227: {  	p0 =	sne.s32 s12, $0x1D;
	v4 =	vmul.u32 $0x18, v4;
	_ =	sdelay $0x1  }
0x228: {  	v4 =	vadd.s32 v2, v4  }
0x229: {  	s11 =	sadd.s32 $0x18, s11;
	v4 =	vbroadcast v4, $0x0  }
0x22a: {  	[tilespmem:s11+$0x0] =	vst v3  }
0x22b: {  	v3 =	vld [tilespmem:s10+$0x0];
	v4 =	vadd.s32 v1, v4;
	_ =	sdelay $0x1  }
.Ltmp20:
0x22c: {  	(pc) =	sbr.rel @p0 .LBB2_43-.Ltmp20, $3  }
0x22d: {  	_ =	sdelay $0x1  }
0x22e: {  	s10 =	sadd.s32 $0x20, s10;
	[tilespmem:v4+s30+$0x0] =	vst.idx.msk $0xf, v3  }
0x22f: {  	v4 =	vmov s12;
	s12 =	sadd.s32 $0x1, s12;
	v3 =	vld [tilespmem:s10+$0xFFFFFFF0]  }
0x230: {  	v4 =	vmul.u32 $0x18, v4;
	_ =	sdelay $0x1  }
0x231: {  	v2 =	vadd.s32 v2, v4  }
0x232: {  	s11 =	sadd.s32 $0x18, s11;
	v2 =	vbroadcast v2, $0x0  }
0x233: {  	s9 =	sadd.s32 $0x1, s9;
	[tilespmem:s11+$0x0] =	vst v3  }
0x234: {  	p0 =	sne.s32 s9, $0x20;
	v3 =	vld [tilespmem:s10+$0x0];
	v2 =	vadd.s32 v1, v2  }
.Ltmp21:
0x235: {  	_ = 	snop;
	(pc) =	sbr.rel @p0 .LBB2_42-.Ltmp21, $2  }
0x236: {  	_ =	sdelay $0x2  }
0x237: {  	s7 =	sadd.s32 $0x2D0, s7;
	s8 =	sadd.s32 $0x3C0, s8;
	[tilespmem:v2+s30+$0x0] =	vst.idx.msk $0xf, v3  }
0x238: {  	s6 =	simm.s32 $0x0  }
0x239: {  	v2 =	vor.u32 s6, v0  }
0x23a: {  	v3 =	vmulhi.u32 $0x88888889, v2;
	_ =	sdelay $0x1  }
0x23b: {  	v3 =	vshrl.u32 v3, $0x4  }
0x23c: {  	v3 =	vmul.u32 $0x1E, v3;
	_ =	sdelay $0x1  }
0x23d: {  	v4 =	vshrl.u32 v3, $0x1  }
0x23e: {  	v4 =	vmul.u32 $0xDDDDDDE0, v4  }
0x23f: {  	s7 =	simm.s32 $0x10;
	v2 =	vsub.s32 v2, v3  }
0x240: {  	v2 =	vor.u32 v2, v4;
	v4 =	vor.u32 s7, v0  }
0x241: {  	v3 =	vadd.s32 $0x2000, v2;
	v2 =	vmulhi.u32 $0x88888889, v4;
	_ =	sdelay $0x1  }
0x242: {  	v5 =	vshrl.u32 v2, $0x4  }
0x243: {  	s11 =	rddreg [dreg:$0xa];
	v5 =	vmul.u32 $0x1E, v5  }
0x244: {  	[hbm4b:s11+s6] =	stream.linear.scatter [tilespmem:s30], [sflag:$0x3], $0x5A00, $0x38;
	[tilespmem:$0x1EB80] =	vst v63  }
0x245: {  	s10 =	simm.s32 $0x20;
	v7 =	vld.idx.msk [tilespmem:v3+s2+$0x0], $0xffff;
	v3 =	vshrl.u32 v5, $0x1  }
0x246: {  	v2 =	vor.u32 s10, v0;
	v8 =	vmul.u32 $0xDDDDDDE0, v3  }
0x247: {  	v6 =	vmulhi.u32 $0x88888889, v2;
	v4 =	vsub.s32 v4, v5  }
0x248: {  	v4 =	vor.u32 v4, v8  }
0x249: {  	v6 =	vshrl.u32 v6, $0x4;
	v5 =	vadd.s32 $0x2000, v4  }
0x24a: {  	v3 =	vmul.u32 $0x1E, v6;
	_ =	sdelay $0x1  }
0x24b: {  	s12 =	simm.s32 $0x30;
	s6 =	simm.s32 $0x4000;
	v6 =	vshrl.u32 v3, $0x1  }
0x24c: {  	s7 =	simm.s32 $0x40;
	v4 =	vor.u32 s12, v0;
	v6 =	vmul.u32 $0xDDDDDDE0, v6;
	[tilespmem:s6+$0x0] =	vst v7  }
.LBB2_46:
0x24d: {  	p0 =	sne.s32 s7, $0x3B0;
	v7 =	vmulhi.u32 $0x88888889, v4;
	v3 =	vsub.s32 v2, v3;
	v8 =	vld.idx.msk [tilespmem:v5+s2+$0x0], $0xffff;
	v2 =	vmov v4  }
0x24e: {  	v3 =	vor.u32 v3, v6  }
.Ltmp22:
0x24f: {  	v4 =	vshrl.u32 v7, $0x4;
	v5 =	vadd.s32 $0x2000, v3;
	(pc) =	sbr.rel @p0 .LBB2_46-.Ltmp22, $3  }
0x250: {  	v3 =	vmul.u32 $0x1E, v4;
	_ =	sdelay $0x1  }
0x251: {  	s6 =	sadd.s32 $0x10, s6;
	v6 =	vshrl.u32 v3, $0x1  }
0x252: {  	v4 =	vor.u32 s7, v0;
	s7 =	sadd.s32 $0x10, s7;
	v6 =	vmul.u32 $0xDDDDDDE0, v6;
	[tilespmem:s6+$0x0] =	vst v8  }
0x253: {  	_ =	sdelay $0x1  }
0x254: {  	v7 =	vmulhi.u32 $0x88888889, v4  }
0x255: {  	v2 =	vsub.s32 v2, v3  }
0x256: {  	v3 =	vld.idx.msk [tilespmem:v5+s2+$0x0], $0xffff;
	v2 =	vor.u32 v2, v6;
	v62 =	vshrl.u32 v7, $0x4  }
0x257: {  	v2 =	vadd.s32 $0x2000, v2;
	v5 =	vmul.u32 $0x1E, v62;
	_ =	sdelay $0x1  }
0x258: {  	v63 =	vshrl.u32 v5, $0x1  }
0x259: {  	s6 =	sadd.s32 $0x10, s6;
	v6 =	vmul.u32 $0xDDDDDDE0, v63  }
0x25a: {  	[tilespmem:s6+$0x0] =	vst v3;
	v3 =	vsub.s32 v4, v5  }
0x25b: {  	v2 =	vld.idx.msk [tilespmem:v2+s2+$0x0], $0xffff;
	v3 =	vor.u32 v3, v6  }
0x25c: {  	v3 =	vadd.s32 $0x2000, v3;
	_ =	sdelay $0x2  }
0x25d: {  	s6 =	sadd.s32 $0x10, s6  }
0x25e: {  	[tilespmem:s6+$0x0] =	vst v2  }
0x25f: {  	v2 =	vld.idx.msk [tilespmem:v3+s2+$0x0], $0xffff;
	_ =	sdelay $0x3  }
0x260: {  	s6 =	sadd.s32 $0x10, s6  }
0x261: {  	[tilespmem:s6+$0x0] =	vst v2  }
0x262: {  	[tilespmem:s25], [sflag:$0x1] =	stream.indirect.gather [hbm4b:s3+s23], $0x20, s24, s23, $0xb8;
	[tilespmem:$0x1EB80] =	vst v63  }
0x263: {  	_ =	swait.ge [sflag:s31], $0x7800  }
0x264: {  	[sflag:s31] =	ssyncset.done $0x0  }
0x265: {  	[sflag:s31] =	ssyncadd.s32 $0xFFFF8800  }
0x266: {  	_ =	swait.ge [sflag:s4], $0x5A00  }
0x267: {  	s7 =	simm.s32 $0x19180;
	s8 =	simm.s32 $0xBF90;
	[sflag:s4] =	ssyncset.done $0x0  }
0x268: {  	s9 =	simm.s32 $0x0;
	s6 =	simm.s32 $0x0;
	[sflag:s4] =	ssyncadd.s32 $0xFFFFA600  }
.LBB2_48:
0x269: {  	v2 =	vmov s9;
	v3 =	vld [tilespmem:s8+$0xFFFFFFF0];
	v4 =	vmov s6  }
0x26a: {  	v2 =	vmul.u32 $0x2D0, v2;
	v4 =	vmul.u32 $0x18, v4;
	_ =	sdelay $0x1  }
0x26b: {  	v4 =	vadd.s32 v2, v4  }
0x26c: {  	v4 =	vbroadcast v4, $0x0  }
0x26d: {  	[tilespmem:s7+$0x0] =	vst v3  }
0x26e: {  	v3 =	vld [tilespmem:s8+$0x0];
	v4 =	vadd.s32 v1, v4;
	_ =	sdelay $0x4  }
0x26f: {  	s11 =	simm.s32 $0x1;
	s10 =	sadd.s32 $0x20, s8;
	[tilespmem:v4+s0+$0x0] =	vst.idx.msk $0xf, v3  }
0x270: {  	s12 =	simm.s32 $0x2;
	v4 =	vmov s11;
	s11 =	smov.u32 s7;
	v3 =	vld [tilespmem:s10+$0xFFFFFFF0]  }
.LBB2_49:
0x271: {  	p0 =	sne.s32 s12, $0x1D;
	v4 =	vmul.u32 $0x18, v4;
	_ =	sdelay $0x1  }
0x272: {  	v4 =	vadd.s32 v2, v4  }
0x273: {  	s11 =	sadd.s32 $0x18, s11;
	v4 =	vbroadcast v4, $0x0  }
0x274: {  	[tilespmem:s11+$0x0] =	vst v3  }
0x275: {  	v3 =	vld [tilespmem:s10+$0x0];
	v4 =	vadd.s32 v1, v4;
	_ =	sdelay $0x1  }
.Ltmp23:
0x276: {  	(pc) =	sbr.rel @p0 .LBB2_49-.Ltmp23, $3  }
0x277: {  	_ =	sdelay $0x1  }
0x278: {  	s10 =	sadd.s32 $0x20, s10;
	[tilespmem:v4+s0+$0x0] =	vst.idx.msk $0xf, v3  }
0x279: {  	v4 =	vmov s12;
	s12 =	sadd.s32 $0x1, s12;
	v3 =	vld [tilespmem:s10+$0xFFFFFFF0]  }
0x27a: {  	v4 =	vmul.u32 $0x18, v4;
	_ =	sdelay $0x1  }
0x27b: {  	v2 =	vadd.s32 v2, v4  }
0x27c: {  	s11 =	sadd.s32 $0x18, s11;
	v2 =	vbroadcast v2, $0x0  }
0x27d: {  	s9 =	sadd.s32 $0x1, s9;
	[tilespmem:s11+$0x0] =	vst v3  }
0x27e: {  	p0 =	sne.s32 s9, $0x20;
	v3 =	vld [tilespmem:s10+$0x0];
	v2 =	vadd.s32 v1, v2  }
.Ltmp24:
0x27f: {  	_ = 	snop;
	(pc) =	sbr.rel @p0 .LBB2_48-.Ltmp24, $2  }
0x280: {  	_ =	sdelay $0x2  }
0x281: {  	s7 =	sadd.s32 $0x2D0, s7;
	s8 =	sadd.s32 $0x3C0, s8;
	[tilespmem:v2+s0+$0x0] =	vst.idx.msk $0xf, v3  }
0x282: {  	s6 =	simm.s32 $0x0  }
0x283: {  	v2 =	vor.u32 s6, v0  }
0x284: {  	v3 =	vmulhi.u32 $0x88888889, v2;
	_ =	sdelay $0x1  }
0x285: {  	v3 =	vshrl.u32 v3, $0x4  }
0x286: {  	v3 =	vmul.u32 $0x1E, v3;
	_ =	sdelay $0x1  }
0x287: {  	v4 =	vshrl.u32 v3, $0x1  }
0x288: {  	v4 =	vmul.u32 $0xDDDDDDE0, v4  }
0x289: {  	s7 =	simm.s32 $0x10;
	v2 =	vsub.s32 v2, v3  }
0x28a: {  	v2 =	vor.u32 v2, v4;
	v4 =	vor.u32 s7, v0  }
0x28b: {  	v3 =	vadd.s32 $0x2400, v2;
	v2 =	vmulhi.u32 $0x88888889, v4;
	_ =	sdelay $0x1  }
0x28c: {  	v5 =	vshrl.u32 v2, $0x4  }
0x28d: {  	s11 =	rddreg [dreg:$0xb];
	v5 =	vmul.u32 $0x1E, v5  }
0x28e: {  	[hbm4b:s11+s6] =	stream.linear.scatter [tilespmem:s0], [sflag:$0x4], $0x5A00, $0x38;
	[tilespmem:$0x1EB80] =	vst v63  }
0x28f: {  	s10 =	simm.s32 $0x20;
	v7 =	vld.idx.msk [tilespmem:v3+s2+$0x0], $0xffff;
	v3 =	vshrl.u32 v5, $0x1  }
0x290: {  	v2 =	vor.u32 s10, v0;
	v8 =	vmul.u32 $0xDDDDDDE0, v3  }
0x291: {  	v6 =	vmulhi.u32 $0x88888889, v2;
	v4 =	vsub.s32 v4, v5  }
0x292: {  	v4 =	vor.u32 v4, v8  }
0x293: {  	v6 =	vshrl.u32 v6, $0x4;
	v5 =	vadd.s32 $0x2400, v4  }
0x294: {  	v3 =	vmul.u32 $0x1E, v6;
	_ =	sdelay $0x1  }
0x295: {  	s12 =	simm.s32 $0x30;
	s6 =	simm.s32 $0x43C0;
	v6 =	vshrl.u32 v3, $0x1  }
0x296: {  	s7 =	simm.s32 $0x40;
	v4 =	vor.u32 s12, v0;
	v6 =	vmul.u32 $0xDDDDDDE0, v6;
	[tilespmem:s6+$0x0] =	vst v7  }
.LBB2_52:
0x297: {  	p0 =	sne.s32 s7, $0x3B0;
	v7 =	vmulhi.u32 $0x88888889, v4;
	v3 =	vsub.s32 v2, v3;
	v8 =	vld.idx.msk [tilespmem:v5+s2+$0x0], $0xffff;
	v2 =	vmov v4  }
0x298: {  	v3 =	vor.u32 v3, v6  }
.Ltmp25:
0x299: {  	v4 =	vshrl.u32 v7, $0x4;
	v5 =	vadd.s32 $0x2400, v3;
	(pc) =	sbr.rel @p0 .LBB2_52-.Ltmp25, $3  }
0x29a: {  	v3 =	vmul.u32 $0x1E, v4;
	_ =	sdelay $0x1  }
0x29b: {  	s6 =	sadd.s32 $0x10, s6;
	v6 =	vshrl.u32 v3, $0x1  }
0x29c: {  	v4 =	vor.u32 s7, v0;
	s7 =	sadd.s32 $0x10, s7;
	v6 =	vmul.u32 $0xDDDDDDE0, v6;
	[tilespmem:s6+$0x0] =	vst v8  }
0x29d: {  	_ =	sdelay $0x1  }
0x29e: {  	v7 =	vmulhi.u32 $0x88888889, v4  }
0x29f: {  	v2 =	vsub.s32 v2, v3  }
0x2a0: {  	v3 =	vld.idx.msk [tilespmem:v5+s2+$0x0], $0xffff;
	v2 =	vor.u32 v2, v6;
	v62 =	vshrl.u32 v7, $0x4  }
0x2a1: {  	v2 =	vadd.s32 $0x2400, v2;
	v5 =	vmul.u32 $0x1E, v62;
	_ =	sdelay $0x1  }
0x2a2: {  	v63 =	vshrl.u32 v5, $0x1  }
0x2a3: {  	s6 =	sadd.s32 $0x10, s6;
	v6 =	vmul.u32 $0xDDDDDDE0, v63  }
0x2a4: {  	[tilespmem:s6+$0x0] =	vst v3;
	v3 =	vsub.s32 v4, v5  }
0x2a5: {  	v2 =	vld.idx.msk [tilespmem:v2+s2+$0x0], $0xffff;
	v3 =	vor.u32 v3, v6  }
0x2a6: {  	v3 =	vadd.s32 $0x2400, v3;
	_ =	sdelay $0x2  }
0x2a7: {  	s6 =	sadd.s32 $0x10, s6  }
0x2a8: {  	[tilespmem:s6+$0x0] =	vst v2  }
0x2a9: {  	v2 =	vld.idx.msk [tilespmem:v3+s2+$0x0], $0xffff;
	_ =	sdelay $0x3  }
0x2aa: {  	s6 =	sadd.s32 $0x10, s6  }
0x2ab: {  	[tilespmem:s6+$0x0] =	vst v2  }
0x2ac: {  	[tilespmem:s28], [sflag:$0x2] =	stream.indirect.gather [hbm4b:s3+s23], $0x20, s26, s23, $0xb8;
	[tilespmem:$0x1EB80] =	vst v63  }
0x2ad: {  	_ =	swait.ge [sflag:s29], $0x7800  }
0x2ae: {  	[sflag:s29] =	ssyncset.done $0x0  }
0x2af: {  	[sflag:s29] =	ssyncadd.s32 $0xFFFF8800  }
0x2b0: {  	_ =	swait.ge [sflag:s1], $0x5A00  }
0x2b1: {  	s7 =	simm.s32 $0x13780;
	s8 =	simm.s32 $0x4790;
	[sflag:s1] =	ssyncset.done $0x0  }
0x2b2: {  	s9 =	simm.s32 $0x0;
	s6 =	simm.s32 $0x0;
	[sflag:s1] =	ssyncadd.s32 $0xFFFFA600  }
.LBB2_54:
0x2b3: {  	v2 =	vmov s9;
	v3 =	vld [tilespmem:s8+$0xFFFFFFF0];
	v4 =	vmov s6  }
0x2b4: {  	v2 =	vmul.u32 $0x2D0, v2;
	v4 =	vmul.u32 $0x18, v4;
	_ =	sdelay $0x1  }
0x2b5: {  	v4 =	vadd.s32 v2, v4  }
0x2b6: {  	v4 =	vbroadcast v4, $0x0  }
0x2b7: {  	[tilespmem:s7+$0x0] =	vst v3  }
0x2b8: {  	v3 =	vld [tilespmem:s8+$0x0];
	v4 =	vadd.s32 v1, v4;
	_ =	sdelay $0x4  }
0x2b9: {  	s11 =	simm.s32 $0x1;
	s10 =	sadd.s32 $0x20, s8;
	[tilespmem:v4+s30+$0x0] =	vst.idx.msk $0xf, v3  }
0x2ba: {  	s12 =	simm.s32 $0x2;
	v4 =	vmov s11;
	s11 =	smov.u32 s7;
	v3 =	vld [tilespmem:s10+$0xFFFFFFF0]  }
.LBB2_55:
0x2bb: {  	p0 =	sne.s32 s12, $0x1D;
	v4 =	vmul.u32 $0x18, v4;
	_ =	sdelay $0x1  }
0x2bc: {  	v4 =	vadd.s32 v2, v4  }
0x2bd: {  	s11 =	sadd.s32 $0x18, s11;
	v4 =	vbroadcast v4, $0x0  }
0x2be: {  	[tilespmem:s11+$0x0] =	vst v3  }
0x2bf: {  	v3 =	vld [tilespmem:s10+$0x0];
	v4 =	vadd.s32 v1, v4;
	_ =	sdelay $0x1  }
.Ltmp26:
0x2c0: {  	(pc) =	sbr.rel @p0 .LBB2_55-.Ltmp26, $3  }
0x2c1: {  	_ =	sdelay $0x1  }
0x2c2: {  	s10 =	sadd.s32 $0x20, s10;
	[tilespmem:v4+s30+$0x0] =	vst.idx.msk $0xf, v3  }
0x2c3: {  	v4 =	vmov s12;
	s12 =	sadd.s32 $0x1, s12;
	v3 =	vld [tilespmem:s10+$0xFFFFFFF0]  }
0x2c4: {  	v4 =	vmul.u32 $0x18, v4;
	_ =	sdelay $0x1  }
0x2c5: {  	v2 =	vadd.s32 v2, v4  }
0x2c6: {  	s11 =	sadd.s32 $0x18, s11;
	v2 =	vbroadcast v2, $0x0  }
0x2c7: {  	s9 =	sadd.s32 $0x1, s9;
	[tilespmem:s11+$0x0] =	vst v3  }
0x2c8: {  	p0 =	sne.s32 s9, $0x20;
	v3 =	vld [tilespmem:s10+$0x0];
	v2 =	vadd.s32 v1, v2  }
.Ltmp27:
0x2c9: {  	_ = 	snop;
	(pc) =	sbr.rel @p0 .LBB2_54-.Ltmp27, $2  }
0x2ca: {  	_ =	sdelay $0x2  }
0x2cb: {  	s7 =	sadd.s32 $0x2D0, s7;
	s8 =	sadd.s32 $0x3C0, s8;
	[tilespmem:v2+s30+$0x0] =	vst.idx.msk $0xf, v3  }
0x2cc: {  	s6 =	simm.s32 $0x0  }
0x2cd: {  	v2 =	vor.u32 s6, v0  }
0x2ce: {  	v3 =	vmulhi.u32 $0x88888889, v2;
	_ =	sdelay $0x1  }
0x2cf: {  	v3 =	vshrl.u32 v3, $0x4  }
0x2d0: {  	v3 =	vmul.u32 $0x1E, v3;
	_ =	sdelay $0x1  }
0x2d1: {  	v4 =	vshrl.u32 v3, $0x1  }
0x2d2: {  	v4 =	vmul.u32 $0xDDDDDDE0, v4  }
0x2d3: {  	s7 =	simm.s32 $0x10;
	v2 =	vsub.s32 v2, v3  }
0x2d4: {  	v2 =	vor.u32 v2, v4;
	v4 =	vor.u32 s7, v0  }
0x2d5: {  	v3 =	vadd.s32 $0x2800, v2;
	v2 =	vmulhi.u32 $0x88888889, v4;
	_ =	sdelay $0x1  }
0x2d6: {  	v5 =	vshrl.u32 v2, $0x4  }
0x2d7: {  	v5 =	vmul.u32 $0x1E, v5  }
0x2d8: {  	[hbm4b:s13+s6] =	stream.linear.scatter [tilespmem:s30], [sflag:$0x3], $0x5A00, $0x38;
	[tilespmem:$0x1EB80] =	vst v63  }
0x2d9: {  	s11 =	simm.s32 $0x20;
	v7 =	vld.idx.msk [tilespmem:v3+s2+$0x0], $0xffff;
	v3 =	vshrl.u32 v5, $0x1  }
0x2da: {  	v2 =	vor.u32 s11, v0;
	v8 =	vmul.u32 $0xDDDDDDE0, v3  }
0x2db: {  	v6 =	vmulhi.u32 $0x88888889, v2;
	v4 =	vsub.s32 v4, v5  }
0x2dc: {  	v4 =	vor.u32 v4, v8  }
0x2dd: {  	v6 =	vshrl.u32 v6, $0x4;
	v5 =	vadd.s32 $0x2800, v4  }
0x2de: {  	v3 =	vmul.u32 $0x1E, v6;
	_ =	sdelay $0x1  }
0x2df: {  	s12 =	simm.s32 $0x30;
	s6 =	simm.s32 $0x4000;
	v6 =	vshrl.u32 v3, $0x1  }
0x2e0: {  	s7 =	simm.s32 $0x40;
	v4 =	vor.u32 s12, v0;
	v6 =	vmul.u32 $0xDDDDDDE0, v6;
	[tilespmem:s6+$0x0] =	vst v7  }
.LBB2_58:
0x2e1: {  	p0 =	sne.s32 s7, $0x3B0;
	v7 =	vmulhi.u32 $0x88888889, v4;
	v3 =	vsub.s32 v2, v3;
	v8 =	vld.idx.msk [tilespmem:v5+s2+$0x0], $0xffff;
	v2 =	vmov v4  }
0x2e2: {  	v3 =	vor.u32 v3, v6  }
.Ltmp28:
0x2e3: {  	v4 =	vshrl.u32 v7, $0x4;
	v5 =	vadd.s32 $0x2800, v3;
	(pc) =	sbr.rel @p0 .LBB2_58-.Ltmp28, $3  }
0x2e4: {  	v3 =	vmul.u32 $0x1E, v4;
	_ =	sdelay $0x1  }
0x2e5: {  	s6 =	sadd.s32 $0x10, s6;
	v6 =	vshrl.u32 v3, $0x1  }
0x2e6: {  	v4 =	vor.u32 s7, v0;
	s7 =	sadd.s32 $0x10, s7;
	v6 =	vmul.u32 $0xDDDDDDE0, v6;
	[tilespmem:s6+$0x0] =	vst v8  }
0x2e7: {  	_ =	sdelay $0x1  }
0x2e8: {  	v7 =	vmulhi.u32 $0x88888889, v4  }
0x2e9: {  	v2 =	vsub.s32 v2, v3  }
0x2ea: {  	v3 =	vld.idx.msk [tilespmem:v5+s2+$0x0], $0xffff;
	v2 =	vor.u32 v2, v6;
	v62 =	vshrl.u32 v7, $0x4  }
0x2eb: {  	v2 =	vadd.s32 $0x2800, v2;
	v5 =	vmul.u32 $0x1E, v62;
	_ =	sdelay $0x1  }
0x2ec: {  	v63 =	vshrl.u32 v5, $0x1  }
0x2ed: {  	s6 =	sadd.s32 $0x10, s6;
	v6 =	vmul.u32 $0xDDDDDDE0, v63  }
0x2ee: {  	[tilespmem:s6+$0x0] =	vst v3;
	v3 =	vsub.s32 v4, v5  }
0x2ef: {  	v2 =	vld.idx.msk [tilespmem:v2+s2+$0x0], $0xffff;
	v3 =	vor.u32 v3, v6  }
0x2f0: {  	v3 =	vadd.s32 $0x2800, v3;
	_ =	sdelay $0x2  }
0x2f1: {  	s6 =	sadd.s32 $0x10, s6  }
0x2f2: {  	[tilespmem:s6+$0x0] =	vst v2  }
0x2f3: {  	v2 =	vld.idx.msk [tilespmem:v3+s2+$0x0], $0xffff;
	_ =	sdelay $0x3  }
0x2f4: {  	s6 =	sadd.s32 $0x10, s6  }
0x2f5: {  	[tilespmem:s6+$0x0] =	vst v2  }
0x2f6: {  	[tilespmem:s25], [sflag:$0x1] =	stream.indirect.gather [hbm4b:s3+s23], $0x20, s24, s23, $0xb8;
	[tilespmem:$0x1EB80] =	vst v63  }
0x2f7: {  	_ =	swait.ge [sflag:s31], $0x7800  }
0x2f8: {  	[sflag:s31] =	ssyncset.done $0x0  }
0x2f9: {  	[sflag:s31] =	ssyncadd.s32 $0xFFFF8800  }
0x2fa: {  	_ =	swait.ge [sflag:s4], $0x5A00  }
0x2fb: {  	s7 =	simm.s32 $0x19180;
	s8 =	simm.s32 $0xBF90;
	[sflag:s4] =	ssyncset.done $0x0  }
0x2fc: {  	s9 =	simm.s32 $0x0;
	s6 =	simm.s32 $0x0;
	[sflag:s4] =	ssyncadd.s32 $0xFFFFA600  }
.LBB2_60:
0x2fd: {  	v2 =	vmov s9;
	v3 =	vld [tilespmem:s8+$0xFFFFFFF0];
	v4 =	vmov s6  }
0x2fe: {  	v2 =	vmul.u32 $0x2D0, v2;
	v4 =	vmul.u32 $0x18, v4;
	_ =	sdelay $0x1  }
0x2ff: {  	v4 =	vadd.s32 v2, v4  }
0x300: {  	v4 =	vbroadcast v4, $0x0  }
0x301: {  	[tilespmem:s7+$0x0] =	vst v3  }
0x302: {  	v3 =	vld [tilespmem:s8+$0x0];
	v4 =	vadd.s32 v1, v4;
	_ =	sdelay $0x4  }
0x303: {  	s11 =	simm.s32 $0x1;
	s10 =	sadd.s32 $0x20, s8;
	[tilespmem:v4+s0+$0x0] =	vst.idx.msk $0xf, v3  }
0x304: {  	s12 =	simm.s32 $0x2;
	v4 =	vmov s11;
	s11 =	smov.u32 s7;
	v3 =	vld [tilespmem:s10+$0xFFFFFFF0]  }
.LBB2_61:
0x305: {  	p0 =	sne.s32 s12, $0x1D;
	v4 =	vmul.u32 $0x18, v4;
	_ =	sdelay $0x1  }
0x306: {  	v4 =	vadd.s32 v2, v4  }
0x307: {  	s11 =	sadd.s32 $0x18, s11;
	v4 =	vbroadcast v4, $0x0  }
0x308: {  	[tilespmem:s11+$0x0] =	vst v3  }
0x309: {  	v3 =	vld [tilespmem:s10+$0x0];
	v4 =	vadd.s32 v1, v4;
	_ =	sdelay $0x1  }
.Ltmp29:
0x30a: {  	(pc) =	sbr.rel @p0 .LBB2_61-.Ltmp29, $3  }
0x30b: {  	_ =	sdelay $0x1  }
0x30c: {  	s10 =	sadd.s32 $0x20, s10;
	[tilespmem:v4+s0+$0x0] =	vst.idx.msk $0xf, v3  }
0x30d: {  	v4 =	vmov s12;
	s12 =	sadd.s32 $0x1, s12;
	v3 =	vld [tilespmem:s10+$0xFFFFFFF0]  }
0x30e: {  	v4 =	vmul.u32 $0x18, v4;
	_ =	sdelay $0x1  }
0x30f: {  	v2 =	vadd.s32 v2, v4  }
0x310: {  	s11 =	sadd.s32 $0x18, s11;
	v2 =	vbroadcast v2, $0x0  }
0x311: {  	s9 =	sadd.s32 $0x1, s9;
	[tilespmem:s11+$0x0] =	vst v3  }
0x312: {  	p0 =	sne.s32 s9, $0x20;
	v3 =	vld [tilespmem:s10+$0x0];
	v2 =	vadd.s32 v1, v2  }
.Ltmp30:
0x313: {  	_ = 	snop;
	(pc) =	sbr.rel @p0 .LBB2_60-.Ltmp30, $2  }
0x314: {  	_ =	sdelay $0x2  }
0x315: {  	s7 =	sadd.s32 $0x2D0, s7;
	s8 =	sadd.s32 $0x3C0, s8;
	[tilespmem:v2+s0+$0x0] =	vst.idx.msk $0xf, v3  }
0x316: {  	s6 =	simm.s32 $0x0  }
0x317: {  	v2 =	vor.u32 s6, v0  }
0x318: {  	v3 =	vmulhi.u32 $0x88888889, v2;
	_ =	sdelay $0x1  }
0x319: {  	v3 =	vshrl.u32 v3, $0x4  }
0x31a: {  	v3 =	vmul.u32 $0x1E, v3;
	_ =	sdelay $0x1  }
0x31b: {  	v4 =	vshrl.u32 v3, $0x1  }
0x31c: {  	v4 =	vmul.u32 $0xDDDDDDE0, v4  }
0x31d: {  	s7 =	simm.s32 $0x10;
	v2 =	vsub.s32 v2, v3  }
0x31e: {  	v2 =	vor.u32 v2, v4;
	v4 =	vor.u32 s7, v0  }
0x31f: {  	v3 =	vadd.s32 $0x2C00, v2;
	v2 =	vmulhi.u32 $0x88888889, v4;
	_ =	sdelay $0x1  }
0x320: {  	v5 =	vshrl.u32 v2, $0x4  }
0x321: {  	v5 =	vmul.u32 $0x1E, v5  }
0x322: {  	[hbm4b:s14+s6] =	stream.linear.scatter [tilespmem:s0], [sflag:$0x4], $0x5A00, $0x38;
	[tilespmem:$0x1EB80] =	vst v63  }
0x323: {  	s11 =	simm.s32 $0x20;
	v7 =	vld.idx.msk [tilespmem:v3+s2+$0x0], $0xffff;
	v3 =	vshrl.u32 v5, $0x1  }
0x324: {  	v2 =	vor.u32 s11, v0;
	v8 =	vmul.u32 $0xDDDDDDE0, v3  }
0x325: {  	v6 =	vmulhi.u32 $0x88888889, v2;
	v4 =	vsub.s32 v4, v5  }
0x326: {  	v4 =	vor.u32 v4, v8  }
0x327: {  	v6 =	vshrl.u32 v6, $0x4;
	v5 =	vadd.s32 $0x2C00, v4  }
0x328: {  	v3 =	vmul.u32 $0x1E, v6;
	_ =	sdelay $0x1  }
0x329: {  	s12 =	simm.s32 $0x30;
	s6 =	simm.s32 $0x43C0;
	v6 =	vshrl.u32 v3, $0x1  }
0x32a: {  	s7 =	simm.s32 $0x40;
	v4 =	vor.u32 s12, v0;
	v6 =	vmul.u32 $0xDDDDDDE0, v6;
	[tilespmem:s6+$0x0] =	vst v7  }
.LBB2_64:
0x32b: {  	p0 =	sne.s32 s7, $0x3B0;
	v7 =	vmulhi.u32 $0x88888889, v4;
	v3 =	vsub.s32 v2, v3;
	v8 =	vld.idx.msk [tilespmem:v5+s2+$0x0], $0xffff;
	v2 =	vmov v4  }
0x32c: {  	v3 =	vor.u32 v3, v6  }
.Ltmp31:
0x32d: {  	v4 =	vshrl.u32 v7, $0x4;
	v5 =	vadd.s32 $0x2C00, v3;
	(pc) =	sbr.rel @p0 .LBB2_64-.Ltmp31, $3  }
0x32e: {  	v3 =	vmul.u32 $0x1E, v4;
	_ =	sdelay $0x1  }
0x32f: {  	s6 =	sadd.s32 $0x10, s6;
	v6 =	vshrl.u32 v3, $0x1  }
0x330: {  	v4 =	vor.u32 s7, v0;
	s7 =	sadd.s32 $0x10, s7;
	v6 =	vmul.u32 $0xDDDDDDE0, v6;
	[tilespmem:s6+$0x0] =	vst v8  }
0x331: {  	_ =	sdelay $0x1  }
0x332: {  	v7 =	vmulhi.u32 $0x88888889, v4  }
0x333: {  	v2 =	vsub.s32 v2, v3  }
0x334: {  	v3 =	vld.idx.msk [tilespmem:v5+s2+$0x0], $0xffff;
	v2 =	vor.u32 v2, v6;
	v62 =	vshrl.u32 v7, $0x4  }
0x335: {  	v2 =	vadd.s32 $0x2C00, v2;
	v5 =	vmul.u32 $0x1E, v62;
	_ =	sdelay $0x1  }
0x336: {  	v63 =	vshrl.u32 v5, $0x1  }
0x337: {  	s6 =	sadd.s32 $0x10, s6;
	v6 =	vmul.u32 $0xDDDDDDE0, v63  }
0x338: {  	[tilespmem:s6+$0x0] =	vst v3;
	v3 =	vsub.s32 v4, v5  }
0x339: {  	v2 =	vld.idx.msk [tilespmem:v2+s2+$0x0], $0xffff;
	v3 =	vor.u32 v3, v6  }
0x33a: {  	v3 =	vadd.s32 $0x2C00, v3;
	_ =	sdelay $0x2  }
0x33b: {  	s6 =	sadd.s32 $0x10, s6  }
0x33c: {  	[tilespmem:s6+$0x0] =	vst v2  }
0x33d: {  	v2 =	vld.idx.msk [tilespmem:v3+s2+$0x0], $0xffff;
	_ =	sdelay $0x3  }
0x33e: {  	s6 =	sadd.s32 $0x10, s6  }
0x33f: {  	[tilespmem:s6+$0x0] =	vst v2  }
0x340: {  	[tilespmem:s28], [sflag:$0x2] =	stream.indirect.gather [hbm4b:s3+s23], $0x20, s26, s23, $0xb8;
	[tilespmem:$0x1EB80] =	vst v63  }
0x341: {  	_ =	swait.ge [sflag:s29], $0x7800  }
0x342: {  	[sflag:s29] =	ssyncset.done $0x0  }
0x343: {  	[sflag:s29] =	ssyncadd.s32 $0xFFFF8800  }
0x344: {  	_ =	swait.ge [sflag:s1], $0x5A00  }
0x345: {  	s7 =	simm.s32 $0x13780;
	s8 =	simm.s32 $0x4790;
	[sflag:s1] =	ssyncset.done $0x0  }
0x346: {  	s9 =	simm.s32 $0x0;
	s6 =	simm.s32 $0x0;
	[sflag:s1] =	ssyncadd.s32 $0xFFFFA600  }
.LBB2_66:
0x347: {  	v2 =	vmov s9;
	v3 =	vld [tilespmem:s8+$0xFFFFFFF0];
	v4 =	vmov s6  }
0x348: {  	v2 =	vmul.u32 $0x2D0, v2;
	v4 =	vmul.u32 $0x18, v4;
	_ =	sdelay $0x1  }
0x349: {  	v4 =	vadd.s32 v2, v4  }
0x34a: {  	v4 =	vbroadcast v4, $0x0  }
0x34b: {  	[tilespmem:s7+$0x0] =	vst v3  }
0x34c: {  	v3 =	vld [tilespmem:s8+$0x0];
	v4 =	vadd.s32 v1, v4;
	_ =	sdelay $0x4  }
0x34d: {  	s11 =	simm.s32 $0x1;
	s10 =	sadd.s32 $0x20, s8;
	[tilespmem:v4+s30+$0x0] =	vst.idx.msk $0xf, v3  }
0x34e: {  	s12 =	simm.s32 $0x2;
	v4 =	vmov s11;
	s11 =	smov.u32 s7;
	v3 =	vld [tilespmem:s10+$0xFFFFFFF0]  }
.LBB2_67:
0x34f: {  	p0 =	sne.s32 s12, $0x1D;
	v4 =	vmul.u32 $0x18, v4;
	_ =	sdelay $0x1  }
0x350: {  	v4 =	vadd.s32 v2, v4  }
0x351: {  	s11 =	sadd.s32 $0x18, s11;
	v4 =	vbroadcast v4, $0x0  }
0x352: {  	[tilespmem:s11+$0x0] =	vst v3  }
0x353: {  	v3 =	vld [tilespmem:s10+$0x0];
	v4 =	vadd.s32 v1, v4;
	_ =	sdelay $0x1  }
.Ltmp32:
0x354: {  	(pc) =	sbr.rel @p0 .LBB2_67-.Ltmp32, $3  }
0x355: {  	_ =	sdelay $0x1  }
0x356: {  	s10 =	sadd.s32 $0x20, s10;
	[tilespmem:v4+s30+$0x0] =	vst.idx.msk $0xf, v3  }
0x357: {  	v4 =	vmov s12;
	s12 =	sadd.s32 $0x1, s12;
	v3 =	vld [tilespmem:s10+$0xFFFFFFF0]  }
0x358: {  	v4 =	vmul.u32 $0x18, v4;
	_ =	sdelay $0x1  }
0x359: {  	v2 =	vadd.s32 v2, v4  }
0x35a: {  	s11 =	sadd.s32 $0x18, s11;
	v2 =	vbroadcast v2, $0x0  }
0x35b: {  	s9 =	sadd.s32 $0x1, s9;
	[tilespmem:s11+$0x0] =	vst v3  }
0x35c: {  	p0 =	sne.s32 s9, $0x20;
	v3 =	vld [tilespmem:s10+$0x0];
	v2 =	vadd.s32 v1, v2  }
.Ltmp33:
0x35d: {  	_ = 	snop;
	(pc) =	sbr.rel @p0 .LBB2_66-.Ltmp33, $2  }
0x35e: {  	_ =	sdelay $0x2  }
0x35f: {  	s7 =	sadd.s32 $0x2D0, s7;
	s8 =	sadd.s32 $0x3C0, s8;
	[tilespmem:v2+s30+$0x0] =	vst.idx.msk $0xf, v3  }
0x360: {  	s6 =	simm.s32 $0x0  }
0x361: {  	v2 =	vor.u32 s6, v0  }
0x362: {  	v3 =	vmulhi.u32 $0x88888889, v2;
	_ =	sdelay $0x1  }
0x363: {  	v3 =	vshrl.u32 v3, $0x4  }
0x364: {  	v3 =	vmul.u32 $0x1E, v3;
	_ =	sdelay $0x1  }
0x365: {  	v4 =	vshrl.u32 v3, $0x1  }
0x366: {  	v4 =	vmul.u32 $0xDDDDDDE0, v4  }
0x367: {  	s7 =	simm.s32 $0x10;
	v2 =	vsub.s32 v2, v3  }
0x368: {  	v2 =	vor.u32 v2, v4;
	v4 =	vor.u32 s7, v0  }
0x369: {  	v3 =	vadd.s32 $0x3000, v2;
	v2 =	vmulhi.u32 $0x88888889, v4;
	_ =	sdelay $0x1  }
0x36a: {  	v5 =	vshrl.u32 v2, $0x4  }
0x36b: {  	v5 =	vmul.u32 $0x1E, v5  }
0x36c: {  	[hbm4b:s15+s6] =	stream.linear.scatter [tilespmem:s30], [sflag:$0x3], $0x5A00, $0x38;
	[tilespmem:$0x1EB80] =	vst v63  }
0x36d: {  	s11 =	simm.s32 $0x20;
	v7 =	vld.idx.msk [tilespmem:v3+s2+$0x0], $0xffff;
	v3 =	vshrl.u32 v5, $0x1  }
0x36e: {  	v2 =	vor.u32 s11, v0;
	v8 =	vmul.u32 $0xDDDDDDE0, v3  }
0x36f: {  	v6 =	vmulhi.u32 $0x88888889, v2;
	v4 =	vsub.s32 v4, v5  }
0x370: {  	v4 =	vor.u32 v4, v8  }
0x371: {  	v6 =	vshrl.u32 v6, $0x4;
	v5 =	vadd.s32 $0x3000, v4  }
0x372: {  	v3 =	vmul.u32 $0x1E, v6;
	_ =	sdelay $0x1  }
0x373: {  	s12 =	simm.s32 $0x30;
	s6 =	simm.s32 $0x4000;
	v6 =	vshrl.u32 v3, $0x1  }
0x374: {  	s7 =	simm.s32 $0x40;
	v4 =	vor.u32 s12, v0;
	v6 =	vmul.u32 $0xDDDDDDE0, v6;
	[tilespmem:s6+$0x0] =	vst v7  }
.LBB2_70:
0x375: {  	p0 =	sne.s32 s7, $0x3B0;
	v7 =	vmulhi.u32 $0x88888889, v4;
	v3 =	vsub.s32 v2, v3;
	v8 =	vld.idx.msk [tilespmem:v5+s2+$0x0], $0xffff;
	v2 =	vmov v4  }
0x376: {  	v3 =	vor.u32 v3, v6  }
.Ltmp34:
0x377: {  	v4 =	vshrl.u32 v7, $0x4;
	v5 =	vadd.s32 $0x3000, v3;
	(pc) =	sbr.rel @p0 .LBB2_70-.Ltmp34, $3  }
0x378: {  	v3 =	vmul.u32 $0x1E, v4;
	_ =	sdelay $0x1  }
0x379: {  	s6 =	sadd.s32 $0x10, s6;
	v6 =	vshrl.u32 v3, $0x1  }
0x37a: {  	v4 =	vor.u32 s7, v0;
	s7 =	sadd.s32 $0x10, s7;
	v6 =	vmul.u32 $0xDDDDDDE0, v6;
	[tilespmem:s6+$0x0] =	vst v8  }
0x37b: {  	_ =	sdelay $0x1  }
0x37c: {  	v7 =	vmulhi.u32 $0x88888889, v4  }
0x37d: {  	v2 =	vsub.s32 v2, v3  }
0x37e: {  	v3 =	vld.idx.msk [tilespmem:v5+s2+$0x0], $0xffff;
	v2 =	vor.u32 v2, v6;
	v62 =	vshrl.u32 v7, $0x4  }
0x37f: {  	v2 =	vadd.s32 $0x3000, v2;
	v5 =	vmul.u32 $0x1E, v62;
	_ =	sdelay $0x1  }
0x380: {  	v63 =	vshrl.u32 v5, $0x1  }
0x381: {  	s6 =	sadd.s32 $0x10, s6;
	v6 =	vmul.u32 $0xDDDDDDE0, v63  }
0x382: {  	[tilespmem:s6+$0x0] =	vst v3;
	v3 =	vsub.s32 v4, v5  }
0x383: {  	v2 =	vld.idx.msk [tilespmem:v2+s2+$0x0], $0xffff;
	v3 =	vor.u32 v3, v6  }
0x384: {  	v3 =	vadd.s32 $0x3000, v3;
	_ =	sdelay $0x2  }
0x385: {  	s6 =	sadd.s32 $0x10, s6  }
0x386: {  	[tilespmem:s6+$0x0] =	vst v2  }
0x387: {  	v2 =	vld.idx.msk [tilespmem:v3+s2+$0x0], $0xffff;
	_ =	sdelay $0x3  }
0x388: {  	s6 =	sadd.s32 $0x10, s6  }
0x389: {  	[tilespmem:s6+$0x0] =	vst v2  }
0x38a: {  	[tilespmem:s25], [sflag:$0x1] =	stream.indirect.gather [hbm4b:s3+s23], $0x20, s24, s23, $0xb8;
	[tilespmem:$0x1EB80] =	vst v63  }
0x38b: {  	_ =	swait.ge [sflag:s31], $0x7800  }
0x38c: {  	[sflag:s31] =	ssyncset.done $0x0  }
0x38d: {  	[sflag:s31] =	ssyncadd.s32 $0xFFFF8800  }
0x38e: {  	_ =	swait.ge [sflag:s4], $0x5A00  }
0x38f: {  	s7 =	simm.s32 $0x19180;
	s8 =	simm.s32 $0xBF90;
	[sflag:s4] =	ssyncset.done $0x0  }
0x390: {  	s9 =	simm.s32 $0x0;
	s6 =	simm.s32 $0x0;
	[sflag:s4] =	ssyncadd.s32 $0xFFFFA600  }
.LBB2_72:
0x391: {  	v2 =	vmov s9;
	v3 =	vld [tilespmem:s8+$0xFFFFFFF0];
	v4 =	vmov s6  }
0x392: {  	v2 =	vmul.u32 $0x2D0, v2;
	v4 =	vmul.u32 $0x18, v4;
	_ =	sdelay $0x1  }
0x393: {  	v4 =	vadd.s32 v2, v4  }
0x394: {  	v4 =	vbroadcast v4, $0x0  }
0x395: {  	[tilespmem:s7+$0x0] =	vst v3  }
0x396: {  	v3 =	vld [tilespmem:s8+$0x0];
	v4 =	vadd.s32 v1, v4;
	_ =	sdelay $0x4  }
0x397: {  	s11 =	simm.s32 $0x1;
	s10 =	sadd.s32 $0x20, s8;
	[tilespmem:v4+s0+$0x0] =	vst.idx.msk $0xf, v3  }
0x398: {  	s12 =	simm.s32 $0x2;
	v4 =	vmov s11;
	s11 =	smov.u32 s7;
	v3 =	vld [tilespmem:s10+$0xFFFFFFF0]  }
.LBB2_73:
0x399: {  	p0 =	sne.s32 s12, $0x1D;
	v4 =	vmul.u32 $0x18, v4;
	_ =	sdelay $0x1  }
0x39a: {  	v4 =	vadd.s32 v2, v4  }
0x39b: {  	s11 =	sadd.s32 $0x18, s11;
	v4 =	vbroadcast v4, $0x0  }
0x39c: {  	[tilespmem:s11+$0x0] =	vst v3  }
0x39d: {  	v3 =	vld [tilespmem:s10+$0x0];
	v4 =	vadd.s32 v1, v4;
	_ =	sdelay $0x1  }
.Ltmp35:
0x39e: {  	(pc) =	sbr.rel @p0 .LBB2_73-.Ltmp35, $3  }
0x39f: {  	_ =	sdelay $0x1  }
0x3a0: {  	s10 =	sadd.s32 $0x20, s10;
	[tilespmem:v4+s0+$0x0] =	vst.idx.msk $0xf, v3  }
0x3a1: {  	v4 =	vmov s12;
	s12 =	sadd.s32 $0x1, s12;
	v3 =	vld [tilespmem:s10+$0xFFFFFFF0]  }
0x3a2: {  	v4 =	vmul.u32 $0x18, v4;
	_ =	sdelay $0x1  }
0x3a3: {  	v2 =	vadd.s32 v2, v4  }
0x3a4: {  	s11 =	sadd.s32 $0x18, s11;
	v2 =	vbroadcast v2, $0x0  }
0x3a5: {  	s9 =	sadd.s32 $0x1, s9;
	[tilespmem:s11+$0x0] =	vst v3  }
0x3a6: {  	p0 =	sne.s32 s9, $0x20;
	v3 =	vld [tilespmem:s10+$0x0];
	v2 =	vadd.s32 v1, v2  }
.Ltmp36:
0x3a7: {  	_ = 	snop;
	(pc) =	sbr.rel @p0 .LBB2_72-.Ltmp36, $2  }
0x3a8: {  	_ =	sdelay $0x2  }
0x3a9: {  	s7 =	sadd.s32 $0x2D0, s7;
	s8 =	sadd.s32 $0x3C0, s8;
	[tilespmem:v2+s0+$0x0] =	vst.idx.msk $0xf, v3  }
0x3aa: {  	s6 =	simm.s32 $0x0  }
0x3ab: {  	v2 =	vor.u32 s6, v0  }
0x3ac: {  	v3 =	vmulhi.u32 $0x88888889, v2;
	_ =	sdelay $0x1  }
0x3ad: {  	v3 =	vshrl.u32 v3, $0x4  }
0x3ae: {  	v3 =	vmul.u32 $0x1E, v3;
	_ =	sdelay $0x1  }
0x3af: {  	v4 =	vshrl.u32 v3, $0x1  }
0x3b0: {  	v4 =	vmul.u32 $0xDDDDDDE0, v4  }
0x3b1: {  	s7 =	simm.s32 $0x10;
	v2 =	vsub.s32 v2, v3  }
0x3b2: {  	v2 =	vor.u32 v2, v4;
	v4 =	vor.u32 s7, v0  }
0x3b3: {  	v3 =	vadd.s32 $0x3400, v2;
	v2 =	vmulhi.u32 $0x88888889, v4;
	_ =	sdelay $0x1  }
0x3b4: {  	v5 =	vshrl.u32 v2, $0x4  }
0x3b5: {  	v5 =	vmul.u32 $0x1E, v5  }
0x3b6: {  	[hbm4b:s16+s6] =	stream.linear.scatter [tilespmem:s0], [sflag:$0x4], $0x5A00, $0x38;
	[tilespmem:$0x1EB80] =	vst v63  }
0x3b7: {  	s11 =	simm.s32 $0x20;
	v7 =	vld.idx.msk [tilespmem:v3+s2+$0x0], $0xffff;
	v3 =	vshrl.u32 v5, $0x1  }
0x3b8: {  	v2 =	vor.u32 s11, v0;
	v8 =	vmul.u32 $0xDDDDDDE0, v3  }
0x3b9: {  	v6 =	vmulhi.u32 $0x88888889, v2;
	v4 =	vsub.s32 v4, v5  }
0x3ba: {  	v4 =	vor.u32 v4, v8  }
0x3bb: {  	v6 =	vshrl.u32 v6, $0x4;
	v5 =	vadd.s32 $0x3400, v4  }
0x3bc: {  	v3 =	vmul.u32 $0x1E, v6;
	_ =	sdelay $0x1  }
0x3bd: {  	s12 =	simm.s32 $0x30;
	s6 =	simm.s32 $0x43C0;
	v6 =	vshrl.u32 v3, $0x1  }
0x3be: {  	s7 =	simm.s32 $0x40;
	v4 =	vor.u32 s12, v0;
	v6 =	vmul.u32 $0xDDDDDDE0, v6;
	[tilespmem:s6+$0x0] =	vst v7  }
.LBB2_76:
0x3bf: {  	p0 =	sne.s32 s7, $0x3B0;
	v7 =	vmulhi.u32 $0x88888889, v4;
	v3 =	vsub.s32 v2, v3;
	v8 =	vld.idx.msk [tilespmem:v5+s2+$0x0], $0xffff;
	v2 =	vmov v4  }
0x3c0: {  	v3 =	vor.u32 v3, v6  }
.Ltmp37:
0x3c1: {  	v4 =	vshrl.u32 v7, $0x4;
	v5 =	vadd.s32 $0x3400, v3;
	(pc) =	sbr.rel @p0 .LBB2_76-.Ltmp37, $3  }
0x3c2: {  	v3 =	vmul.u32 $0x1E, v4;
	_ =	sdelay $0x1  }
0x3c3: {  	s6 =	sadd.s32 $0x10, s6;
	v6 =	vshrl.u32 v3, $0x1  }
0x3c4: {  	v4 =	vor.u32 s7, v0;
	s7 =	sadd.s32 $0x10, s7;
	v6 =	vmul.u32 $0xDDDDDDE0, v6;
	[tilespmem:s6+$0x0] =	vst v8  }
0x3c5: {  	_ =	sdelay $0x1  }
0x3c6: {  	v7 =	vmulhi.u32 $0x88888889, v4  }
0x3c7: {  	v2 =	vsub.s32 v2, v3  }
0x3c8: {  	v3 =	vld.idx.msk [tilespmem:v5+s2+$0x0], $0xffff;
	v2 =	vor.u32 v2, v6;
	v62 =	vshrl.u32 v7, $0x4  }
0x3c9: {  	v2 =	vadd.s32 $0x3400, v2;
	v5 =	vmul.u32 $0x1E, v62;
	_ =	sdelay $0x1  }
0x3ca: {  	v63 =	vshrl.u32 v5, $0x1  }
0x3cb: {  	s6 =	sadd.s32 $0x10, s6;
	v6 =	vmul.u32 $0xDDDDDDE0, v63  }
0x3cc: {  	[tilespmem:s6+$0x0] =	vst v3;
	v3 =	vsub.s32 v4, v5  }
0x3cd: {  	v2 =	vld.idx.msk [tilespmem:v2+s2+$0x0], $0xffff;
	v3 =	vor.u32 v3, v6  }
0x3ce: {  	v3 =	vadd.s32 $0x3400, v3;
	_ =	sdelay $0x2  }
0x3cf: {  	s6 =	sadd.s32 $0x10, s6  }
0x3d0: {  	[tilespmem:s6+$0x0] =	vst v2  }
0x3d1: {  	v2 =	vld.idx.msk [tilespmem:v3+s2+$0x0], $0xffff;
	_ =	sdelay $0x3  }
0x3d2: {  	s6 =	sadd.s32 $0x10, s6  }
0x3d3: {  	[tilespmem:s6+$0x0] =	vst v2  }
0x3d4: {  	[tilespmem:s28], [sflag:$0x2] =	stream.indirect.gather [hbm4b:s3+s23], $0x20, s26, s23, $0xb8;
	[tilespmem:$0x1EB80] =	vst v63  }
0x3d5: {  	_ =	swait.ge [sflag:s29], $0x7800  }
0x3d6: {  	[sflag:s29] =	ssyncset.done $0x0  }
0x3d7: {  	[sflag:s29] =	ssyncadd.s32 $0xFFFF8800  }
0x3d8: {  	_ =	swait.ge [sflag:s1], $0x5A00  }
0x3d9: {  	s7 =	simm.s32 $0x13780;
	s8 =	simm.s32 $0x4790;
	[sflag:s1] =	ssyncset.done $0x0  }
0x3da: {  	s9 =	simm.s32 $0x0;
	s6 =	simm.s32 $0x0;
	[sflag:s1] =	ssyncadd.s32 $0xFFFFA600  }
.LBB2_78:
0x3db: {  	v2 =	vmov s9;
	v3 =	vld [tilespmem:s8+$0xFFFFFFF0];
	v4 =	vmov s6  }
0x3dc: {  	v2 =	vmul.u32 $0x2D0, v2;
	v4 =	vmul.u32 $0x18, v4;
	_ =	sdelay $0x1  }
0x3dd: {  	v4 =	vadd.s32 v2, v4  }
0x3de: {  	v4 =	vbroadcast v4, $0x0  }
0x3df: {  	[tilespmem:s7+$0x0] =	vst v3  }
0x3e0: {  	v3 =	vld [tilespmem:s8+$0x0];
	v4 =	vadd.s32 v1, v4;
	_ =	sdelay $0x4  }
0x3e1: {  	s11 =	simm.s32 $0x1;
	s10 =	sadd.s32 $0x20, s8;
	[tilespmem:v4+s30+$0x0] =	vst.idx.msk $0xf, v3  }
0x3e2: {  	s12 =	simm.s32 $0x2;
	v4 =	vmov s11;
	s11 =	smov.u32 s7;
	v3 =	vld [tilespmem:s10+$0xFFFFFFF0]  }
.LBB2_79:
0x3e3: {  	p0 =	sne.s32 s12, $0x1D;
	v4 =	vmul.u32 $0x18, v4;
	_ =	sdelay $0x1  }
0x3e4: {  	v4 =	vadd.s32 v2, v4  }
0x3e5: {  	s11 =	sadd.s32 $0x18, s11;
	v4 =	vbroadcast v4, $0x0  }
0x3e6: {  	[tilespmem:s11+$0x0] =	vst v3  }
0x3e7: {  	v3 =	vld [tilespmem:s10+$0x0];
	v4 =	vadd.s32 v1, v4;
	_ =	sdelay $0x1  }
.Ltmp38:
0x3e8: {  	(pc) =	sbr.rel @p0 .LBB2_79-.Ltmp38, $3  }
0x3e9: {  	_ =	sdelay $0x1  }
0x3ea: {  	s10 =	sadd.s32 $0x20, s10;
	[tilespmem:v4+s30+$0x0] =	vst.idx.msk $0xf, v3  }
0x3eb: {  	v4 =	vmov s12;
	s12 =	sadd.s32 $0x1, s12;
	v3 =	vld [tilespmem:s10+$0xFFFFFFF0]  }
0x3ec: {  	v4 =	vmul.u32 $0x18, v4;
	_ =	sdelay $0x1  }
0x3ed: {  	v2 =	vadd.s32 v2, v4  }
0x3ee: {  	s11 =	sadd.s32 $0x18, s11;
	v2 =	vbroadcast v2, $0x0  }
0x3ef: {  	s9 =	sadd.s32 $0x1, s9;
	[tilespmem:s11+$0x0] =	vst v3  }
0x3f0: {  	p0 =	sne.s32 s9, $0x20;
	v3 =	vld [tilespmem:s10+$0x0];
	v2 =	vadd.s32 v1, v2  }
.Ltmp39:
0x3f1: {  	_ = 	snop;
	(pc) =	sbr.rel @p0 .LBB2_78-.Ltmp39, $2  }
0x3f2: {  	_ =	sdelay $0x2  }
0x3f3: {  	s7 =	sadd.s32 $0x2D0, s7;
	s8 =	sadd.s32 $0x3C0, s8;
	[tilespmem:v2+s30+$0x0] =	vst.idx.msk $0xf, v3  }
0x3f4: {  	s6 =	simm.s32 $0x0  }
0x3f5: {  	v2 =	vor.u32 s6, v0  }
0x3f6: {  	v3 =	vmulhi.u32 $0x88888889, v2;
	_ =	sdelay $0x1  }
0x3f7: {  	v3 =	vshrl.u32 v3, $0x4  }
0x3f8: {  	v3 =	vmul.u32 $0x1E, v3;
	_ =	sdelay $0x1  }
0x3f9: {  	v4 =	vshrl.u32 v3, $0x1  }
0x3fa: {  	v4 =	vmul.u32 $0xDDDDDDE0, v4  }
0x3fb: {  	s7 =	simm.s32 $0x10;
	v2 =	vsub.s32 v2, v3  }
0x3fc: {  	v2 =	vor.u32 v2, v4;
	v4 =	vor.u32 s7, v0  }
0x3fd: {  	v3 =	vadd.s32 $0x3800, v2;
	v2 =	vmulhi.u32 $0x88888889, v4;
	_ =	sdelay $0x1  }
0x3fe: {  	v5 =	vshrl.u32 v2, $0x4  }
0x3ff: {  	v5 =	vmul.u32 $0x1E, v5  }
0x400: {  	[hbm4b:s17+s6] =	stream.linear.scatter [tilespmem:s30], [sflag:$0x3], $0x5A00, $0x38;
	[tilespmem:$0x1EB80] =	vst v63  }
0x401: {  	s11 =	simm.s32 $0x20;
	v7 =	vld.idx.msk [tilespmem:v3+s2+$0x0], $0xffff;
	v3 =	vshrl.u32 v5, $0x1  }
0x402: {  	v2 =	vor.u32 s11, v0;
	v8 =	vmul.u32 $0xDDDDDDE0, v3  }
0x403: {  	v6 =	vmulhi.u32 $0x88888889, v2;
	v4 =	vsub.s32 v4, v5  }
0x404: {  	v4 =	vor.u32 v4, v8  }
0x405: {  	v6 =	vshrl.u32 v6, $0x4;
	v5 =	vadd.s32 $0x3800, v4  }
0x406: {  	v3 =	vmul.u32 $0x1E, v6;
	_ =	sdelay $0x1  }
0x407: {  	s12 =	simm.s32 $0x30;
	s6 =	simm.s32 $0x4000;
	v6 =	vshrl.u32 v3, $0x1  }
0x408: {  	s7 =	simm.s32 $0x40;
	v4 =	vor.u32 s12, v0;
	v6 =	vmul.u32 $0xDDDDDDE0, v6;
	[tilespmem:s6+$0x0] =	vst v7  }
.LBB2_82:
0x409: {  	p0 =	sne.s32 s7, $0x3B0;
	v7 =	vmulhi.u32 $0x88888889, v4;
	v3 =	vsub.s32 v2, v3;
	v8 =	vld.idx.msk [tilespmem:v5+s2+$0x0], $0xffff;
	v2 =	vmov v4  }
0x40a: {  	v3 =	vor.u32 v3, v6  }
.Ltmp40:
0x40b: {  	v4 =	vshrl.u32 v7, $0x4;
	v5 =	vadd.s32 $0x3800, v3;
	(pc) =	sbr.rel @p0 .LBB2_82-.Ltmp40, $3  }
0x40c: {  	v3 =	vmul.u32 $0x1E, v4;
	_ =	sdelay $0x1  }
0x40d: {  	s6 =	sadd.s32 $0x10, s6;
	v6 =	vshrl.u32 v3, $0x1  }
0x40e: {  	v4 =	vor.u32 s7, v0;
	s7 =	sadd.s32 $0x10, s7;
	v6 =	vmul.u32 $0xDDDDDDE0, v6;
	[tilespmem:s6+$0x0] =	vst v8  }
0x40f: {  	_ =	sdelay $0x1  }
0x410: {  	v7 =	vmulhi.u32 $0x88888889, v4  }
0x411: {  	v2 =	vsub.s32 v2, v3  }
0x412: {  	v3 =	vld.idx.msk [tilespmem:v5+s2+$0x0], $0xffff;
	v2 =	vor.u32 v2, v6;
	v62 =	vshrl.u32 v7, $0x4  }
0x413: {  	v2 =	vadd.s32 $0x3800, v2;
	v5 =	vmul.u32 $0x1E, v62;
	_ =	sdelay $0x1  }
0x414: {  	v63 =	vshrl.u32 v5, $0x1  }
0x415: {  	s6 =	sadd.s32 $0x10, s6;
	v6 =	vmul.u32 $0xDDDDDDE0, v63  }
0x416: {  	[tilespmem:s6+$0x0] =	vst v3;
	v3 =	vsub.s32 v4, v5  }
0x417: {  	v2 =	vld.idx.msk [tilespmem:v2+s2+$0x0], $0xffff;
	v3 =	vor.u32 v3, v6  }
0x418: {  	v3 =	vadd.s32 $0x3800, v3;
	_ =	sdelay $0x2  }
0x419: {  	s6 =	sadd.s32 $0x10, s6  }
0x41a: {  	[tilespmem:s6+$0x0] =	vst v2  }
0x41b: {  	v2 =	vld.idx.msk [tilespmem:v3+s2+$0x0], $0xffff;
	_ =	sdelay $0x3  }
0x41c: {  	s6 =	sadd.s32 $0x10, s6  }
0x41d: {  	[tilespmem:s6+$0x0] =	vst v2  }
0x41e: {  	[tilespmem:s25], [sflag:$0x1] =	stream.indirect.gather [hbm4b:s3+s23], $0x20, s24, s23, $0xb8;
	[tilespmem:$0x1EB80] =	vst v63  }
0x41f: {  	_ =	swait.ge [sflag:s31], $0x7800  }
0x420: {  	[sflag:s31] =	ssyncset.done $0x0  }
0x421: {  	[sflag:s31] =	ssyncadd.s32 $0xFFFF8800  }
0x422: {  	_ =	swait.ge [sflag:s4], $0x5A00  }
0x423: {  	s7 =	simm.s32 $0x19180;
	s8 =	simm.s32 $0xBF90;
	[sflag:s4] =	ssyncset.done $0x0  }
0x424: {  	s9 =	simm.s32 $0x0;
	s6 =	simm.s32 $0x0;
	[sflag:s4] =	ssyncadd.s32 $0xFFFFA600  }
.LBB2_84:
0x425: {  	v2 =	vmov s9;
	v3 =	vld [tilespmem:s8+$0xFFFFFFF0];
	v4 =	vmov s6  }
0x426: {  	v2 =	vmul.u32 $0x2D0, v2;
	v4 =	vmul.u32 $0x18, v4;
	_ =	sdelay $0x1  }
0x427: {  	v4 =	vadd.s32 v2, v4  }
0x428: {  	v4 =	vbroadcast v4, $0x0  }
0x429: {  	[tilespmem:s7+$0x0] =	vst v3  }
0x42a: {  	v3 =	vld [tilespmem:s8+$0x0];
	v4 =	vadd.s32 v1, v4;
	_ =	sdelay $0x4  }
0x42b: {  	s11 =	simm.s32 $0x1;
	s10 =	sadd.s32 $0x20, s8;
	[tilespmem:v4+s0+$0x0] =	vst.idx.msk $0xf, v3  }
0x42c: {  	s12 =	simm.s32 $0x2;
	v4 =	vmov s11;
	s11 =	smov.u32 s7;
	v3 =	vld [tilespmem:s10+$0xFFFFFFF0]  }
.LBB2_85:
0x42d: {  	p0 =	sne.s32 s12, $0x1D;
	v4 =	vmul.u32 $0x18, v4;
	_ =	sdelay $0x1  }
0x42e: {  	v4 =	vadd.s32 v2, v4  }
0x42f: {  	s11 =	sadd.s32 $0x18, s11;
	v4 =	vbroadcast v4, $0x0  }
0x430: {  	[tilespmem:s11+$0x0] =	vst v3  }
0x431: {  	v3 =	vld [tilespmem:s10+$0x0];
	v4 =	vadd.s32 v1, v4;
	_ =	sdelay $0x1  }
.Ltmp41:
0x432: {  	(pc) =	sbr.rel @p0 .LBB2_85-.Ltmp41, $3  }
0x433: {  	_ =	sdelay $0x1  }
0x434: {  	s10 =	sadd.s32 $0x20, s10;
	[tilespmem:v4+s0+$0x0] =	vst.idx.msk $0xf, v3  }
0x435: {  	v4 =	vmov s12;
	s12 =	sadd.s32 $0x1, s12;
	v3 =	vld [tilespmem:s10+$0xFFFFFFF0]  }
0x436: {  	v4 =	vmul.u32 $0x18, v4;
	_ =	sdelay $0x1  }
0x437: {  	v2 =	vadd.s32 v2, v4  }
0x438: {  	s11 =	sadd.s32 $0x18, s11;
	v2 =	vbroadcast v2, $0x0  }
0x439: {  	s9 =	sadd.s32 $0x1, s9;
	[tilespmem:s11+$0x0] =	vst v3  }
0x43a: {  	p0 =	sne.s32 s9, $0x20;
	v3 =	vld [tilespmem:s10+$0x0];
	v2 =	vadd.s32 v1, v2  }
.Ltmp42:
0x43b: {  	_ = 	snop;
	(pc) =	sbr.rel @p0 .LBB2_84-.Ltmp42, $2  }
0x43c: {  	_ =	sdelay $0x2  }
0x43d: {  	s7 =	sadd.s32 $0x2D0, s7;
	s8 =	sadd.s32 $0x3C0, s8;
	[tilespmem:v2+s0+$0x0] =	vst.idx.msk $0xf, v3  }
0x43e: {  	s6 =	simm.s32 $0x0  }
0x43f: {  	v2 =	vor.u32 s6, v0  }
0x440: {  	v3 =	vmulhi.u32 $0x88888889, v2;
	_ =	sdelay $0x1  }
0x441: {  	v3 =	vshrl.u32 v3, $0x4  }
0x442: {  	v3 =	vmul.u32 $0x1E, v3;
	_ =	sdelay $0x1  }
0x443: {  	v4 =	vshrl.u32 v3, $0x1  }
0x444: {  	v4 =	vmul.u32 $0xDDDDDDE0, v4  }
0x445: {  	s7 =	simm.s32 $0x10;
	v2 =	vsub.s32 v2, v3  }
0x446: {  	v2 =	vor.u32 v2, v4;
	v4 =	vor.u32 s7, v0  }
0x447: {  	v3 =	vadd.s32 $0x3C00, v2;
	v2 =	vmulhi.u32 $0x88888889, v4;
	_ =	sdelay $0x1  }
0x448: {  	v5 =	vshrl.u32 v2, $0x4  }
0x449: {  	v5 =	vmul.u32 $0x1E, v5  }
0x44a: {  	[hbm4b:s18+s6] =	stream.linear.scatter [tilespmem:s0], [sflag:$0x4], $0x5A00, $0x38;
	[tilespmem:$0x1EB80] =	vst v63  }
0x44b: {  	s11 =	simm.s32 $0x20;
	v7 =	vld.idx.msk [tilespmem:v3+s2+$0x0], $0xffff;
	v3 =	vshrl.u32 v5, $0x1  }
0x44c: {  	v2 =	vor.u32 s11, v0;
	v8 =	vmul.u32 $0xDDDDDDE0, v3  }
0x44d: {  	v6 =	vmulhi.u32 $0x88888889, v2;
	v4 =	vsub.s32 v4, v5  }
0x44e: {  	v4 =	vor.u32 v4, v8  }
0x44f: {  	v6 =	vshrl.u32 v6, $0x4;
	v5 =	vadd.s32 $0x3C00, v4  }
0x450: {  	v3 =	vmul.u32 $0x1E, v6;
	_ =	sdelay $0x1  }
0x451: {  	s12 =	simm.s32 $0x30;
	s6 =	simm.s32 $0x43C0;
	v6 =	vshrl.u32 v3, $0x1  }
0x452: {  	s7 =	simm.s32 $0x40;
	v4 =	vor.u32 s12, v0;
	v6 =	vmul.u32 $0xDDDDDDE0, v6;
	[tilespmem:s6+$0x0] =	vst v7  }
.LBB2_88:
0x453: {  	p0 =	sne.s32 s7, $0x3B0;
	v7 =	vmulhi.u32 $0x88888889, v4;
	v3 =	vsub.s32 v2, v3;
	v8 =	vld.idx.msk [tilespmem:v5+s2+$0x0], $0xffff;
	v2 =	vmov v4  }
0x454: {  	v3 =	vor.u32 v3, v6  }
.Ltmp43:
0x455: {  	v4 =	vshrl.u32 v7, $0x4;
	v5 =	vadd.s32 $0x3C00, v3;
	(pc) =	sbr.rel @p0 .LBB2_88-.Ltmp43, $3  }
0x456: {  	v3 =	vmul.u32 $0x1E, v4;
	_ =	sdelay $0x1  }
0x457: {  	s6 =	sadd.s32 $0x10, s6;
	v6 =	vshrl.u32 v3, $0x1  }
0x458: {  	v4 =	vor.u32 s7, v0;
	s7 =	sadd.s32 $0x10, s7;
	v6 =	vmul.u32 $0xDDDDDDE0, v6;
	[tilespmem:s6+$0x0] =	vst v8  }
0x459: {  	_ =	sdelay $0x1  }
0x45a: {  	v7 =	vmulhi.u32 $0x88888889, v4  }
0x45b: {  	v2 =	vsub.s32 v2, v3  }
0x45c: {  	v3 =	vld.idx.msk [tilespmem:v5+s2+$0x0], $0xffff;
	v2 =	vor.u32 v2, v6;
	v62 =	vshrl.u32 v7, $0x4  }
0x45d: {  	v2 =	vadd.s32 $0x3C00, v2;
	v5 =	vmul.u32 $0x1E, v62;
	_ =	sdelay $0x1  }
0x45e: {  	v63 =	vshrl.u32 v5, $0x1  }
0x45f: {  	s6 =	sadd.s32 $0x10, s6;
	v6 =	vmul.u32 $0xDDDDDDE0, v63  }
0x460: {  	[tilespmem:s6+$0x0] =	vst v3;
	v3 =	vsub.s32 v4, v5  }
0x461: {  	v2 =	vld.idx.msk [tilespmem:v2+s2+$0x0], $0xffff;
	v3 =	vor.u32 v3, v6  }
0x462: {  	v3 =	vadd.s32 $0x3C00, v3;
	_ =	sdelay $0x2  }
0x463: {  	s6 =	sadd.s32 $0x10, s6  }
0x464: {  	[tilespmem:s6+$0x0] =	vst v2  }
0x465: {  	v2 =	vld.idx.msk [tilespmem:v3+s2+$0x0], $0xffff;
	_ =	sdelay $0x3  }
0x466: {  	s6 =	sadd.s32 $0x10, s6  }
0x467: {  	[tilespmem:s6+$0x0] =	vst v2  }
0x468: {  	[tilespmem:s28], [sflag:$0x2] =	stream.indirect.gather [hbm4b:s3+s23], $0x20, s26, s23, $0xb8;
	[tilespmem:$0x1EB80] =	vst v63  }
0x469: {  	_ =	swait.ge [sflag:s29], $0x7800  }
0x46a: {  	[sflag:s29] =	ssyncset.done $0x0  }
0x46b: {  	[sflag:s29] =	ssyncadd.s32 $0xFFFF8800  }
0x46c: {  	_ =	swait.ge [sflag:s1], $0x5A00  }
0x46d: {  	s7 =	simm.s32 $0x13780;
	s8 =	simm.s32 $0x4790;
	[sflag:s1] =	ssyncset.done $0x0  }
0x46e: {  	s9 =	simm.s32 $0x0;
	s6 =	simm.s32 $0x0;
	[sflag:s1] =	ssyncadd.s32 $0xFFFFA600  }
.LBB2_90:
0x46f: {  	v2 =	vmov s9;
	v3 =	vld [tilespmem:s8+$0xFFFFFFF0];
	v4 =	vmov s6  }
0x470: {  	v2 =	vmul.u32 $0x2D0, v2;
	v4 =	vmul.u32 $0x18, v4;
	_ =	sdelay $0x1  }
0x471: {  	v4 =	vadd.s32 v2, v4  }
0x472: {  	v4 =	vbroadcast v4, $0x0  }
0x473: {  	[tilespmem:s7+$0x0] =	vst v3  }
0x474: {  	v3 =	vld [tilespmem:s8+$0x0];
	v4 =	vadd.s32 v1, v4;
	_ =	sdelay $0x4  }
0x475: {  	s11 =	simm.s32 $0x1;
	s10 =	sadd.s32 $0x20, s8;
	[tilespmem:v4+s30+$0x0] =	vst.idx.msk $0xf, v3  }
0x476: {  	s12 =	simm.s32 $0x2;
	v4 =	vmov s11;
	s11 =	smov.u32 s7;
	v3 =	vld [tilespmem:s10+$0xFFFFFFF0]  }
.LBB2_91:
0x477: {  	p0 =	sne.s32 s12, $0x1D;
	v4 =	vmul.u32 $0x18, v4;
	_ =	sdelay $0x1  }
0x478: {  	v4 =	vadd.s32 v2, v4  }
0x479: {  	s11 =	sadd.s32 $0x18, s11;
	v4 =	vbroadcast v4, $0x0  }
0x47a: {  	[tilespmem:s11+$0x0] =	vst v3  }
0x47b: {  	v3 =	vld [tilespmem:s10+$0x0];
	v4 =	vadd.s32 v1, v4;
	_ =	sdelay $0x1  }
.Ltmp44:
0x47c: {  	(pc) =	sbr.rel @p0 .LBB2_91-.Ltmp44, $3  }
0x47d: {  	_ =	sdelay $0x1  }
0x47e: {  	s10 =	sadd.s32 $0x20, s10;
	[tilespmem:v4+s30+$0x0] =	vst.idx.msk $0xf, v3  }
0x47f: {  	v4 =	vmov s12;
	s12 =	sadd.s32 $0x1, s12;
	v3 =	vld [tilespmem:s10+$0xFFFFFFF0]  }
0x480: {  	v4 =	vmul.u32 $0x18, v4;
	_ =	sdelay $0x1  }
0x481: {  	v2 =	vadd.s32 v2, v4  }
0x482: {  	s11 =	sadd.s32 $0x18, s11;
	v2 =	vbroadcast v2, $0x0  }
0x483: {  	s9 =	sadd.s32 $0x1, s9;
	[tilespmem:s11+$0x0] =	vst v3  }
0x484: {  	p0 =	sne.s32 s9, $0x20;
	v3 =	vld [tilespmem:s10+$0x0];
	v2 =	vadd.s32 v1, v2  }
.Ltmp45:
0x485: {  	_ = 	snop;
	(pc) =	sbr.rel @p0 .LBB2_90-.Ltmp45, $2  }
0x486: {  	_ =	sdelay $0x2  }
0x487: {  	s7 =	sadd.s32 $0x2D0, s7;
	s8 =	sadd.s32 $0x3C0, s8;
	[tilespmem:v2+s30+$0x0] =	vst.idx.msk $0xf, v3  }
0x488: {  	s6 =	simm.s32 $0x0  }
0x489: {  	[hbm4b:s19+s6] =	stream.linear.scatter [tilespmem:s30], [sflag:$0x3], $0x5A00, $0x38;
	[tilespmem:$0x1EB80] =	vst v63  }
0x48a: {  	_ =	swait.ge [sflag:s31], $0x7800  }
0x48b: {  	[sflag:s31] =	ssyncset.done $0x0  }
0x48c: {  	[sflag:s31] =	ssyncadd.s32 $0xFFFF8800  }
0x48d: {  	_ =	swait.ge [sflag:s4], $0x5A00  }
0x48e: {  	s7 =	simm.s32 $0x19180;
	[sflag:s4] =	ssyncset.done $0x0  }
0x48f: {  	s8 =	simm.s32 $0xBF90;
	s9 =	simm.s32 $0x0;
	[sflag:s4] =	ssyncadd.s32 $0xFFFFA600  }
.LBB2_94:
0x490: {  	v2 =	vmov s9;
	v3 =	vld [tilespmem:s8+$0xFFFFFFF0];
	v4 =	vmov s6  }
0x491: {  	v2 =	vmul.u32 $0x2D0, v2;
	v4 =	vmul.u32 $0x18, v4;
	_ =	sdelay $0x1  }
0x492: {  	v4 =	vadd.s32 v2, v4  }
0x493: {  	v4 =	vbroadcast v4, $0x0  }
0x494: {  	[tilespmem:s7+$0x0] =	vst v3  }
0x495: {  	v3 =	vld [tilespmem:s8+$0x0];
	v4 =	vadd.s32 v1, v4;
	_ =	sdelay $0x4  }
0x496: {  	s11 =	simm.s32 $0x1;
	s10 =	sadd.s32 $0x20, s8;
	[tilespmem:v4+s0+$0x0] =	vst.idx.msk $0xf, v3  }
0x497: {  	s12 =	simm.s32 $0x2;
	v4 =	vmov s11;
	s11 =	smov.u32 s7;
	v3 =	vld [tilespmem:s10+$0xFFFFFFF0]  }
.LBB2_95:
0x498: {  	p0 =	sne.s32 s12, $0x1D;
	v4 =	vmul.u32 $0x18, v4;
	_ =	sdelay $0x1  }
0x499: {  	v4 =	vadd.s32 v2, v4  }
0x49a: {  	s11 =	sadd.s32 $0x18, s11;
	v4 =	vbroadcast v4, $0x0  }
0x49b: {  	[tilespmem:s11+$0x0] =	vst v3  }
0x49c: {  	v3 =	vld [tilespmem:s10+$0x0];
	v4 =	vadd.s32 v1, v4;
	_ =	sdelay $0x1  }
.Ltmp46:
0x49d: {  	(pc) =	sbr.rel @p0 .LBB2_95-.Ltmp46, $3  }
0x49e: {  	_ =	sdelay $0x1  }
0x49f: {  	s10 =	sadd.s32 $0x20, s10;
	[tilespmem:v4+s0+$0x0] =	vst.idx.msk $0xf, v3  }
0x4a0: {  	v4 =	vmov s12;
	s12 =	sadd.s32 $0x1, s12;
	v3 =	vld [tilespmem:s10+$0xFFFFFFF0]  }
0x4a1: {  	v4 =	vmul.u32 $0x18, v4;
	_ =	sdelay $0x1  }
0x4a2: {  	v2 =	vadd.s32 v2, v4  }
0x4a3: {  	s11 =	sadd.s32 $0x18, s11;
	v2 =	vbroadcast v2, $0x0  }
0x4a4: {  	s9 =	sadd.s32 $0x1, s9;
	[tilespmem:s11+$0x0] =	vst v3  }
0x4a5: {  	p0 =	sne.s32 s9, $0x20;
	v3 =	vld [tilespmem:s10+$0x0];
	v2 =	vadd.s32 v1, v2  }
.Ltmp47:
0x4a6: {  	_ = 	snop;
	(pc) =	sbr.rel @p0 .LBB2_94-.Ltmp47, $2  }
0x4a7: {  	_ =	sdelay $0x2  }
0x4a8: {  	s7 =	sadd.s32 $0x2D0, s7;
	s8 =	sadd.s32 $0x3C0, s8;
	[tilespmem:v2+s0+$0x0] =	vst.idx.msk $0xf, v3  }
0x4a9: {  	[hbm4b:s20+s2] =	stream.linear.scatter [tilespmem:s0], [sflag:$0x4], $0x5A00, $0x38;
	[tilespmem:$0x1EB80] =	vst v63  }
0x4aa: {  	s5 =	sadd.s32 $0x1, s5  }
0x4ab: {  	_ =	swait.ge [sflag:s4], $0x5A00;
	p0 =	sne.s32 s5, s21  }
.Ltmp48:
0x4ac: {  	[sflag:s4] =	ssyncset.done $0x0;
	(pc) =	sbr.rel @p0 .LBB2_1-.Ltmp48, $4  }
0x4ad: {  	[sflag:s4] =	ssyncadd.s32 $0xFFFFA600  }
0x4ae: {  	_ =	swait.ge [sflag:s1], $0x5A00  }
0x4af: {  	[sflag:s1] =	ssyncset.done $0x0  }
0x4b0: {  	[sflag:s1] =	ssyncadd.s32 $0xFFFFA600  }
0x4b1: {  	_ =	sfence.sel $0x180000  }
0x4b2: {  	[bflag:$0x0] =	sbarrier.arrive $0xFFFF  }
0x4b3: {  	_ =	strace $0x90000047  }
0x4b4: {  	s0 =	stileid.u32;
	[bflag:$0x2] =	sbarrier.arrive $0xFFFF  }
0x4b5: {  	p0 =	sne.s32 s0, $0x0;
	s0 =	rddreg [dreg:$0x2]  }
0x4b6: {  	s0 =	sadd.s32 @!p0 $0x100000, s0  }
0x4b7: {  	[sflag:s0] =	ssyncadd.tile.s32 @!p0 $0x1;
	_ =	shalt  }
.Lfunc_end2:
_tile_overlayer_lowered:
.L_overlay_start_2:
0x4b8: {  	(tag) =	ssettag $0x2  }
0x4b9: {  	s0 =	rddreg [dreg:$0x0];
	s2 =	stileid.u32  }
0x4ba: {  	s1 =	rddreg [dreg:$0x1];
	p0 =	sne.s32 s2, $0x0  }
0x4bb: {  	s3 =	rddreg [dreg:$0x2];
	[bflag:$0x3] =	sbarrier.arrive $0xFFFF;
	s2 =	simm.s32 @!p0 $0x1C05  }
0x4bc: {  	[timem:s3], [sflag:s2] =	dma.local @!p0 [hbm:s0], s1  }
0x4bd: {  	s0 =	simm.s32 @!p0 $0x5  }
0x4be: {  	_ =	swait.ge @!p0 [sflag:s0], s1  }
0x4bf: {  	s1 =	ssub.s32 @!p0 $0x0, s1;
	[sflag:s0] =	ssyncset.done @!p0 $0x0  }
0x4c0: {  	[sflag:s0] =	ssyncadd.s32 @!p0 s1  }
0x4c1: {  	[bflag:$0x3] =	sbarrier.arrive $0xFFFF  }
0x4c2: {  	_ =	shalt  }

// kernel: sparse-core-data-format-call.cloned.1.call-start
scs
called_computation_lowered:
.L_overlay_start_0:
0x0: {  	s2 =	sld [smem:$0x3FD9]  }
0x1: {  	s3 =	sld [smem:$0x3FFE];
	_ =	sdelay $0x1  }
0x2: {  	s1 =	srdreg.scid  }
0x3: {  	s0 =	sand.u32 $0x1, s1  }
0x4: {  	s18 =	sshll.u32 s0, $0xA;
	s2 =	sadd.s32 s3, s2  }
0x5: {  	s2 =	sadd.s32 s2, s18  }
0x6: {  	[smem:$0x3FC6] =	sst s2  }
0x7: {  	_ = 	snop  }
0x8: {  	s2 =	sld [smem:$0x3FD0];
	(tm) =	ssettm $0x1  }
0x9: {  	s19 =	sld [smem:$0x3FFB];
	_ =	sdelay $0x3  }
0xa: {  	_ =	strace s19  }
0xb: {  	s3 =	sld [smem:$0x3FFC];
	_ =	sdelay $0x3  }
0xc: {  	_ =	strace s3  }
0xd: {  	s3 =	sld [smem:$0x3FFD];
	_ =	sdelay $0x3  }
0xe: {  	_ =	strace s3  }
0xf: {  	_ =	strace $0x8FFFFFFF  }
0x10: {  	s20 =	sld [smem:$0x3FDB];
	_ =	sdelay $0x1  }
0x11: {  	s4 =	simm.s32 $_scs_section_size  }
0x12: {  	s5 =	simm.s32 $_size__tile_overlayer_lowered;
	s6 =	simm.s32 $_tile_overlayer_lowered  }
0x13: {  	s23 =	simm.s32 $0x1BFF;
	s22 =	sshll.u32 s6, $0x1;
	s3 =	sadd.s32 s4, s20  }
0x14: {  	s7 =	simm.s32 $0x0;
	s21 =	sshll.u32 s5, $0x1;
	s5 =	sadd.s32 s22, s3  }
0x15: {  	[timem:s7], [sflag:s23] =	dma.local [hbm:s5], s21  }
0x16: {  	_ =	swait.ge [sflag:s23], s21  }
0x17: {  	s4 =	ssub.s32 $0x0, s21;
	[sflag:s23] =	ssyncset.done $0x0  }
0x18: {  	[sflag:s23] =	ssyncadd.s32 s4;
	_ =	sdelay $0x1  }
0x19: {  	s24 =	simm.s32 $0x1B8B  }
0x1a: {  	_ =	swait.ge [sflag:s24], $0x1  }
0x1b: {  	[sflag:s24] =	ssyncset.done $0x0  }
0x1c: {  	s26 =	simm.s32 $0x1B8E;
	s25 =	sld [smem:$0x3FFE];
	[sflag:s24] =	ssyncadd.s32 $0xFFFFFFFF  }
0x1d: {  	s27 =	simm.s32 $execute0_lowered;
	[smem:$0x3FD2] =	sst s26  }
0x1e: {  	s5 =	sshll.u32 s27, $0x1;
	_ =	strace $0x80000049;
	[dreg:$0x1] =	wrdreg $0xFFFFFFFF  }
0x1f: {  	s28 =	simm.s32 $_size_execute0_lowered;
	s3 =	sadd.s32 s3, s5;
	[dreg:$0x0] =	wrdreg $0x0  }
0x20: {  	s5 =	sshll.u32 s28, $0x1;
	[dreg:$0x2] =	wrdreg s3  }
0x21: {  	[dreg:$0x3] =	wrdreg s5  }
0x22: {  	[dreg:$0x4] =	wrdreg $0xC0  }
0x23: {  	_ =	task [dreg:s7], $0x5FFFF  }
0x24: {  	[dreg:$0x1] =	wrdreg $0xFFFFFFFF  }
0x25: {  	[dreg:$0x0] =	wrdreg $0x60  }
0x26: {  	[dreg:$0x2] =	wrdreg s25  }
0x27: {  	[dreg:$0x3] =	wrdreg s2  }
0x28: {  	[dreg:$0x4] =	wrdreg $0x9  }
0x29: {  	_ =	task.clear_ibuf [dreg:s7], $0x5FFFF;
	_ =	strace $0x90000049  }
0x2a: {  	s29 =	simm.s32 $0x9;
	_ =	strace $0x8000004B  }
0x2b: {  	_ =	swait.ge [sflag:s29], $0x1  }
0x2c: {  	[sflag:s29] =	ssyncadd.s32 $0xFFFFFFFF  }
0x2d: {  	_ =	strace $0x9000004B  }
0x2e: {  	_ =	sfence  }
0x2f: {  	s30 =	sld [smem:$0x0];
	_ =	sdelay $0x2  }
0x30: {  	s31 =	sshll.u32 s1, $0xD;
	s1 =	sshrl.u32 s1, $0x2  }
0x31: {  	s3 =	sand.u32 $0x4000, s31;
	s1 =	sadd.s32 s1, s30  }
0x32: {  	s0 =	sor.u32 s3, s0;
	s1 =	sshll.u32 s1, $0x11  }
0x33: {  	s0 =	sor.u32 s1, s0  }
0x34: {  	s0 =	sadd.s32 $0x8F2B, s0  }
0x35: {  	[sflag:s0] =	ssyncadd.remote.s32 $0x1  }
0x36: {  	_ =	sfence.sel $0xFFFF  }
0x37: {  	[dreg:$0x0] =	wrdreg $0xFFFFFFFF;
	(pc) =	sbr.abs _section_cstart, $3  }
0x38: {  	[dreg:$0x1] =	wrdreg $0xFFFFFFFF  }
0x39: {  	_ =	task.clear_ibuf [dreg:s7], $0x2FFFF;
	_ =	strace $0x9FFFFFFF  }
0x3a: {  	(tm) =	ssettm $0x7FFFFFFF  }
0x3b: {  	_ =	shalt  }
tec
execute0_lowered:
.L_overlay_start_1:
0x0: {  	(tag) =	ssettag $0x1  }
0x1: {  	s0 =	srdreg.scid;
	s6 =	rddreg [dreg:$0x0]  }
0x2: {  	s3 =	rddreg [dreg:$0x1];
	s1 =	sshll.u32 s0, $0x4  }
0x3: {  	s5 =	simm.s32 $0x1;
	s0 =	stileid.u32;
	s1 =	sand.u32 $0x10, s1  }
0x4: {  	s31 =	simm.s32 $0x2;
	s18 =	simm.s32 $0x0;
	s1 =	sor.u32 s0, s1  }
0x5: {  	s8 =	simm.s32 $0x80000;
	s17 =	simm.s32 $0x0;
	s2 =	sshll.u32 s1, $0x7  }
0x6: {  	s16 =	simm.s32 $0x0;
	s9 =	simm.s32 $0x0;
	s4 =	ssub.s32 $0x4000, s2  }
0x7: {  	s10 =	simm.s32 $0x0;
	s11 =	simm.s32 $0x0;
	s30 =	sand.u32 $0xF80, s4  }
0x8: {  	s12 =	simm.s32 $0x0;
	s13 =	simm.s32 $0x0;
	p0 =	sne.s32 s30, $0x0  }
.Ltmp0:
0x9: {  	s7 =	sshrl.u32 s4, $0xC;
	s5 =	simm.s32 @!p0 $0x0;
	(pc) =	sbr.rel .LBB1_1-.Ltmp0, $4  }
0xa: {  	s15 =	simm.s32 $0x0;
	s1 =	rddreg [dreg:$0x2];
	s5 =	sadd.s32 s5, s7  }
0xb: {  	_ =	strace $0x8000004A;
	s4 =	simm.s32 $0x1;
	s5 =	smul.u32 $0x5A, s5  }
0xc: {  	s6 =	sadd.s32 $0x539400, s6;
	s14 =	smov.u32 s2;
	[sflag:s4] =	ssyncpa.u1 $0x0  }
0xd: {  	[sflag:s31] =	ssyncpa.u1 $0x0;
	p0 =	por $0x0, $0x0;
	s7 =	sor.u32 $0x1, s5  }
.LBB1_4:
0xe: {  	s21 =	sshll.u32 s11, $0x3;
	s22 =	sand.u32 $0x78, s11;
	p1 =	sgt.s32 s10, $0x1F  }
0xf: {  	s24 =	sshra.s32 s10, $0x1F;
	p2 =	sgt.s32 s9, $0xC;
	s25 =	sshra.s32 s11, $0x1F  }
0x10: {  	s27 =	sshra.s32 s9, $0x1F;
	s30 =	sshll.u32 s10, $0xE;
	s23 =	sand.u32 $0x3C00, s21  }
0x11: {  	s31 =	sshll.u32 s10, $0x7;
	s22 =	sor.u32 s22, s23;
	s23 =	smov.u32 s10  }
0x12: {  	s24 =	sand.u32 s24, s10;
	s25 =	sand.u32 s25, s11;
	s23 =	simm.s32 @!p1 $0x1F  }
0x13: {  	p1 =	sgt.s32 s11, $0x3F80;
	s23 =	ssub.s32 s23, s24;
	s24 =	smov.u32 s11  }
0x14: {  	s21 =	sand.u32 $0x7FC00, s21;
	s26 =	sadd.s32 $0xFFFFFFE1, s23;
	s24 =	simm.s32 @!p1 $0x3F80  }
0x15: {  	s23 =	ssub.s32 $0x20, s23;
	p1 =	sgt.s32 s26, $0x0;
	s26 =	smov.u32 s9  }
0x16: {  	s24 =	ssub.s32 s24, s25;
	s25 =	sand.u32 s27, s9;
	s27 =	sshll.u32 s9, $0x10  }
0x17: {  	s26 =	simm.s32 @!p2 $0xC;
	s23 =	simm.s32 @p1 $0x0;
	s28 =	sadd.s32 $0xFFFFC080, s24  }
0x18: {  	s24 =	ssub.s32 $0x4000, s24;
	s25 =	ssub.s32 s26, s25;
	p1 =	sgt.s32 s28, $0x7F  }
0x19: {  	s26 =	sand.u32 $0x60000, s30;
	s28 =	sand.u32 $0x7, s11;
	s29 =	sadd.s32 $0xFFFFFFF4, s25  }
0x1a: {  	s24 =	simm.s32 @p1 $0x0;
	s25 =	ssub.s32 $0x14, s25;
	s21 =	sadd.s32 s21, s26  }
0x1b: {  	p1 =	sgt.s32 s29, $0x7;
	s23 =	smul.u32 s24, s23;
	s24 =	sand.u32 $0x380, s31  }
0x1c: {  	s21 =	sshrl.u32 s21, $0x3;
	s22 =	sor.u32 s24, s22;
	s25 =	simm.s32 @p1 $0x0  }
0x1d: {  	s21 =	sand.u32 $0xF800, s21;
	s24 =	sadd.s32 s3, s27;
	s23 =	smul.u32 s25, s23  }
0x1e: {  	s29 =	sshll.u32 s28, $0x12;
	s22 =	sshrl.u32 s22, $0x3;
	s21 =	sadd.s32 s21, s24  }
0x1f: {  	[tilespmem:s20+$0x0 ss:$0x81] =	vst.msk $0xff, v0;
	s31 =	sor.u32 $0x80, s29;
	s21 =	sadd.s32 s22, s21;
	s30 =	sand.u32 $0x3FFFFFFF, s23  }
0x20: {  	[hbm4b:s21+s31] =	stream.strided.scatter [tilespmem:s19], [sflag:$0x2], s30, s8, s31, $0x20;
	[tilespmem:$0x1010] =	vst v63  }
.LBB1_5:
0x21: {  	p1 =	slt.u32 s15, $0x2  }
0x22: {  	p2 =	sgt.s32 @!p1 s18, $0xC  }
0x23: {  	s19 =	smov.u32 s18;
	s20 =	sshra.s32 @!p1 s18, $0x1F;
	p2 =	por !p2, p1  }
0x24: {  	s18 =	sand.u32 @!p1 s20, s18;
	s19 =	simm.s32 @p2 $0xC  }
0x25: {  	s20 =	sshra.s32 @!p1 s17, $0x1F;
	p2 =	sgt.s32 @!p1 s17, $0x1F;
	s18 =	ssub.s32 @!p1 s19, s18  }
0x26: {  	p2 =	por !p2, p1;
	s19 =	smov.u32 s17;
	s17 =	sand.u32 @!p1 s20, s17  }
0x27: {  	s20 =	sshra.s32 @!p1 s16, $0x1F;
	s19 =	simm.s32 @p2 $0x1F;
	p2 =	sgt.s32 @!p1 s16, $0x3F80  }
0x28: {  	s17 =	ssub.s32 @!p1 s19, s17;
	p2 =	por !p2, p1;
	s19 =	smov.u32 s16  }
0x29: {  	s16 =	sand.u32 @!p1 s20, s16;
	s20 =	sadd.s32 @!p1 $0xFFFFFFE1, s17;
	s19 =	simm.s32 @p2 $0x3F80  }
0x2a: {  	p2 =	sgt.s32 @!p1 s20, $0x0;
	s16 =	ssub.s32 @!p1 s19, s16  }
0x2b: {  	s17 =	ssub.s32 @!p1 $0x20, s17;
	p2 =	por !p2, p1;
	s19 =	sadd.s32 @!p1 $0xFFFFC080, s16  }
0x2c: {  	s17 =	simm.s32 @!p2 $0x0;
	p2 =	sgt.s32 @!p1 s19, $0x7F  }
0x2d: {  	s21 =	smov.u32 s14;
	s16 =	ssub.s32 @!p1 $0x4000, s16;
	p2 =	por !p2, p1  }
0x2e: {  	s20 =	sadd.s32 @!p1 $0xFFFFFFF4, s18;
	s19 =	sadd.s32 $0x8, s12;
	s16 =	simm.s32 @!p2 $0x0  }
0x2f: {  	p2 =	sgt.s32 s19, $0x13;
	s16 =	smul.u32 @!p1 s16, s17;
	s17 =	simm.s32 $0x1  }
0x30: {  	p0 =	por !p0, !p0;
	p3 =	sgt.s32 @!p1 s20, $0x7;
	s17 =	simm.s32 @!p2 $0x0  }
0x31: {  	s18 =	ssub.s32 @!p1 $0x14, s18;
	p3 =	por !p3, p1;
	s20 =	sadd.s32 s17, s13  }
0x32: {  	s18 =	simm.s32 @!p3 $0x0;
	s17 =	sadd.s32 $0x1000, s14;
	p3 =	sgt.s32 s20, $0x1D  }
0x33: {  	s22 =	simm.s32 @!p1 $0x2;
	s19 =	simm.s32 @p2 $0x0;
	s21 =	smov.u32 @p3 s17  }
0x34: {  	s16 =	smul.u32 @!p1 s18, s16;
	s18 =	smov.u32 s9;
	p2 =	sgt.s32 s21, $0x3FFF  }
0x35: {  	s9 =	smov.u32 s12;
	s21 =	smov.u32 @p2 s2;
	p2 =	sne.s32 s15, s7  }
.Ltmp1:
0x36: {  	s12 =	smov.u32 s19;
	s16 =	sand.u32 @!p1 $0x3FFFFFFF, s16;
	(pc) =	sbr.rel @!p2 .LBB1_6-.Ltmp1, $4  }
0x37: {  	s20 =	simm.s32 @p3 $0x0;
	s17 =	smov.u32 s10;
	s10 =	smov.u32 s13  }
0x38: {  	_ =	swait.ge @!p1 [sflag:s22], s16;
	s23 =	ssub.s32 @!p1 $0x0, s16;
	s16 =	smov.u32 s11  }
0x39: {  	s11 =	smov.u32 s14;
	s13 =	smov.u32 s20;
	[sflag:s22] =	ssyncset.done @!p1 $0x0  }
0x3a: {  	s15 =	sadd.s32 $0x1, s15;
	[sflag:s22] =	ssyncadd.s32 @!p1 s23;
	s14 =	smov.u32 s21  }
.LBB1_1:
0x3b: {  	p1 =	sge.u32 s15, s5  }
0x3c: {  	s19 =	sshll.u32 @!p1 s13, $0x7;
	s20 =	sshll.u32 @!p1 s12, $0x3  }
0x3d: {  	s31 =	sadd.s32 $0xFFFFFFFF, s15;
	s21 =	sand.u32 @!p1 $0xC00, s19;
	s20 =	sand.u32 @!p1 $0xC00, s20  }
0x3e: {  	s22 =	sxor.u32 @!p1 $0xFFFFFFFF, s15;
	s19 =	sand.u32 @!p1 $0x380, s19;
	s20 =	sadd.s32 @!p1 s21, s20  }
0x3f: {  	s21 =	sshrl.u32 @!p1 s12, $0x3;
	s19 =	sor.u32 @!p1 s19, s20;
	s20 =	sshll.u32 @!p1 s14, $0x9  }
0x40: {  	s22 =	sshll.u32 @!p1 s22, $0xA;
	s21 =	sand.u32 @!p1 $0xF, s21;
	s20 =	sadd.s32 @!p1 s6, s20  }
0x41: {  	s19 =	sshrl.u32 @!p1 s19, $0x3;
	s20 =	sadd.s32 @!p1 s21, s20;
	s21 =	sand.u32 @!p1 $0x7, s12  }
0x42: {  	s22 =	sand.u32 @!p1 $0x400, s22;
	s19 =	sand.u32 @!p1 $0x1F0, s19;
	s21 =	sshll.u32 @!p1 s21, $0x12  }
0x43: {  	s19 =	sadd.s32 @!p1 s19, s20;
	s20 =	sor.u32 @!p1 $0x8, s21;
	s21 =	simm.s32 @!p1 $0x1000  }
0x44: {  	[tilespmem:s22], [sflag:$0x1] =	stream.strided.gather @!p1 [hbm4b:s19+s20], $0x400, s21, s20, $0x38;
	[tilespmem:$0x1010] =	vst v63  }
0x45: {  	p1 =	sge.u32 s31, s5  }
.Ltmp2:
0x46: {  	_ = 	snop;
	(pc) =	sbr.rel @p1 .LBB1_5-.Ltmp2, $1  }
0x47: {  	_ =	sdelay $0x3  }
0x48: {  	s19 =	simm.s32 $0x1  }
0x49: {  	s19 =	simm.s32 @!p0 $0x0  }
0x4a: {  	s20 =	sshll.u32 s19, $0xA  }
0x4b: {  	v1 =	vmov s20;
	_ =	sdelay $0x1  }
0x4c: {  	_ =	swait.ge [sflag:s4], $0x400  }
0x4d: {  	s31 =	sand.u32 $0x1, s15;
	[sflag:s4] =	ssyncset.done $0x0  }
0x4e: {  	s22 =	simm.s32 $0x0;
	s19 =	smul.u32 $0x1020, s19;
	[sflag:s4] =	ssyncadd.s32 $0xFFFFFC00  }
0x4f: {  	s20 =	smul.u32 $0x1020, s31;
	v0 =	vld.idx.msk [tilespmem:v1+s22+$0x0 ss:$0x1], $0xff;
	_ =	sdelay $0x1  }
0x50: {  	s19 =	sshrl.u32 s19, $0x2;
	s21 =	sshrl.u32 s20, $0x2  }
0x51: {  	s20 =	sor.u32 $0x800, s19;
	s19 =	sor.u32 $0x800, s21;
	s21 =	simm.s32 $0x20  }
.LBB1_3:
0x52: {  	s22 =	sshra.s32 s21, $0x2;
	p1 =	sne.s32 s21, $0xFE0;
	s21 =	sadd.s32 $0x20, s21  }
.Ltmp3:
0x53: {  	[tilespmem:s20+$0x0 ss:$0x81] =	vst.msk $0xff, v0;
	v0 =	vld.idx.msk [tilespmem:v1+s22+$0x0 ss:$0x1], $0xff;
	(pc) =	sbr.rel @p1 .LBB1_3-.Ltmp3, $2  }
0x54: {  	_ =	sdelay $0x2  }
0x55: {  	s20 =	sadd.s32 $0x1, s20  }
.Ltmp4:
0x56: {  	_ = 	snop;
	(pc) =	sbr.rel .LBB1_4-.Ltmp4, $1  }
0x57: {  	_ =	sdelay $0x3  }
.LBB1_6:
0x58: {  	_ =	sfence.sel $0x180000  }
0x59: {  	s2 =	simm.s32 $0x1;
	[bflag:$0x0] =	sbarrier.arrive $0xFFFF  }
0x5a: {  	s31 =	simm.s32 $0x2;
	[sflag:s2] =	ssyncpa.u1 $0x1  }
0x5b: {  	[sflag:s31] =	ssyncpa.u1 $0x1  }
0x5c: {  	p0 =	sne.s32 s0, $0x0;
	_ =	strace $0x9000004A  }
0x5d: {  	s0 =	sadd.s32 @!p0 $0x100000, s1;
	[bflag:$0x2] =	sbarrier.arrive $0xFFFF  }
0x5e: {  	[sflag:s0] =	ssyncadd.tile.s32 @!p0 $0x1;
	_ =	shalt  }
.Lfunc_end1:
_tile_overlayer_lowered:
.L_overlay_start_2:
0x5f: {  	(tag) =	ssettag $0x2  }
0x60: {  	s0 =	rddreg [dreg:$0x0];
	s2 =	stileid.u32  }
0x61: {  	s1 =	rddreg [dreg:$0x1];
	p0 =	sne.s32 s2, $0x0  }
0x62: {  	s3 =	rddreg [dreg:$0x2];
	[bflag:$0x3] =	sbarrier.arrive $0xFFFF;
	s2 =	simm.s32 @!p0 $0x1C01  }
0x63: {  	[timem:s3], [sflag:s2] =	dma.local @!p0 [hbm:s0], s1  }
0x64: {  	s0 =	simm.s32 @!p0 $0x1  }
0x65: {  	_ =	swait.ge @!p0 [sflag:s0], s1  }
0x66: {  	s1 =	ssub.s32 @!p0 $0x0, s1;
	[sflag:s0] =	ssyncset.done @!p0 $0x0  }
0x67: {  	[sflag:s0] =	ssyncadd.s32 @!p0 s1  }
0x68: {  	[bflag:$0x3] =	sbarrier.arrive $0xFFFF  }
0x69: {  	_ =	shalt  }

</sc_bundles>
